<compile_context>
chip_gen: v7x
topology: tpu7x:2x2x1
jax: 0.10.2.dev20260603
libtpu: 0.0.44.dev20260713+nightly
codegen_flags: <defaults>
</compile_context>

<pallas_src>
import functools

import jax
import jax.numpy as jnp
from jax import lax
from jax.experimental import pallas as pl
from jax.experimental.pallas import tpu as pltpu
from jax.experimental.pallas import tpu_sc as plsc

N_NODES = 10000
N_PAD = 10240
N_EDGES = 320000
D = 128
N_GRAPHS = 64
N_CLASSES = 80

NC, NS = 2, 16
NW = NC * NS
EPW = N_EDGES // NW
K = 80
NCHUNK = EPW // K
RPS = N_PAD // NS
BATW = 16

RB = 5120
GRID = N_PAD // RB


def _deg_body(dst_hbm, out_hbm, didx, rows, acc):
    c = lax.axis_index("c")
    s = lax.axis_index("s")
    wid = c * NS + s

    def fill(i, _):
        r = i // 8
        col = i % 8
        rows[r, pl.ds(col * 16, 16)] = jnp.zeros((16,), jnp.float32)
        return 0
    lax.fori_loop(0, K * 8, fill, 0)

    def zstripe(j, _):
        pltpu.sync_copy(rows, acc.at[pl.ds(s * RPS + j * K, K)])
        return 0
    lax.fori_loop(0, RPS // K, zstripe, 0)
    plsc.subcore_barrier()

    def fill1(i, _):
        r = i // 8
        col = i % 8
        rows[r, pl.ds(col * 16, 16)] = jnp.full((16,), 1.0, jnp.float32)
        return 0
    lax.fori_loop(0, K * 8, fill1, 0)
    pltpu.sync_copy(dst_hbm.at[wid], didx)

    def chunk(j, _):
        pltpu.sync_copy(rows, acc.at[didx.at[j]], add=True)
        return 0
    lax.fori_loop(0, NCHUNK, chunk, 0)
    plsc.subcore_barrier()

    pltpu.sync_copy(acc.at[pl.ds(s * RPS, RPS)],
                    out_hbm.at[c, pl.ds(s * RPS, RPS)])


@functools.lru_cache(maxsize=None)
def _deg_call_fn():
    mesh = plsc.VectorSubcoreMesh(
        core_axis_name="c", subcore_axis_name="s",
        num_cores=NC, num_subcores=NS)
    return pl.kernel(
        _deg_body,
        out_type=jax.ShapeDtypeStruct((NC, N_PAD, D), jnp.float32),
        mesh=mesh,
        scratch_types=[
            pltpu.VMEM((NCHUNK, K), jnp.int32),
            pltpu.VMEM((K, D), jnp.float32),
            pltpu.VMEM_SHARED((N_PAD, D), jnp.float32),
        ],
    )


def _deg_call(dst):
    dst3 = dst.reshape(NW, NCHUNK, K)
    return _deg_call_fn()(dst3)


def _scat_body(y_hbm, src3_hbm, dst3_hbm, out_hbm,
               sidx, didxa, didxb, rows0, rows1, acc, sem0, sem1, dsem):
    c = lax.axis_index("c")
    s = lax.axis_index("s")
    wid = c * NS + s

    def fill(i, _):
        r = i // 8
        col = i % 8
        rows0[r, pl.ds(col * 16, 16)] = jnp.zeros((16,), jnp.float32)
        return 0
    lax.fori_loop(0, K * 8, fill, 0)

    def zstripe(j, _):
        pltpu.sync_copy(rows0, acc.at[pl.ds(s * RPS + j * K, K)])
        return 0
    lax.fori_loop(0, RPS // K, zstripe, 0)

    pltpu.sync_copy(src3_hbm.at[wid], sidx)
    plsc.subcore_barrier()

    def g_start(j, rbuf, sem):
        pltpu.async_copy(y_hbm.at[sidx.at[j]], rbuf, sem)

    def g_wait(j, rbuf, sem):
        pltpu.make_async_copy(y_hbm.at[sidx.at[j]], rbuf, sem).wait()

    def d_start(j, dbuf):
        pltpu.async_copy(dst3_hbm.at[wid, pl.ds(j, 2)], dbuf, dsem)

    def d_wait(j, dbuf):
        pltpu.make_async_copy(dst3_hbm.at[wid, pl.ds(j, 2)], dbuf,
                              dsem).wait()

    pltpu.sync_copy(dst3_hbm.at[wid, pl.ds(0, 2)], didxa)
    d_start(2, didxb)
    g_start(0, rows0, sem0)

    def quad(q, _):
        j = q * 4
        g_start(j + 1, rows1, sem1)
        g_wait(j, rows0, sem0)
        pltpu.sync_copy(rows0, acc.at[didxa.at[0]], add=True)
        g_start(j + 2, rows0, sem0)
        g_wait(j + 1, rows1, sem1)
        pltpu.sync_copy(rows1, acc.at[didxa.at[1]], add=True)
        g_start(j + 3, rows1, sem1)
        d_wait(j + 2, didxb)
        d_start(j + 4, didxa)
        g_wait(j + 2, rows0, sem0)
        pltpu.sync_copy(rows0, acc.at[didxb.at[0]], add=True)

        @pl.when(j + 4 < NCHUNK)
        def _():
            g_start(j + 4, rows0, sem0)
        g_wait(j + 3, rows1, sem1)
        pltpu.sync_copy(rows1, acc.at[didxb.at[1]], add=True)

        @pl.when(j + 5 < NCHUNK)
        def _():
            g_start(j + 5, rows1, sem1)
        d_wait(j + 4, didxa)
        d_start(j + 6, didxb)
        return 0
    lax.fori_loop(0, NCHUNK // 4, quad, 0)

    g_wait(NCHUNK - 1, rows0, sem0)
    pltpu.sync_copy(rows0, acc.at[didxa.at[0]], add=True)
    pltpu.make_async_copy(dst3_hbm.at[wid, pl.ds(0, 2)], didxb, dsem).wait()
    plsc.subcore_barrier()

    pltpu.sync_copy(acc.at[pl.ds(s * RPS, RPS)],
                    out_hbm.at[c, pl.ds(s * RPS, RPS)])


@functools.lru_cache(maxsize=None)
def _scat_call_fn():
    mesh = plsc.VectorSubcoreMesh(
        core_axis_name="c", subcore_axis_name="s",
        num_cores=NC, num_subcores=NS)
    return pl.kernel(
        _scat_body,
        out_type=jax.ShapeDtypeStruct((NC, N_PAD, D), jnp.float32),
        mesh=mesh,
        scratch_types=[
            pltpu.VMEM((NCHUNK, K), jnp.int32),
            pltpu.VMEM((2, K), jnp.int32),
            pltpu.VMEM((2, K), jnp.int32),
            pltpu.VMEM((K, D), jnp.float32),
            pltpu.VMEM((K, D), jnp.float32),
            pltpu.VMEM_SHARED((N_PAD, D), jnp.float32),
            pltpu.SemaphoreType.DMA,
            pltpu.SemaphoreType.DMA,
            pltpu.SemaphoreType.DMA,
        ],
    )


def _scat_call(y, src, dst):
    src3 = src.reshape(NW, NCHUNK, K)
    dst3 = jnp.pad(dst.reshape(NW, NCHUNK, K), ((0, 0), (0, 3), (0, 0)))
    return _scat_call_fn()(y, src3, dst3)



def _prep_body(x_ref, deg_ref, w_ref, y_ref, dinv_ref):
    deg = 1.0 + deg_ref[0, :, 0:1] + deg_ref[1, :, 0:1]
    dinv = lax.rsqrt(deg)
    dinv_ref[...] = jnp.broadcast_to(dinv, dinv_ref.shape)
    y_ref[...] = jnp.dot(x_ref[...] * dinv, w_ref[...],
                         preferred_element_type=jnp.float32)


_prep_call = pl.pallas_call(
    _prep_body,
    grid=(GRID,),
    in_specs=[
        pl.BlockSpec((RB, D), lambda i: (i, 0)),
        pl.BlockSpec((NC, RB, D), lambda i: (0, i, 0)),
        pl.BlockSpec((D, D), lambda i: (0, 0)),
    ],
    out_specs=[
        pl.BlockSpec((RB, D), lambda i: (i, 0)),
        pl.BlockSpec((RB, BATW), lambda i: (i, 0)),
    ],
    out_shape=[
        jax.ShapeDtypeStruct((N_PAD, D), jnp.float32),
        jax.ShapeDtypeStruct((N_PAD, BATW), jnp.float32),
    ],
)


def _mid_body(z_ref, y_ref, dinv_ref, b_ref, w_ref, y2_ref):
    dinv = dinv_ref[:, 0:1]
    h = jnp.maximum(dinv * (z_ref[0] + z_ref[1] + y_ref[...]) + b_ref[...],
                    0.0)
    y2_ref[...] = jnp.dot(h * dinv, w_ref[...],
                          preferred_element_type=jnp.float32)


_mid_call = pl.pallas_call(
    _mid_body,
    grid=(GRID,),
    in_specs=[
        pl.BlockSpec((NC, RB, D), lambda i: (0, i, 0)),
        pl.BlockSpec((RB, D), lambda i: (i, 0)),
        pl.BlockSpec((RB, BATW), lambda i: (i, 0)),
        pl.BlockSpec((1, D), lambda i: (0, 0)),
        pl.BlockSpec((D, D), lambda i: (0, 0)),
    ],
    out_specs=pl.BlockSpec((RB, D), lambda i: (i, 0)),
    out_shape=jax.ShapeDtypeStruct((N_PAD, D), jnp.float32),
)


def _final_body(z_ref, y_ref, dinv_ref, b_ref, bat_ref, gx_ref,
                wf1_ref, bf1_ref, wf2_ref, bf2_ref, out_ref,
                sums_ref, cnts_ref):
    i = pl.program_id(0)
    dinv = dinv_ref[:, 0:1]
    h = jnp.maximum(dinv * (z_ref[0] + z_ref[1] + y_ref[...]) + b_ref[...],
                    0.0)
    gids = lax.broadcasted_iota(jnp.int32, (RB, N_GRAPHS), 1)
    onehot = (bat_ref[:, 0:1] == gids).astype(jnp.float32)

    dn = (((0,), (0,)), ((), ()))
    psum = lax.dot_general(onehot, h, dn,
                           preferred_element_type=jnp.float32)
    pcnt = lax.dot_general(onehot, jnp.ones((RB, 1), jnp.float32), dn,
                           preferred_element_type=jnp.float32)

    @pl.when(i == 0)
    def _():
        sums_ref[...] = jnp.zeros_like(sums_ref)
        cnts_ref[...] = jnp.zeros_like(cnts_ref)

    sums_ref[...] += psum
    cnts_ref[...] += pcnt

    @pl.when(i == GRID - 1)
    def _():
        mean = sums_ref[...] / jnp.maximum(cnts_ref[...], 1.0)
        comb = jnp.concatenate([gx_ref[...], mean], axis=1)
        hid = jnp.maximum(
            jnp.dot(comb, wf1_ref[...], preferred_element_type=jnp.float32)
            + bf1_ref[...], 0.0)
        out_ref[...] = (
            jnp.dot(hid, wf2_ref[...], preferred_element_type=jnp.float32)
            + bf2_ref[...])


_final_call = pl.pallas_call(
    _final_body,
    grid=(GRID,),
    in_specs=[
        pl.BlockSpec((NC, RB, D), lambda i: (0, i, 0)),
        pl.BlockSpec((RB, D), lambda i: (i, 0)),
        pl.BlockSpec((RB, BATW), lambda i: (i, 0)),
        pl.BlockSpec((1, D), lambda i: (0, 0)),
        pl.BlockSpec((RB, BATW), lambda i: (i, 0)),
        pl.BlockSpec((N_GRAPHS, D), lambda i: (0, 0)),
        pl.BlockSpec((2 * D, 1024), lambda i: (0, 0)),
        pl.BlockSpec((1, 1024), lambda i: (0, 0)),
        pl.BlockSpec((1024, N_CLASSES), lambda i: (0, 0)),
        pl.BlockSpec((1, N_CLASSES), lambda i: (0, 0)),
    ],
    out_specs=pl.BlockSpec((N_GRAPHS, N_CLASSES), lambda i: (0, 0)),
    out_shape=jax.ShapeDtypeStruct((N_GRAPHS, N_CLASSES), jnp.float32),
    scratch_shapes=[
        pltpu.VMEM((N_GRAPHS, D), jnp.float32),
        pltpu.VMEM((N_GRAPHS, 1), jnp.float32),
    ],
)


def kernel(global_x, x, edge_index, batch, W1, b1, W2, b2,
           Wf1, bf1, Wf2, bf2):
    src = edge_index[0].astype(jnp.int32)
    dst = edge_index[1].astype(jnp.int32)
    batch_p = jnp.concatenate([
        batch.astype(jnp.int32),
        jnp.full((N_PAD - N_NODES,), N_GRAPHS, jnp.int32)])
    batch16 = jnp.broadcast_to(batch_p[:, None], (N_PAD, BATW))
    x_p = jnp.pad(x, ((0, N_PAD - N_NODES), (0, 0)))

    deg_parts = _deg_call(dst)
    y1, dinv16 = _prep_call(x_p, deg_parts, W1)
    z1 = _scat_call(y1, src, dst)
    y2 = _mid_call(z1, y1, dinv16, b1.reshape(1, D), W2)
    z2 = _scat_call(y2, src, dst)
    out = _final_call(z2, y2, dinv16, b2.reshape(1, D), batch16,
                      global_x, Wf1, bf1.reshape(1, 1024), Wf2,
                      bf2.reshape(1, N_CLASSES))
    return out

# --- scband reference (transcript-rebuilt; emitter-appended) ---
"""Pipeline reference for scband-nc2-x-model-19112604467789 (READ-ONLY COPY).

The authoritative reference and input builder live on the scoring server;
editing this copy changes nothing except your own understanding.
"""

import jax, jax.numpy as jnp
import numpy as np

N_NODES = 10000
N_EDGES = 320000
D_FEAT = 128
D_HID = 128
N_GRAPHS = 64
N_CLASSES = 80


def setup_inputs(seed: int = 0) -> dict:
    key = jax.random.key(seed)
    ks = jax.random.split(key, 12)
    global_x = jax.random.normal(ks[0], (N_GRAPHS, D_FEAT), dtype=jnp.float32)
    x = jax.random.normal(ks[1], (N_NODES, D_FEAT), dtype=jnp.float32)
    edge_index = jax.random.randint(ks[2], (2, N_EDGES), 0, N_NODES, dtype=jnp.int64)
    batch = jnp.sort(jax.random.randint(ks[3], (N_NODES,), 0, N_GRAPHS, dtype=jnp.int64))
    # GCNConv weights (glorot-ish scaling)
    W1 = jax.random.normal(ks[4], (D_FEAT, D_HID), dtype=jnp.float32) * (1.0 / np.sqrt(D_FEAT))
    b1 = jnp.zeros((D_HID,), dtype=jnp.float32)
    W2 = jax.random.normal(ks[5], (D_HID, D_HID), dtype=jnp.float32) * (1.0 / np.sqrt(D_HID))
    b2 = jnp.zeros((D_HID,), dtype=jnp.float32)
    # fusion MLP: Linear(feature_dim + hidden_dim -> 1024), Linear(1024 -> num_classes)
    Wf1 = jax.random.normal(ks[6], (D_FEAT + D_HID, 1024), dtype=jnp.float32) * (1.0 / np.sqrt(D_FEAT + D_HID))
    bf1 = jnp.zeros((1024,), dtype=jnp.float32)
    Wf2 = jax.random.normal(ks[7], (1024, N_CLASSES), dtype=jnp.float32) * (1.0 / np.sqrt(1024.0))
    bf2 = jnp.zeros((N_CLASSES,), dtype=jnp.float32)
    return {"global_x": global_x, "x": x, "edge_index": edge_index, "batch": batch,
            "W1": W1, "b1": b1, "W2": W2, "b2": b2,
            "Wf1": Wf1, "bf1": bf1, "Wf2": Wf2, "bf2": bf2}


def _gcn_conv(x, src, dst, W, b, num_nodes):
    # PyG GCNConv: x' = D^{-1/2} (A + I) D^{-1/2} (X W) + b
    xw = x @ W
    loops = jnp.arange(num_nodes, dtype=src.dtype)
    src2 = jnp.concatenate([src, loops])
    dst2 = jnp.concatenate([dst, loops])
    deg = jnp.zeros((num_nodes,), dtype=x.dtype).at[dst2].add(1.0)
    dinv = jnp.where(deg > 0, jax.lax.rsqrt(deg), 0.0)
    norm = dinv[src2] * dinv[dst2]
    msg = xw[src2] * norm[:, None]
    out = jnp.zeros((num_nodes, W.shape[1]), dtype=x.dtype).at[dst2].add(msg)
    return out + b


def _global_mean_pool(x, batch, num_graphs):
    sums = jax.ops.segment_sum(x, batch, num_segments=num_graphs)
    cnts = jax.ops.segment_sum(jnp.ones((x.shape[0],), dtype=x.dtype), batch, num_segments=num_graphs)
    return sums / jnp.maximum(cnts, 1.0)[:, None]


def reference(global_x, x, edge_index, batch, W1, b1, W2, b2, Wf1, bf1, Wf2, bf2):
    src, dst = edge_index[0], edge_index[1]
    h = jax.nn.relu(_gcn_conv(x, src, dst, W1, b1, N_NODES))
    h = jax.nn.relu(_gcn_conv(h, src, dst, W2, b2, N_NODES))
    graph_features = _global_mean_pool(h, batch, N_GRAPHS)
    combined = jnp.concatenate([global_x, graph_features], axis=1)
    hid = jax.nn.relu(combined @ Wf1 + bf1)  # Dropout is identity in eval
    return hid @ Wf2 + bf2

if __name__ == "__main__":
    import jax
    _d = setup_inputs()
    print(jax.jit(kernel)(*tuple(_d.values())))

</pallas_src>

<mosaic_0001>
#map = affine_map<(d0, d1) -> (0, 0, 0)>
module attributes {stable_mosaic.version = 14 : i64} {
  func.func @_deg_body(%arg0: i32, %arg1: i32, %arg2: memref<32x125x80xi32, #tpu.memory_space<hbm>>, %arg3: memref<2x10240x128xf32, #tpu.memory_space<hbm>>, %arg4: memref<125x80xi32, #tpu.memory_space<vmem>>, %arg5: memref<80x128xf32, #tpu.memory_space<vmem>>, %arg6: memref<10240x128xf32, #tpu.memory_space<vmem_shared>>) attributes {dimension_semantics = [#tpu.dimension_semantics<core_parallel>, #tpu.dimension_semantics<subcore_parallel>], iteration_bounds = array<i64: 2, 16>, scalar_prefetch = 0 : i64, scratch_operands = 3 : i64, tpu.core_type = #tpu.core_type<sc_vector_subcore>, window_params = [{transform_indices = #map}, {transform_indices = #map}]} {
    %mul3A = arith.constant 16 : i32
    %mul3A_0 = arith.muli %arg0, %mul3A : i32
    %add3A = arith.addi %mul3A_0, %arg1 : i32
    %scan3A = arith.constant 0 : i32
    %scan3A_1 = arith.constant 0 : i32
    %scan3A_2 = arith.constant 640 : i32
    %scan3A_3 = arith.addi %scan3A_1, %scan3A_2 : i32
    %scan3A_4 = arith.constant 1 : i32
    %scan3A_5 = scf.for %scan3A_33 = %scan3A_1 to %scan3A_3 step %scan3A_4 iter_args(%scan3A_34 = %scan3A) -> (i32)  : i32 {
      %jit3A = arith.constant 8 : i32
      %div3A = arith.divsi %scan3A_33, %jit3A : i32
      %sign3A = arith.constant 0 : i32
      %sign3A_35 = arith.cmpi sgt, %scan3A_33, %sign3A : i32
      %sign3A_36 = arith.extui %sign3A_35 : i1 to i32
      %sign3A_37 = arith.constant 0 : i32
      %sign3A_38 = arith.cmpi slt, %scan3A_33, %sign3A_37 : i32
      %sign3A_39 = arith.extui %sign3A_38 : i1 to i32
      %sign3A_40 = arith.subi %sign3A_36, %sign3A_39 : i32
      %sign3A_41 = arith.constant 0 : i32
      %sign3A_42 = arith.cmpi sgt, %jit3A, %sign3A_41 : i32
      %sign3A_43 = arith.extui %sign3A_42 : i1 to i32
      %sign3A_44 = arith.constant 0 : i32
      %sign3A_45 = arith.cmpi slt, %jit3A, %sign3A_44 : i32
      %sign3A_46 = arith.extui %sign3A_45 : i1 to i32
      %sign3A_47 = arith.subi %sign3A_43, %sign3A_46 : i32
      %ne3A = arith.cmpi ne, %sign3A_40, %sign3A_47 : i32
      %rem3A = arith.remsi %scan3A_33, %jit3A : i32
      %ne3A_48 = arith.constant 0 : i32
      %ne3A_49 = arith.cmpi ne, %rem3A, %ne3A_48 : i32
      %and3A = arith.andi %ne3A, %ne3A_49 : i1
      %sub3A = arith.constant 1 : i32
      %sub3A_50 = arith.subi %div3A, %sub3A : i32
      %select_n3A = arith.select %and3A, %sub3A_50, %div3A : i32
      %jit3A_51 = arith.constant 8 : i32
      %eq3A = arith.constant 0 : i32
      %eq3A_52 = arith.cmpi eq, %jit3A_51, %eq3A : i32
      %jit3A_53 = arith.constant 1 : i32
      %select_n3A_54 = arith.select %eq3A_52, %jit3A_53, %jit3A_51 : i32
      %rem3A_55 = arith.remsi %scan3A_33, %select_n3A_54 : i32
      %ne3A_56 = arith.constant 0 : i32
      %ne3A_57 = arith.cmpi ne, %rem3A_55, %ne3A_56 : i32
      %lt3A = arith.constant 0 : i32
      %lt3A_58 = arith.cmpi slt, %rem3A_55, %lt3A : i32
      %lt3A_59 = arith.constant 0 : i32
      %lt3A_60 = arith.cmpi slt, %select_n3A_54, %lt3A_59 : i32
      %ne3A_61 = arith.xori %lt3A_58, %lt3A_60 : i1
      %and3A_62 = arith.andi %ne3A_61, %ne3A_57 : i1
      %add3A_63 = arith.addi %rem3A_55, %select_n3A_54 : i32
      %select_n3A_64 = arith.select %and3A_62, %add3A_63, %rem3A_55 : i32
      %broadcast_in_dim3A = arith.constant 0.000000e+00 : f32
      %broadcast_in_dim3A_65 = vector.broadcast %broadcast_in_dim3A : f32 to vector<16xf32>
      %mul3A_66 = arith.constant 16 : i32
      %mul3A_67 = arith.muli %select_n3A_64, %mul3A_66 : i32
      %swap3A = arith.index_cast %select_n3A : i32 to index
      %swap3A_68 = arith.index_cast %mul3A_67 : i32 to index
      %swap3A_69 = tpu.vector_load %arg5[%swap3A, %swap3A_68] {strides = array<i32>} : memref<80x128xf32, #tpu.memory_space<vmem>>, vector<1x16xf32>,
      %swap3A_70 = vector.shape_cast %swap3A_69 : vector<1x16xf32> to vector<16xf32>
      %swap3A_71 = vector.shape_cast %broadcast_in_dim3A_65 : vector<16xf32> to vector<1x16xf32>
      tpu.vector_store %arg5[%swap3A, %swap3A_68], %swap3A_71 {strides = array<i32>} : memref<80x128xf32, #tpu.memory_space<vmem>>, vector<1x16xf32>,
      %scan3A_72 = arith.constant 0 : i32
      scf.yield %scan3A_72 : i32
    }
    %scan3A_6 = arith.constant 640 : i32
    %scan3A_7 = arith.constant 0 : i32
    %scan3A_8 = arith.constant 0 : i32
    %scan3A_9 = arith.constant 8 : i32
    %scan3A_10 = arith.addi %scan3A_8, %scan3A_9 : i32
    %scan3A_11 = arith.constant 1 : i32
    %scan3A_12 = scf.for %scan3A_33 = %scan3A_8 to %scan3A_10 step %scan3A_11 iter_args(%scan3A_34 = %scan3A_7) -> (i32)  : i32 {
      %mul3A_35 = arith.constant 640 : i32
      %mul3A_36 = arith.muli %arg1, %mul3A_35 : i32
      %mul3A_37 = arith.constant 80 : i32
      %mul3A_38 = arith.muli %scan3A_33, %mul3A_37 : i32
      %add3A_39 = arith.addi %mul3A_36, %mul3A_38 : i32
      "tpu.region"() ({
        %run_scoped3A = tpu.sem_alloc : memref<!tpu.dma_semaphore, #tpu.memory_space<semaphore_mem>>
        %dma_start3A = arith.constant 0 : i32
        %dma_start3A_41 = tpu.memref_slice %arg6[%add3A_39, %dma_start3A] : memref<10240x128xf32, #tpu.memory_space<vmem_shared>> -> memref<80x128xf32, #tpu.memory_space<vmem_shared>>
        %dma_start3A_42 = arith.constant 0 : i32
        %dma_start3A_43 = tpu.memref_slice %arg6[%add3A_39, %dma_start3A_42] : memref<10240x128xf32, #tpu.memory_space<vmem_shared>> -> memref<80x128xf32, #tpu.memory_space<vmem_shared>>
        tpu.enqueue_dma source(%arg5 : memref<80x128xf32, #tpu.memory_space<vmem>>) target(%dma_start3A_43 : memref<80x128xf32, #tpu.memory_space<vmem_shared>>) target_semaphore(%run_scoped3A : memref<!tpu.dma_semaphore, #tpu.memory_space<semaphore_mem>>)
        %dma_wait3A = arith.constant 0 : i32
        %dma_wait3A_44 = tpu.memref_slice %arg6[%add3A_39, %dma_wait3A] : memref<10240x128xf32, #tpu.memory_space<vmem_shared>> -> memref<80x128xf32, #tpu.memory_space<vmem_shared>>
        %dma_wait3A_45 = arith.constant 0 : i32
        %dma_wait3A_46 = tpu.memref_slice %arg6[%add3A_39, %dma_wait3A_45] : memref<10240x128xf32, #tpu.memory_space<vmem_shared>> -> memref<80x128xf32, #tpu.memory_space<vmem_shared>>
        tpu.wait_dma2 semaphore(%run_scoped3A : memref<!tpu.dma_semaphore, #tpu.memory_space<semaphore_mem>>) src(%arg5 : memref<80x128xf32, #tpu.memory_space<vmem>>) dst(%dma_wait3A_46 : memref<80x128xf32, #tpu.memory_space<vmem_shared>>)
        tpu.yield
      }) : () -> ()
      %scan3A_40 = arith.constant 0 : i32
      scf.yield %scan3A_40 : i32
    }
    %scan3A_13 = arith.constant 8 : i32
    %barrier3A = arith.constant 0 : index
    tpu.barrier barrier_id(%barrier3A)
    %scan3A_14 = arith.constant 0 : i32
    %scan3A_15 = arith.constant 0 : i32
    %scan3A_16 = arith.constant 640 : i32
    %scan3A_17 = arith.addi %scan3A_15, %scan3A_16 : i32
    %scan3A_18 = arith.constant 1 : i32
    %scan3A_19 = scf.for %scan3A_33 = %scan3A_15 to %scan3A_17 step %scan3A_18 iter_args(%scan3A_34 = %scan3A_14) -> (i32)  : i32 {
      %jit3A = arith.constant 8 : i32
      %div3A = arith.divsi %scan3A_33, %jit3A : i32
      %sign3A = arith.constant 0 : i32
      %sign3A_35 = arith.cmpi sgt, %scan3A_33, %sign3A : i32
      %sign3A_36 = arith.extui %sign3A_35 : i1 to i32
      %sign3A_37 = arith.constant 0 : i32
      %sign3A_38 = arith.cmpi slt, %scan3A_33, %sign3A_37 : i32
      %sign3A_39 = arith.extui %sign3A_38 : i1 to i32
      %sign3A_40 = arith.subi %sign3A_36, %sign3A_39 : i32
      %sign3A_41 = arith.constant 0 : i32
      %sign3A_42 = arith.cmpi sgt, %jit3A, %sign3A_41 : i32
      %sign3A_43 = arith.extui %sign3A_42 : i1 to i32
      %sign3A_44 = arith.constant 0 : i32
      %sign3A_45 = arith.cmpi slt, %jit3A, %sign3A_44 : i32
      %sign3A_46 = arith.extui %sign3A_45 : i1 to i32
      %sign3A_47 = arith.subi %sign3A_43, %sign3A_46 : i32
      %ne3A = arith.cmpi ne, %sign3A_40, %sign3A_47 : i32
      %rem3A = arith.remsi %scan3A_33, %jit3A : i32
      %ne3A_48 = arith.constant 0 : i32
      %ne3A_49 = arith.cmpi ne, %rem3A, %ne3A_48 : i32
      %and3A = arith.andi %ne3A, %ne3A_49 : i1
      %sub3A = arith.constant 1 : i32
      %sub3A_50 = arith.subi %div3A, %sub3A : i32
      %select_n3A = arith.select %and3A, %sub3A_50, %div3A : i32
      %jit3A_51 = arith.constant 8 : i32
      %eq3A = arith.constant 0 : i32
      %eq3A_52 = arith.cmpi eq, %jit3A_51, %eq3A : i32
      %jit3A_53 = arith.constant 1 : i32
      %select_n3A_54 = arith.select %eq3A_52, %jit3A_53, %jit3A_51 : i32
      %rem3A_55 = arith.remsi %scan3A_33, %select_n3A_54 : i32
      %ne3A_56 = arith.constant 0 : i32
      %ne3A_57 = arith.cmpi ne, %rem3A_55, %ne3A_56 : i32
      %lt3A = arith.constant 0 : i32
      %lt3A_58 = arith.cmpi slt, %rem3A_55, %lt3A : i32
      %lt3A_59 = arith.constant 0 : i32
      %lt3A_60 = arith.cmpi slt, %select_n3A_54, %lt3A_59 : i32
      %ne3A_61 = arith.xori %lt3A_58, %lt3A_60 : i1
      %and3A_62 = arith.andi %ne3A_61, %ne3A_57 : i1
      %add3A_63 = arith.addi %rem3A_55, %select_n3A_54 : i32
      %select_n3A_64 = arith.select %and3A_62, %add3A_63, %rem3A_55 : i32
      %broadcast_in_dim3A = arith.constant 1.000000e+00 : f32
      %broadcast_in_dim3A_65 = vector.broadcast %broadcast_in_dim3A : f32 to vector<16xf32>
      %mul3A_66 = arith.constant 16 : i32
      %mul3A_67 = arith.muli %select_n3A_64, %mul3A_66 : i32
      %swap3A = arith.index_cast %select_n3A : i32 to index
      %swap3A_68 = arith.index_cast %mul3A_67 : i32 to index
      %swap3A_69 = tpu.vector_load %arg5[%swap3A, %swap3A_68] {strides = array<i32>} : memref<80x128xf32, #tpu.memory_space<vmem>>, vector<1x16xf32>,
      %swap3A_70 = vector.shape_cast %swap3A_69 : vector<1x16xf32> to vector<16xf32>
      %swap3A_71 = vector.shape_cast %broadcast_in_dim3A_65 : vector<16xf32> to vector<1x16xf32>
      tpu.vector_store %arg5[%swap3A, %swap3A_68], %swap3A_71 {strides = array<i32>} : memref<80x128xf32, #tpu.memory_space<vmem>>, vector<1x16xf32>,
      %scan3A_72 = arith.constant 0 : i32
      scf.yield %scan3A_72 : i32
    }
    %scan3A_20 = arith.constant 640 : i32
    "tpu.region"() ({
      %run_scoped3A = tpu.sem_alloc : memref<!tpu.dma_semaphore, #tpu.memory_space<semaphore_mem>>
      %dma_start3A = arith.constant 0 : i32
      %dma_start3A_33 = arith.constant 0 : i32
      %dma_start3A_34 = tpu.memref_slice %arg2[%add3A, %dma_start3A, %dma_start3A_33] : memref<32x125x80xi32, #tpu.memory_space<hbm>> -> memref<1x125x80xi32, #tpu.memory_space<hbm>>
      %dma_start3A_35 = tpu.memref_squeeze %dma_start3A_34 : memref<1x125x80xi32, #tpu.memory_space<hbm>> -> memref<125x80xi32, #tpu.memory_space<hbm>>
      %dma_start3A_36 = arith.constant 0 : i32
      %dma_start3A_37 = arith.constant 0 : i32
      %dma_start3A_38 = tpu.memref_slice %arg2[%add3A, %dma_start3A_36, %dma_start3A_37] : memref<32x125x80xi32, #tpu.memory_space<hbm>> -> memref<1x125x80xi32, #tpu.memory_space<hbm>>
      %dma_start3A_39 = tpu.memref_squeeze %dma_start3A_38 : memref<1x125x80xi32, #tpu.memory_space<hbm>> -> memref<125x80xi32, #tpu.memory_space<hbm>>
      tpu.enqueue_dma source(%dma_start3A_39 : memref<125x80xi32, #tpu.memory_space<hbm>>) target(%arg4 : memref<125x80xi32, #tpu.memory_space<vmem>>) target_semaphore(%run_scoped3A : memref<!tpu.dma_semaphore, #tpu.memory_space<semaphore_mem>>)
      %dma_wait3A = arith.constant 0 : i32
      %dma_wait3A_40 = arith.constant 0 : i32
      %dma_wait3A_41 = tpu.memref_slice %arg2[%add3A, %dma_wait3A, %dma_wait3A_40] : memref<32x125x80xi32, #tpu.memory_space<hbm>> -> memref<1x125x80xi32, #tpu.memory_space<hbm>>
      %dma_wait3A_42 = tpu.memref_squeeze %dma_wait3A_41 : memref<1x125x80xi32, #tpu.memory_space<hbm>> -> memref<125x80xi32, #tpu.memory_space<hbm>>
      %dma_wait3A_43 = arith.constant 0 : i32
      %dma_wait3A_44 = arith.constant 0 : i32
      %dma_wait3A_45 = tpu.memref_slice %arg2[%add3A, %dma_wait3A_43, %dma_wait3A_44] : memref<32x125x80xi32, #tpu.memory_space<hbm>> -> memref<1x125x80xi32, #tpu.memory_space<hbm>>
      %dma_wait3A_46 = tpu.memref_squeeze %dma_wait3A_45 : memref<1x125x80xi32, #tpu.memory_space<hbm>> -> memref<125x80xi32, #tpu.memory_space<hbm>>
      tpu.wait_dma2 semaphore(%run_scoped3A : memref<!tpu.dma_semaphore, #tpu.memory_space<semaphore_mem>>) src(%dma_wait3A_46 : memref<125x80xi32, #tpu.memory_space<hbm>>) dst(%arg4 : memref<125x80xi32, #tpu.memory_space<vmem>>)
      tpu.yield
    }) : () -> ()
    %scan3A_21 = arith.constant 0 : i32
    %scan3A_22 = arith.constant 0 : i32
    %scan3A_23 = arith.constant 125 : i32
    %scan3A_24 = arith.addi %scan3A_22, %scan3A_23 : i32
    %scan3A_25 = arith.constant 1 : i32
    %scan3A_26 = scf.for %scan3A_33 = %scan3A_22 to %scan3A_24 step %scan3A_25 iter_args(%scan3A_34 = %scan3A_21) -> (i32)  : i32 {
      "tpu.region"() ({
        %run_scoped3A = tpu.sem_alloc : memref<!tpu.dma_semaphore, #tpu.memory_space<semaphore_mem>>
        %dma_start3A = arith.constant 0 : i32
        %dma_start3A_36 = tpu.memref_slice %arg4[%scan3A_33, %dma_start3A] : memref<125x80xi32, #tpu.memory_space<vmem>> -> memref<1x80xi32, #tpu.memory_space<vmem>>
        %dma_start3A_37 = tpu.memref_squeeze %dma_start3A_36 : memref<1x80xi32, #tpu.memory_space<vmem>> -> memref<80xi32, #tpu.memory_space<vmem>>
        %dma_start3A_38 = arith.constant 0 : i32
        %dma_start3A_39 = arith.constant 0 : i32
        %dma_start3A_40 = tpu.memref_slice %arg6[%dma_start3A_38, %dma_start3A_39] : memref<10240x128xf32, #tpu.memory_space<vmem_shared>> -> memref<10240x128xf32, #tpu.memory_space<vmem_shared>>
        tpu.enqueue_indirect_dma source(%arg5 : memref<80x128xf32, #tpu.memory_space<vmem>>) target(%dma_start3A_40 : memref<10240x128xf32, #tpu.memory_space<vmem_shared>>) offsets(%dma_start3A_37 : memref<80xi32, #tpu.memory_space<vmem>>) semaphore(%run_scoped3A : memref<!tpu.dma_semaphore, #tpu.memory_space<semaphore_mem>>) {add = true}
        %dma_wait3A = arith.constant 0 : i32
        %dma_wait3A_41 = tpu.memref_slice %arg4[%scan3A_33, %dma_wait3A] : memref<125x80xi32, #tpu.memory_space<vmem>> -> memref<1x80xi32, #tpu.memory_space<vmem>>
        %dma_wait3A_42 = tpu.memref_squeeze %dma_wait3A_41 : memref<1x80xi32, #tpu.memory_space<vmem>> -> memref<80xi32, #tpu.memory_space<vmem>>
        %dma_wait3A_43 = arith.constant 0 : i32
        %dma_wait3A_44 = arith.constant 0 : i32
        %dma_wait3A_45 = tpu.memref_slice %arg6[%dma_wait3A_43, %dma_wait3A_44] : memref<10240x128xf32, #tpu.memory_space<vmem_shared>> -> memref<10240x128xf32, #tpu.memory_space<vmem_shared>>
        tpu.wait_indirect_dma semaphore(%run_scoped3A : memref<!tpu.dma_semaphore, #tpu.memory_space<semaphore_mem>>) src(%arg5 : memref<80x128xf32, #tpu.memory_space<vmem>>) dst(%dma_wait3A_45 : memref<10240x128xf32, #tpu.memory_space<vmem_shared>>)
        tpu.yield
      }) : () -> ()
      %scan3A_35 = arith.constant 0 : i32
      scf.yield %scan3A_35 : i32
    }
    %scan3A_27 = arith.constant 125 : i32
    %barrier3A_28 = arith.constant 0 : index
    tpu.barrier barrier_id(%barrier3A_28)
    %mul3A_29 = arith.constant 640 : i32
    %mul3A_30 = arith.muli %arg1, %mul3A_29 : i32
    %mul3A_31 = arith.constant 640 : i32
    %mul3A_32 = arith.muli %arg1, %mul3A_31 : i32
    "tpu.region"() ({
      %run_scoped3A = tpu.sem_alloc : memref<!tpu.dma_semaphore, #tpu.memory_space<semaphore_mem>>
      %dma_start3A = arith.constant 0 : i32
      %dma_start3A_33 = tpu.memref_slice %arg3[%arg0, %mul3A_32, %dma_start3A] : memref<2x10240x128xf32, #tpu.memory_space<hbm>> -> memref<1x640x128xf32, #tpu.memory_space<hbm>>
      %dma_start3A_34 = tpu.memref_squeeze %dma_start3A_33 : memref<1x640x128xf32, #tpu.memory_space<hbm>> -> memref<640x128xf32, #tpu.memory_space<hbm>>
      %dma_start3A_35 = arith.constant 0 : i32
      %dma_start3A_36 = tpu.memref_slice %arg6[%mul3A_30, %dma_start3A_35] : memref<10240x128xf32, #tpu.memory_space<vmem_shared>> -> memref<640x128xf32, #tpu.memory_space<vmem_shared>>
      tpu.enqueue_dma source(%dma_start3A_36 : memref<640x128xf32, #tpu.memory_space<vmem_shared>>) target(%dma_start3A_34 : memref<640x128xf32, #tpu.memory_space<hbm>>) target_semaphore(%run_scoped3A : memref<!tpu.dma_semaphore, #tpu.memory_space<semaphore_mem>>)
      %dma_wait3A = arith.constant 0 : i32
      %dma_wait3A_37 = tpu.memref_slice %arg3[%arg0, %mul3A_32, %dma_wait3A] : memref<2x10240x128xf32, #tpu.memory_space<hbm>> -> memref<1x640x128xf32, #tpu.memory_space<hbm>>
      %dma_wait3A_38 = tpu.memref_squeeze %dma_wait3A_37 : memref<1x640x128xf32, #tpu.memory_space<hbm>> -> memref<640x128xf32, #tpu.memory_space<hbm>>
      %dma_wait3A_39 = arith.constant 0 : i32
      %dma_wait3A_40 = tpu.memref_slice %arg6[%mul3A_30, %dma_wait3A_39] : memref<10240x128xf32, #tpu.memory_space<vmem_shared>> -> memref<640x128xf32, #tpu.memory_space<vmem_shared>>
      tpu.wait_dma2 semaphore(%run_scoped3A : memref<!tpu.dma_semaphore, #tpu.memory_space<semaphore_mem>>) src(%dma_wait3A_40 : memref<640x128xf32, #tpu.memory_space<vmem_shared>>) dst(%dma_wait3A_38 : memref<640x128xf32, #tpu.memory_space<hbm>>)
      tpu.yield
    }) : () -> ()
    return
  }
}

#map = affine_map<(d0, d1) -> (0, 0)>
#map1 = affine_map<(d0, d1) -> (0, 0, 0)>
module attributes {stable_mosaic.version = 14 : i64} {
  func.func @_scat_body(%arg0: i32, %arg1: i32, %arg2: memref<10240x128xf32, #tpu.memory_space<hbm>>, %arg3: memref<32x125x80xi32, #tpu.memory_space<hbm>>, %arg4: memref<32x128x80xi32, #tpu.memory_space<hbm>>, %arg5: memref<2x10240x128xf32, #tpu.memory_space<hbm>>, %arg6: memref<125x80xi32, #tpu.memory_space<vmem>>, %arg7: memref<2x80xi32, #tpu.memory_space<vmem>>, %arg8: memref<2x80xi32, #tpu.memory_space<vmem>>, %arg9: memref<80x128xf32, #tpu.memory_space<vmem>>, %arg10: memref<80x128xf32, #tpu.memory_space<vmem>>, %arg11: memref<10240x128xf32, #tpu.memory_space<vmem_shared>>, %arg12: memref<!tpu.dma_semaphore, #tpu.memory_space<semaphore_mem>>, %arg13: memref<!tpu.dma_semaphore, #tpu.memory_space<semaphore_mem>>, %arg14: memref<!tpu.dma_semaphore, #tpu.memory_space<semaphore_mem>>) attributes {dimension_semantics = [#tpu.dimension_semantics<core_parallel>, #tpu.dimension_semantics<subcore_parallel>], iteration_bounds = array<i64: 2, 16>, scalar_prefetch = 0 : i64, scratch_operands = 9 : i64, tpu.core_type = #tpu.core_type<sc_vector_subcore>, window_params = [{transform_indices = #map}, {transform_indices = #map1}, {transform_indices = #map1}, {transform_indices = #map1}]} {
    %mul3A = arith.constant 16 : i32
    %mul3A_0 = arith.muli %arg0, %mul3A : i32
    %add3A = arith.addi %mul3A_0, %arg1 : i32
    %scan3A = arith.constant 0 : i32
    %scan3A_1 = arith.constant 0 : i32
    %scan3A_2 = arith.constant 640 : i32
    %scan3A_3 = arith.addi %scan3A_1, %scan3A_2 : i32
    %scan3A_4 = arith.constant 1 : i32
    %scan3A_5 = scf.for %scan3A_54 = %scan3A_1 to %scan3A_3 step %scan3A_4 iter_args(%scan3A_55 = %scan3A) -> (i32)  : i32 {
      %jit3A = arith.constant 8 : i32
      %div3A = arith.divsi %scan3A_54, %jit3A : i32
      %sign3A = arith.constant 0 : i32
      %sign3A_56 = arith.cmpi sgt, %scan3A_54, %sign3A : i32
      %sign3A_57 = arith.extui %sign3A_56 : i1 to i32
      %sign3A_58 = arith.constant 0 : i32
      %sign3A_59 = arith.cmpi slt, %scan3A_54, %sign3A_58 : i32
      %sign3A_60 = arith.extui %sign3A_59 : i1 to i32
      %sign3A_61 = arith.subi %sign3A_57, %sign3A_60 : i32
      %sign3A_62 = arith.constant 0 : i32
      %sign3A_63 = arith.cmpi sgt, %jit3A, %sign3A_62 : i32
      %sign3A_64 = arith.extui %sign3A_63 : i1 to i32
      %sign3A_65 = arith.constant 0 : i32
      %sign3A_66 = arith.cmpi slt, %jit3A, %sign3A_65 : i32
      %sign3A_67 = arith.extui %sign3A_66 : i1 to i32
      %sign3A_68 = arith.subi %sign3A_64, %sign3A_67 : i32
      %ne3A = arith.cmpi ne, %sign3A_61, %sign3A_68 : i32
      %rem3A = arith.remsi %scan3A_54, %jit3A : i32
      %ne3A_69 = arith.constant 0 : i32
      %ne3A_70 = arith.cmpi ne, %rem3A, %ne3A_69 : i32
      %and3A = arith.andi %ne3A, %ne3A_70 : i1
      %sub3A = arith.constant 1 : i32
      %sub3A_71 = arith.subi %div3A, %sub3A : i32
      %select_n3A = arith.select %and3A, %sub3A_71, %div3A : i32
      %jit3A_72 = arith.constant 8 : i32
      %eq3A = arith.constant 0 : i32
      %eq3A_73 = arith.cmpi eq, %jit3A_72, %eq3A : i32
      %jit3A_74 = arith.constant 1 : i32
      %select_n3A_75 = arith.select %eq3A_73, %jit3A_74, %jit3A_72 : i32
      %rem3A_76 = arith.remsi %scan3A_54, %select_n3A_75 : i32
      %ne3A_77 = arith.constant 0 : i32
      %ne3A_78 = arith.cmpi ne, %rem3A_76, %ne3A_77 : i32
      %lt3A = arith.constant 0 : i32
      %lt3A_79 = arith.cmpi slt, %rem3A_76, %lt3A : i32
      %lt3A_80 = arith.constant 0 : i32
      %lt3A_81 = arith.cmpi slt, %select_n3A_75, %lt3A_80 : i32
      %ne3A_82 = arith.xori %lt3A_79, %lt3A_81 : i1
      %and3A_83 = arith.andi %ne3A_82, %ne3A_78 : i1
      %add3A_84 = arith.addi %rem3A_76, %select_n3A_75 : i32
      %select_n3A_85 = arith.select %and3A_83, %add3A_84, %rem3A_76 : i32
      %broadcast_in_dim3A = arith.constant 0.000000e+00 : f32
      %broadcast_in_dim3A_86 = vector.broadcast %broadcast_in_dim3A : f32 to vector<16xf32>
      %mul3A_87 = arith.constant 16 : i32
      %mul3A_88 = arith.muli %select_n3A_85, %mul3A_87 : i32
      %swap3A = arith.index_cast %select_n3A : i32 to index
      %swap3A_89 = arith.index_cast %mul3A_88 : i32 to index
      %swap3A_90 = tpu.vector_load %arg9[%swap3A, %swap3A_89] {strides = array<i32>} : memref<80x128xf32, #tpu.memory_space<vmem>>, vector<1x16xf32>,
      %swap3A_91 = vector.shape_cast %swap3A_90 : vector<1x16xf32> to vector<16xf32>
      %swap3A_92 = vector.shape_cast %broadcast_in_dim3A_86 : vector<16xf32> to vector<1x16xf32>
      tpu.vector_store %arg9[%swap3A, %swap3A_89], %swap3A_92 {strides = array<i32>} : memref<80x128xf32, #tpu.memory_space<vmem>>, vector<1x16xf32>,
      %scan3A_93 = arith.constant 0 : i32
      scf.yield %scan3A_93 : i32
    }
    %scan3A_6 = arith.constant 640 : i32
    %scan3A_7 = arith.constant 0 : i32
    %scan3A_8 = arith.constant 0 : i32
    %scan3A_9 = arith.constant 8 : i32
    %scan3A_10 = arith.addi %scan3A_8, %scan3A_9 : i32
    %scan3A_11 = arith.constant 1 : i32
    %scan3A_12 = scf.for %scan3A_54 = %scan3A_8 to %scan3A_10 step %scan3A_11 iter_args(%scan3A_55 = %scan3A_7) -> (i32)  : i32 {
      %mul3A_56 = arith.constant 640 : i32
      %mul3A_57 = arith.muli %arg1, %mul3A_56 : i32
      %mul3A_58 = arith.constant 80 : i32
      %mul3A_59 = arith.muli %scan3A_54, %mul3A_58 : i32
      %add3A_60 = arith.addi %mul3A_57, %mul3A_59 : i32
      "tpu.region"() ({
        %run_scoped3A_62 = tpu.sem_alloc : memref<!tpu.dma_semaphore, #tpu.memory_space<semaphore_mem>>
        %dma_start3A_63 = arith.constant 0 : i32
        %dma_start3A_64 = tpu.memref_slice %arg11[%add3A_60, %dma_start3A_63] : memref<10240x128xf32, #tpu.memory_space<vmem_shared>> -> memref<80x128xf32, #tpu.memory_space<vmem_shared>>
        %dma_start3A_65 = arith.constant 0 : i32
        %dma_start3A_66 = tpu.memref_slice %arg11[%add3A_60, %dma_start3A_65] : memref<10240x128xf32, #tpu.memory_space<vmem_shared>> -> memref<80x128xf32, #tpu.memory_space<vmem_shared>>
        tpu.enqueue_dma source(%arg9 : memref<80x128xf32, #tpu.memory_space<vmem>>) target(%dma_start3A_66 : memref<80x128xf32, #tpu.memory_space<vmem_shared>>) target_semaphore(%run_scoped3A_62 : memref<!tpu.dma_semaphore, #tpu.memory_space<semaphore_mem>>)
        %dma_wait3A_67 = arith.constant 0 : i32
        %dma_wait3A_68 = tpu.memref_slice %arg11[%add3A_60, %dma_wait3A_67] : memref<10240x128xf32, #tpu.memory_space<vmem_shared>> -> memref<80x128xf32, #tpu.memory_space<vmem_shared>>
        %dma_wait3A_69 = arith.constant 0 : i32
        %dma_wait3A_70 = tpu.memref_slice %arg11[%add3A_60, %dma_wait3A_69] : memref<10240x128xf32, #tpu.memory_space<vmem_shared>> -> memref<80x128xf32, #tpu.memory_space<vmem_shared>>
        tpu.wait_dma2 semaphore(%run_scoped3A_62 : memref<!tpu.dma_semaphore, #tpu.memory_space<semaphore_mem>>) src(%arg9 : memref<80x128xf32, #tpu.memory_space<vmem>>) dst(%dma_wait3A_70 : memref<80x128xf32, #tpu.memory_space<vmem_shared>>)
        tpu.yield
      }) : () -> ()
      %scan3A_61 = arith.constant 0 : i32
      scf.yield %scan3A_61 : i32
    }
    %scan3A_13 = arith.constant 8 : i32
    "tpu.region"() ({
      %run_scoped3A_54 = tpu.sem_alloc : memref<!tpu.dma_semaphore, #tpu.memory_space<semaphore_mem>>
      %dma_start3A_55 = arith.constant 0 : i32
      %dma_start3A_56 = arith.constant 0 : i32
      %dma_start3A_57 = tpu.memref_slice %arg3[%add3A, %dma_start3A_55, %dma_start3A_56] : memref<32x125x80xi32, #tpu.memory_space<hbm>> -> memref<1x125x80xi32, #tpu.memory_space<hbm>>
      %dma_start3A_58 = tpu.memref_squeeze %dma_start3A_57 : memref<1x125x80xi32, #tpu.memory_space<hbm>> -> memref<125x80xi32, #tpu.memory_space<hbm>>
      %dma_start3A_59 = arith.constant 0 : i32
      %dma_start3A_60 = arith.constant 0 : i32
      %dma_start3A_61 = tpu.memref_slice %arg3[%add3A, %dma_start3A_59, %dma_start3A_60] : memref<32x125x80xi32, #tpu.memory_space<hbm>> -> memref<1x125x80xi32, #tpu.memory_space<hbm>>
      %dma_start3A_62 = tpu.memref_squeeze %dma_start3A_61 : memref<1x125x80xi32, #tpu.memory_space<hbm>> -> memref<125x80xi32, #tpu.memory_space<hbm>>
      tpu.enqueue_dma source(%dma_start3A_62 : memref<125x80xi32, #tpu.memory_space<hbm>>) target(%arg6 : memref<125x80xi32, #tpu.memory_space<vmem>>) target_semaphore(%run_scoped3A_54 : memref<!tpu.dma_semaphore, #tpu.memory_space<semaphore_mem>>)
      %dma_wait3A_63 = arith.constant 0 : i32
      %dma_wait3A_64 = arith.constant 0 : i32
      %dma_wait3A_65 = tpu.memref_slice %arg3[%add3A, %dma_wait3A_63, %dma_wait3A_64] : memref<32x125x80xi32, #tpu.memory_space<hbm>> -> memref<1x125x80xi32, #tpu.memory_space<hbm>>
      %dma_wait3A_66 = tpu.memref_squeeze %dma_wait3A_65 : memref<1x125x80xi32, #tpu.memory_space<hbm>> -> memref<125x80xi32, #tpu.memory_space<hbm>>
      %dma_wait3A_67 = arith.constant 0 : i32
      %dma_wait3A_68 = arith.constant 0 : i32
      %dma_wait3A_69 = tpu.memref_slice %arg3[%add3A, %dma_wait3A_67, %dma_wait3A_68] : memref<32x125x80xi32, #tpu.memory_space<hbm>> -> memref<1x125x80xi32, #tpu.memory_space<hbm>>
      %dma_wait3A_70 = tpu.memref_squeeze %dma_wait3A_69 : memref<1x125x80xi32, #tpu.memory_space<hbm>> -> memref<125x80xi32, #tpu.memory_space<hbm>>
      tpu.wait_dma2 semaphore(%run_scoped3A_54 : memref<!tpu.dma_semaphore, #tpu.memory_space<semaphore_mem>>) src(%dma_wait3A_70 : memref<125x80xi32, #tpu.memory_space<hbm>>) dst(%arg6 : memref<125x80xi32, #tpu.memory_space<vmem>>)
      tpu.yield
    }) : () -> ()
    %barrier3A = arith.constant 0 : index
    tpu.barrier barrier_id(%barrier3A)
    "tpu.region"() ({
      %run_scoped3A_54 = tpu.sem_alloc : memref<!tpu.dma_semaphore, #tpu.memory_space<semaphore_mem>>
      %dma_start3A_55 = arith.constant 0 : i32
      %dma_start3A_56 = arith.constant 0 : i32
      %dma_start3A_57 = tpu.memref_slice %arg4[%add3A, %dma_start3A_55, %dma_start3A_56] : memref<32x128x80xi32, #tpu.memory_space<hbm>> -> memref<1x2x80xi32, #tpu.memory_space<hbm>>
      %dma_start3A_58 = tpu.memref_squeeze %dma_start3A_57 : memref<1x2x80xi32, #tpu.memory_space<hbm>> -> memref<2x80xi32, #tpu.memory_space<hbm>>
      %dma_start3A_59 = arith.constant 0 : i32
      %dma_start3A_60 = arith.constant 0 : i32
      %dma_start3A_61 = tpu.memref_slice %arg4[%add3A, %dma_start3A_59, %dma_start3A_60] : memref<32x128x80xi32, #tpu.memory_space<hbm>> -> memref<1x2x80xi32, #tpu.memory_space<hbm>>
      %dma_start3A_62 = tpu.memref_squeeze %dma_start3A_61 : memref<1x2x80xi32, #tpu.memory_space<hbm>> -> memref<2x80xi32, #tpu.memory_space<hbm>>
      tpu.enqueue_dma source(%dma_start3A_62 : memref<2x80xi32, #tpu.memory_space<hbm>>) target(%arg7 : memref<2x80xi32, #tpu.memory_space<vmem>>) target_semaphore(%run_scoped3A_54 : memref<!tpu.dma_semaphore, #tpu.memory_space<semaphore_mem>>)
      %dma_wait3A_63 = arith.constant 0 : i32
      %dma_wait3A_64 = arith.constant 0 : i32
      %dma_wait3A_65 = tpu.memref_slice %arg4[%add3A, %dma_wait3A_63, %dma_wait3A_64] : memref<32x128x80xi32, #tpu.memory_space<hbm>> -> memref<1x2x80xi32, #tpu.memory_space<hbm>>
      %dma_wait3A_66 = tpu.memref_squeeze %dma_wait3A_65 : memref<1x2x80xi32, #tpu.memory_space<hbm>> -> memref<2x80xi32, #tpu.memory_space<hbm>>
      %dma_wait3A_67 = arith.constant 0 : i32
      %dma_wait3A_68 = arith.constant 0 : i32
      %dma_wait3A_69 = tpu.memref_slice %arg4[%add3A, %dma_wait3A_67, %dma_wait3A_68] : memref<32x128x80xi32, #tpu.memory_space<hbm>> -> memref<1x2x80xi32, #tpu.memory_space<hbm>>
      %dma_wait3A_70 = tpu.memref_squeeze %dma_wait3A_69 : memref<1x2x80xi32, #tpu.memory_space<hbm>> -> memref<2x80xi32, #tpu.memory_space<hbm>>
      tpu.wait_dma2 semaphore(%run_scoped3A_54 : memref<!tpu.dma_semaphore, #tpu.memory_space<semaphore_mem>>) src(%dma_wait3A_70 : memref<2x80xi32, #tpu.memory_space<hbm>>) dst(%arg7 : memref<2x80xi32, #tpu.memory_space<vmem>>)
      tpu.yield
    }) : () -> ()
    %dma_start3A = arith.constant 2 : i32
    %dma_start3A_14 = arith.constant 0 : i32
    %dma_start3A_15 = tpu.memref_slice %arg4[%add3A, %dma_start3A, %dma_start3A_14] : memref<32x128x80xi32, #tpu.memory_space<hbm>> -> memref<1x2x80xi32, #tpu.memory_space<hbm>>
    %dma_start3A_16 = tpu.memref_squeeze %dma_start3A_15 : memref<1x2x80xi32, #tpu.memory_space<hbm>> -> memref<2x80xi32, #tpu.memory_space<hbm>>
    %dma_start3A_17 = arith.constant 2 : i32
    %dma_start3A_18 = arith.constant 0 : i32
    %dma_start3A_19 = tpu.memref_slice %arg4[%add3A, %dma_start3A_17, %dma_start3A_18] : memref<32x128x80xi32, #tpu.memory_space<hbm>> -> memref<1x2x80xi32, #tpu.memory_space<hbm>>
    %dma_start3A_20 = tpu.memref_squeeze %dma_start3A_19 : memref<1x2x80xi32, #tpu.memory_space<hbm>> -> memref<2x80xi32, #tpu.memory_space<hbm>>
    tpu.enqueue_dma source(%dma_start3A_20 : memref<2x80xi32, #tpu.memory_space<hbm>>) target(%arg8 : memref<2x80xi32, #tpu.memory_space<vmem>>) target_semaphore(%arg14 : memref<!tpu.dma_semaphore, #tpu.memory_space<semaphore_mem>>)
    %dma_start3A_21 = arith.constant 0 : i32
    %dma_start3A_22 = arith.constant 0 : i32
    %dma_start3A_23 = tpu.memref_slice %arg6[%dma_start3A_21, %dma_start3A_22] : memref<125x80xi32, #tpu.memory_space<vmem>> -> memref<1x80xi32, #tpu.memory_space<vmem>>
    %dma_start3A_24 = tpu.memref_squeeze %dma_start3A_23 : memref<1x80xi32, #tpu.memory_space<vmem>> -> memref<80xi32, #tpu.memory_space<vmem>>
    %dma_start3A_25 = arith.constant 0 : i32
    %dma_start3A_26 = arith.constant 0 : i32
    %dma_start3A_27 = tpu.memref_slice %arg2[%dma_start3A_25, %dma_start3A_26] : memref<10240x128xf32, #tpu.memory_space<hbm>> -> memref<10240x128xf32, #tpu.memory_space<hbm>>
    tpu.enqueue_indirect_dma source(%dma_start3A_27 : memref<10240x128xf32, #tpu.memory_space<hbm>>) target(%arg9 : memref<80x128xf32, #tpu.memory_space<vmem>>) offsets(%dma_start3A_24 : memref<80xi32, #tpu.memory_space<vmem>>) semaphore(%arg12 : memref<!tpu.dma_semaphore, #tpu.memory_space<semaphore_mem>>)
    %scan3A_28 = arith.constant 0 : i32
    %scan3A_29 = arith.constant 0 : i32
    %scan3A_30 = arith.constant 31 : i32
    %scan3A_31 = arith.addi %scan3A_29, %scan3A_30 : i32
    %scan3A_32 = arith.constant 1 : i32
    %scan3A_33 = scf.for %scan3A_54 = %scan3A_29 to %scan3A_31 step %scan3A_32 iter_args(%scan3A_55 = %scan3A_28) -> (i32)  : i32 {
      %mul3A_56 = arith.constant 4 : i32
      %mul3A_57 = arith.muli %scan3A_54, %mul3A_56 : i32
      %add3A_58 = arith.constant 1 : i32
      %add3A_59 = arith.addi %mul3A_57, %add3A_58 : i32
      %dma_start3A_60 = arith.constant 0 : i32
      %dma_start3A_61 = tpu.memref_slice %arg6[%add3A_59, %dma_start3A_60] : memref<125x80xi32, #tpu.memory_space<vmem>> -> memref<1x80xi32, #tpu.memory_space<vmem>>
      %dma_start3A_62 = tpu.memref_squeeze %dma_start3A_61 : memref<1x80xi32, #tpu.memory_space<vmem>> -> memref<80xi32, #tpu.memory_space<vmem>>
      %dma_start3A_63 = arith.constant 0 : i32
      %dma_start3A_64 = arith.constant 0 : i32
      %dma_start3A_65 = tpu.memref_slice %arg2[%dma_start3A_63, %dma_start3A_64] : memref<10240x128xf32, #tpu.memory_space<hbm>> -> memref<10240x128xf32, #tpu.memory_space<hbm>>
      tpu.enqueue_indirect_dma source(%dma_start3A_65 : memref<10240x128xf32, #tpu.memory_space<hbm>>) target(%arg10 : memref<80x128xf32, #tpu.memory_space<vmem>>) offsets(%dma_start3A_62 : memref<80xi32, #tpu.memory_space<vmem>>) semaphore(%arg13 : memref<!tpu.dma_semaphore, #tpu.memory_space<semaphore_mem>>)
      %dma_wait3A_66 = arith.constant 0 : i32
      %dma_wait3A_67 = tpu.memref_slice %arg6[%mul3A_57, %dma_wait3A_66] : memref<125x80xi32, #tpu.memory_space<vmem>> -> memref<1x80xi32, #tpu.memory_space<vmem>>
      %dma_wait3A_68 = tpu.memref_squeeze %dma_wait3A_67 : memref<1x80xi32, #tpu.memory_space<vmem>> -> memref<80xi32, #tpu.memory_space<vmem>>
      %dma_wait3A_69 = arith.constant 0 : i32
      %dma_wait3A_70 = arith.constant 0 : i32
      %dma_wait3A_71 = tpu.memref_slice %arg2[%dma_wait3A_69, %dma_wait3A_70] : memref<10240x128xf32, #tpu.memory_space<hbm>> -> memref<10240x128xf32, #tpu.memory_space<hbm>>
      tpu.wait_indirect_dma semaphore(%arg12 : memref<!tpu.dma_semaphore, #tpu.memory_space<semaphore_mem>>) src(%dma_wait3A_71 : memref<10240x128xf32, #tpu.memory_space<hbm>>) dst(%arg9 : memref<80x128xf32, #tpu.memory_space<vmem>>)
      %run_scoped3A_72 = arith.constant 0 : i32
      "tpu.region"() ({
        %run_scoped3A_160 = tpu.sem_alloc : memref<!tpu.dma_semaphore, #tpu.memory_space<semaphore_mem>>
        %dma_start3A_161 = arith.constant 0 : i32
        %dma_start3A_162 = tpu.memref_slice %arg7[%run_scoped3A_72, %dma_start3A_161] : memref<2x80xi32, #tpu.memory_space<vmem>> -> memref<1x80xi32, #tpu.memory_space<vmem>>
        %dma_start3A_163 = tpu.memref_squeeze %dma_start3A_162 : memref<1x80xi32, #tpu.memory_space<vmem>> -> memref<80xi32, #tpu.memory_space<vmem>>
        %dma_start3A_164 = arith.constant 0 : i32
        %dma_start3A_165 = arith.constant 0 : i32
        %dma_start3A_166 = tpu.memref_slice %arg11[%dma_start3A_164, %dma_start3A_165] : memref<10240x128xf32, #tpu.memory_space<vmem_shared>> -> memref<10240x128xf32, #tpu.memory_space<vmem_shared>>
        tpu.enqueue_indirect_dma source(%arg9 : memref<80x128xf32, #tpu.memory_space<vmem>>) target(%dma_start3A_166 : memref<10240x128xf32, #tpu.memory_space<vmem_shared>>) offsets(%dma_start3A_163 : memref<80xi32, #tpu.memory_space<vmem>>) semaphore(%run_scoped3A_160 : memref<!tpu.dma_semaphore, #tpu.memory_space<semaphore_mem>>) {add = true}
        %dma_wait3A_167 = arith.constant 0 : i32
        %dma_wait3A_168 = tpu.memref_slice %arg7[%run_scoped3A_72, %dma_wait3A_167] : memref<2x80xi32, #tpu.memory_space<vmem>> -> memref<1x80xi32, #tpu.memory_space<vmem>>
        %dma_wait3A_169 = tpu.memref_squeeze %dma_wait3A_168 : memref<1x80xi32, #tpu.memory_space<vmem>> -> memref<80xi32, #tpu.memory_space<vmem>>
        %dma_wait3A_170 = arith.constant 0 : i32
        %dma_wait3A_171 = arith.constant 0 : i32
        %dma_wait3A_172 = tpu.memref_slice %arg11[%dma_wait3A_170, %dma_wait3A_171] : memref<10240x128xf32, #tpu.memory_space<vmem_shared>> -> memref<10240x128xf32, #tpu.memory_space<vmem_shared>>
        tpu.wait_indirect_dma semaphore(%run_scoped3A_160 : memref<!tpu.dma_semaphore, #tpu.memory_space<semaphore_mem>>) src(%arg9 : memref<80x128xf32, #tpu.memory_space<vmem>>) dst(%dma_wait3A_172 : memref<10240x128xf32, #tpu.memory_space<vmem_shared>>)
        tpu.yield
      }) : () -> ()
      %add3A_73 = arith.constant 2 : i32
      %add3A_74 = arith.addi %mul3A_57, %add3A_73 : i32
      %dma_start3A_75 = arith.constant 0 : i32
      %dma_start3A_76 = tpu.memref_slice %arg6[%add3A_74, %dma_start3A_75] : memref<125x80xi32, #tpu.memory_space<vmem>> -> memref<1x80xi32, #tpu.memory_space<vmem>>
      %dma_start3A_77 = tpu.memref_squeeze %dma_start3A_76 : memref<1x80xi32, #tpu.memory_space<vmem>> -> memref<80xi32, #tpu.memory_space<vmem>>
      %dma_start3A_78 = arith.constant 0 : i32
      %dma_start3A_79 = arith.constant 0 : i32
      %dma_start3A_80 = tpu.memref_slice %arg2[%dma_start3A_78, %dma_start3A_79] : memref<10240x128xf32, #tpu.memory_space<hbm>> -> memref<10240x128xf32, #tpu.memory_space<hbm>>
      tpu.enqueue_indirect_dma source(%dma_start3A_80 : memref<10240x128xf32, #tpu.memory_space<hbm>>) target(%arg9 : memref<80x128xf32, #tpu.memory_space<vmem>>) offsets(%dma_start3A_77 : memref<80xi32, #tpu.memory_space<vmem>>) semaphore(%arg12 : memref<!tpu.dma_semaphore, #tpu.memory_space<semaphore_mem>>)
      %add3A_81 = arith.constant 1 : i32
      %add3A_82 = arith.addi %mul3A_57, %add3A_81 : i32
      %dma_wait3A_83 = arith.constant 0 : i32
      %dma_wait3A_84 = tpu.memref_slice %arg6[%add3A_82, %dma_wait3A_83] : memref<125x80xi32, #tpu.memory_space<vmem>> -> memref<1x80xi32, #tpu.memory_space<vmem>>
      %dma_wait3A_85 = tpu.memref_squeeze %dma_wait3A_84 : memref<1x80xi32, #tpu.memory_space<vmem>> -> memref<80xi32, #tpu.memory_space<vmem>>
      %dma_wait3A_86 = arith.constant 0 : i32
      %dma_wait3A_87 = arith.constant 0 : i32
      %dma_wait3A_88 = tpu.memref_slice %arg2[%dma_wait3A_86, %dma_wait3A_87] : memref<10240x128xf32, #tpu.memory_space<hbm>> -> memref<10240x128xf32, #tpu.memory_space<hbm>>
      tpu.wait_indirect_dma semaphore(%arg13 : memref<!tpu.dma_semaphore, #tpu.memory_space<semaphore_mem>>) src(%dma_wait3A_88 : memref<10240x128xf32, #tpu.memory_space<hbm>>) dst(%arg10 : memref<80x128xf32, #tpu.memory_space<vmem>>)
      %run_scoped3A_89 = arith.constant 1 : i32
      "tpu.region"() ({
        %run_scoped3A_160 = tpu.sem_alloc : memref<!tpu.dma_semaphore, #tpu.memory_space<semaphore_mem>>
        %dma_start3A_161 = arith.constant 0 : i32
        %dma_start3A_162 = tpu.memref_slice %arg7[%run_scoped3A_89, %dma_start3A_161] : memref<2x80xi32, #tpu.memory_space<vmem>> -> memref<1x80xi32, #tpu.memory_space<vmem>>
        %dma_start3A_163 = tpu.memref_squeeze %dma_start3A_162 : memref<1x80xi32, #tpu.memory_space<vmem>> -> memref<80xi32, #tpu.memory_space<vmem>>
        %dma_start3A_164 = arith.constant 0 : i32
        %dma_start3A_165 = arith.constant 0 : i32
        %dma_start3A_166 = tpu.memref_slice %arg11[%dma_start3A_164, %dma_start3A_165] : memref<10240x128xf32, #tpu.memory_space<vmem_shared>> -> memref<10240x128xf32, #tpu.memory_space<vmem_shared>>
        tpu.enqueue_indirect_dma source(%arg10 : memref<80x128xf32, #tpu.memory_space<vmem>>) target(%dma_start3A_166 : memref<10240x128xf32, #tpu.memory_space<vmem_shared>>) offsets(%dma_start3A_163 : memref<80xi32, #tpu.memory_space<vmem>>) semaphore(%run_scoped3A_160 : memref<!tpu.dma_semaphore, #tpu.memory_space<semaphore_mem>>) {add = true}
        %dma_wait3A_167 = arith.constant 0 : i32
        %dma_wait3A_168 = tpu.memref_slice %arg7[%run_scoped3A_89, %dma_wait3A_167] : memref<2x80xi32, #tpu.memory_space<vmem>> -> memref<1x80xi32, #tpu.memory_space<vmem>>
        %dma_wait3A_169 = tpu.memref_squeeze %dma_wait3A_168 : memref<1x80xi32, #tpu.memory_space<vmem>> -> memref<80xi32, #tpu.memory_space<vmem>>
        %dma_wait3A_170 = arith.constant 0 : i32
        %dma_wait3A_171 = arith.constant 0 : i32
        %dma_wait3A_172 = tpu.memref_slice %arg11[%dma_wait3A_170, %dma_wait3A_171] : memref<10240x128xf32, #tpu.memory_space<vmem_shared>> -> memref<10240x128xf32, #tpu.memory_space<vmem_shared>>
        tpu.wait_indirect_dma semaphore(%run_scoped3A_160 : memref<!tpu.dma_semaphore, #tpu.memory_space<semaphore_mem>>) src(%arg10 : memref<80x128xf32, #tpu.memory_space<vmem>>) dst(%dma_wait3A_172 : memref<10240x128xf32, #tpu.memory_space<vmem_shared>>)
        tpu.yield
      }) : () -> ()
      %add3A_90 = arith.constant 3 : i32
      %add3A_91 = arith.addi %mul3A_57, %add3A_90 : i32
      %dma_start3A_92 = arith.constant 0 : i32
      %dma_start3A_93 = tpu.memref_slice %arg6[%add3A_91, %dma_start3A_92] : memref<125x80xi32, #tpu.memory_space<vmem>> -> memref<1x80xi32, #tpu.memory_space<vmem>>
      %dma_start3A_94 = tpu.memref_squeeze %dma_start3A_93 : memref<1x80xi32, #tpu.memory_space<vmem>> -> memref<80xi32, #tpu.memory_space<vmem>>
      %dma_start3A_95 = arith.constant 0 : i32
      %dma_start3A_96 = arith.constant 0 : i32
      %dma_start3A_97 = tpu.memref_slice %arg2[%dma_start3A_95, %dma_start3A_96] : memref<10240x128xf32, #tpu.memory_space<hbm>> -> memref<10240x128xf32, #tpu.memory_space<hbm>>
      tpu.enqueue_indirect_dma source(%dma_start3A_97 : memref<10240x128xf32, #tpu.memory_space<hbm>>) target(%arg10 : memref<80x128xf32, #tpu.memory_space<vmem>>) offsets(%dma_start3A_94 : memref<80xi32, #tpu.memory_space<vmem>>) semaphore(%arg13 : memref<!tpu.dma_semaphore, #tpu.memory_space<semaphore_mem>>)
      %add3A_98 = arith.constant 2 : i32
      %add3A_99 = arith.addi %mul3A_57, %add3A_98 : i32
      %dma_wait3A_100 = arith.constant 0 : i32
      %dma_wait3A_101 = tpu.memref_slice %arg4[%add3A, %add3A_99, %dma_wait3A_100] : memref<32x128x80xi32, #tpu.memory_space<hbm>> -> memref<1x2x80xi32, #tpu.memory_space<hbm>>
      %dma_wait3A_102 = tpu.memref_squeeze %dma_wait3A_101 : memref<1x2x80xi32, #tpu.memory_space<hbm>> -> memref<2x80xi32, #tpu.memory_space<hbm>>
      %dma_wait3A_103 = arith.constant 0 : i32
      %dma_wait3A_104 = tpu.memref_slice %arg4[%add3A, %add3A_99, %dma_wait3A_103] : memref<32x128x80xi32, #tpu.memory_space<hbm>> -> memref<1x2x80xi32, #tpu.memory_space<hbm>>
      %dma_wait3A_105 = tpu.memref_squeeze %dma_wait3A_104 : memref<1x2x80xi32, #tpu.memory_space<hbm>> -> memref<2x80xi32, #tpu.memory_space<hbm>>
      tpu.wait_dma2 semaphore(%arg14 : memref<!tpu.dma_semaphore, #tpu.memory_space<semaphore_mem>>) src(%dma_wait3A_105 : memref<2x80xi32, #tpu.memory_space<hbm>>) dst(%arg8 : memref<2x80xi32, #tpu.memory_space<vmem>>)
      %add3A_106 = arith.constant 4 : i32
      %add3A_107 = arith.addi %mul3A_57, %add3A_106 : i32
      %dma_start3A_108 = arith.constant 0 : i32
      %dma_start3A_109 = tpu.memref_slice %arg4[%add3A, %add3A_107, %dma_start3A_108] : memref<32x128x80xi32, #tpu.memory_space<hbm>> -> memref<1x2x80xi32, #tpu.memory_space<hbm>>
      %dma_start3A_110 = tpu.memref_squeeze %dma_start3A_109 : memref<1x2x80xi32, #tpu.memory_space<hbm>> -> memref<2x80xi32, #tpu.memory_space<hbm>>
      %dma_start3A_111 = arith.constant 0 : i32
      %dma_start3A_112 = tpu.memref_slice %arg4[%add3A, %add3A_107, %dma_start3A_111] : memref<32x128x80xi32, #tpu.memory_space<hbm>> -> memref<1x2x80xi32, #tpu.memory_space<hbm>>
      %dma_start3A_113 = tpu.memref_squeeze %dma_start3A_112 : memref<1x2x80xi32, #tpu.memory_space<hbm>> -> memref<2x80xi32, #tpu.memory_space<hbm>>
      tpu.enqueue_dma source(%dma_start3A_113 : memref<2x80xi32, #tpu.memory_space<hbm>>) target(%arg7 : memref<2x80xi32, #tpu.memory_space<vmem>>) target_semaphore(%arg14 : memref<!tpu.dma_semaphore, #tpu.memory_space<semaphore_mem>>)
      %add3A_114 = arith.constant 2 : i32
      %add3A_115 = arith.addi %mul3A_57, %add3A_114 : i32
      %dma_wait3A_116 = arith.constant 0 : i32
      %dma_wait3A_117 = tpu.memref_slice %arg6[%add3A_115, %dma_wait3A_116] : memref<125x80xi32, #tpu.memory_space<vmem>> -> memref<1x80xi32, #tpu.memory_space<vmem>>
      %dma_wait3A_118 = tpu.memref_squeeze %dma_wait3A_117 : memref<1x80xi32, #tpu.memory_space<vmem>> -> memref<80xi32, #tpu.memory_space<vmem>>
      %dma_wait3A_119 = arith.constant 0 : i32
      %dma_wait3A_120 = arith.constant 0 : i32
      %dma_wait3A_121 = tpu.memref_slice %arg2[%dma_wait3A_119, %dma_wait3A_120] : memref<10240x128xf32, #tpu.memory_space<hbm>> -> memref<10240x128xf32, #tpu.memory_space<hbm>>
      tpu.wait_indirect_dma semaphore(%arg12 : memref<!tpu.dma_semaphore, #tpu.memory_space<semaphore_mem>>) src(%dma_wait3A_121 : memref<10240x128xf32, #tpu.memory_space<hbm>>) dst(%arg9 : memref<80x128xf32, #tpu.memory_space<vmem>>)
      %run_scoped3A_122 = arith.constant 0 : i32
      "tpu.region"() ({
        %run_scoped3A_160 = tpu.sem_alloc : memref<!tpu.dma_semaphore, #tpu.memory_space<semaphore_mem>>
        %dma_start3A_161 = arith.constant 0 : i32
        %dma_start3A_162 = tpu.memref_slice %arg8[%run_scoped3A_122, %dma_start3A_161] : memref<2x80xi32, #tpu.memory_space<vmem>> -> memref<1x80xi32, #tpu.memory_space<vmem>>
        %dma_start3A_163 = tpu.memref_squeeze %dma_start3A_162 : memref<1x80xi32, #tpu.memory_space<vmem>> -> memref<80xi32, #tpu.memory_space<vmem>>
        %dma_start3A_164 = arith.constant 0 : i32
        %dma_start3A_165 = arith.constant 0 : i32
        %dma_start3A_166 = tpu.memref_slice %arg11[%dma_start3A_164, %dma_start3A_165] : memref<10240x128xf32, #tpu.memory_space<vmem_shared>> -> memref<10240x128xf32, #tpu.memory_space<vmem_shared>>
        tpu.enqueue_indirect_dma source(%arg9 : memref<80x128xf32, #tpu.memory_space<vmem>>) target(%dma_start3A_166 : memref<10240x128xf32, #tpu.memory_space<vmem_shared>>) offsets(%dma_start3A_163 : memref<80xi32, #tpu.memory_space<vmem>>) semaphore(%run_scoped3A_160 : memref<!tpu.dma_semaphore, #tpu.memory_space<semaphore_mem>>) {add = true}
        %dma_wait3A_167 = arith.constant 0 : i32
        %dma_wait3A_168 = tpu.memref_slice %arg8[%run_scoped3A_122, %dma_wait3A_167] : memref<2x80xi32, #tpu.memory_space<vmem>> -> memref<1x80xi32, #tpu.memory_space<vmem>>
        %dma_wait3A_169 = tpu.memref_squeeze %dma_wait3A_168 : memref<1x80xi32, #tpu.memory_space<vmem>> -> memref<80xi32, #tpu.memory_space<vmem>>
        %dma_wait3A_170 = arith.constant 0 : i32
        %dma_wait3A_171 = arith.constant 0 : i32
        %dma_wait3A_172 = tpu.memref_slice %arg11[%dma_wait3A_170, %dma_wait3A_171] : memref<10240x128xf32, #tpu.memory_space<vmem_shared>> -> memref<10240x128xf32, #tpu.memory_space<vmem_shared>>
        tpu.wait_indirect_dma semaphore(%run_scoped3A_160 : memref<!tpu.dma_semaphore, #tpu.memory_space<semaphore_mem>>) src(%arg9 : memref<80x128xf32, #tpu.memory_space<vmem>>) dst(%dma_wait3A_172 : memref<10240x128xf32, #tpu.memory_space<vmem_shared>>)
        tpu.yield
      }) : () -> ()
      %add3A_123 = arith.constant 4 : i32
      %add3A_124 = arith.addi %mul3A_57, %add3A_123 : i32
      %lt3A = arith.constant 125 : i32
      %lt3A_125 = arith.cmpi slt, %add3A_124, %lt3A : i32
      %convert_element_type3A = arith.extui %lt3A_125 : i1 to i32
      %cond3A = arith.constant 0 : i32
      %cond3A_126 = arith.cmpi ne, %convert_element_type3A, %cond3A : i32
      scf.if %cond3A_126 {
        %add3A_160 = arith.constant 4 : i32
        %add3A_161 = arith.addi %mul3A_57, %add3A_160 : i32
        %dma_start3A_162 = arith.constant 0 : i32
        %dma_start3A_163 = tpu.memref_slice %arg6[%add3A_161, %dma_start3A_162] : memref<125x80xi32, #tpu.memory_space<vmem>> -> memref<1x80xi32, #tpu.memory_space<vmem>>
        %dma_start3A_164 = tpu.memref_squeeze %dma_start3A_163 : memref<1x80xi32, #tpu.memory_space<vmem>> -> memref<80xi32, #tpu.memory_space<vmem>>
        %dma_start3A_165 = arith.constant 0 : i32
        %dma_start3A_166 = arith.constant 0 : i32
        %dma_start3A_167 = tpu.memref_slice %arg2[%dma_start3A_165, %dma_start3A_166] : memref<10240x128xf32, #tpu.memory_space<hbm>> -> memref<10240x128xf32, #tpu.memory_space<hbm>>
        tpu.enqueue_indirect_dma source(%dma_start3A_167 : memref<10240x128xf32, #tpu.memory_space<hbm>>) target(%arg9 : memref<80x128xf32, #tpu.memory_space<vmem>>) offsets(%dma_start3A_164 : memref<80xi32, #tpu.memory_space<vmem>>) semaphore(%arg12 : memref<!tpu.dma_semaphore, #tpu.memory_space<semaphore_mem>>)
      } else {
      }
      %add3A_127 = arith.constant 3 : i32
      %add3A_128 = arith.addi %mul3A_57, %add3A_127 : i32
      %dma_wait3A_129 = arith.constant 0 : i32
      %dma_wait3A_130 = tpu.memref_slice %arg6[%add3A_128, %dma_wait3A_129] : memref<125x80xi32, #tpu.memory_space<vmem>> -> memref<1x80xi32, #tpu.memory_space<vmem>>
      %dma_wait3A_131 = tpu.memref_squeeze %dma_wait3A_130 : memref<1x80xi32, #tpu.memory_space<vmem>> -> memref<80xi32, #tpu.memory_space<vmem>>
      %dma_wait3A_132 = arith.constant 0 : i32
      %dma_wait3A_133 = arith.constant 0 : i32
      %dma_wait3A_134 = tpu.memref_slice %arg2[%dma_wait3A_132, %dma_wait3A_133] : memref<10240x128xf32, #tpu.memory_space<hbm>> -> memref<10240x128xf32, #tpu.memory_space<hbm>>
      tpu.wait_indirect_dma semaphore(%arg13 : memref<!tpu.dma_semaphore, #tpu.memory_space<semaphore_mem>>) src(%dma_wait3A_134 : memref<10240x128xf32, #tpu.memory_space<hbm>>) dst(%arg10 : memref<80x128xf32, #tpu.memory_space<vmem>>)
      %run_scoped3A_135 = arith.constant 1 : i32
      "tpu.region"() ({
        %run_scoped3A_160 = tpu.sem_alloc : memref<!tpu.dma_semaphore, #tpu.memory_space<semaphore_mem>>
        %dma_start3A_161 = arith.constant 0 : i32
        %dma_start3A_162 = tpu.memref_slice %arg8[%run_scoped3A_135, %dma_start3A_161] : memref<2x80xi32, #tpu.memory_space<vmem>> -> memref<1x80xi32, #tpu.memory_space<vmem>>
        %dma_start3A_163 = tpu.memref_squeeze %dma_start3A_162 : memref<1x80xi32, #tpu.memory_space<vmem>> -> memref<80xi32, #tpu.memory_space<vmem>>
        %dma_start3A_164 = arith.constant 0 : i32
        %dma_start3A_165 = arith.constant 0 : i32
        %dma_start3A_166 = tpu.memref_slice %arg11[%dma_start3A_164, %dma_start3A_165] : memref<10240x128xf32, #tpu.memory_space<vmem_shared>> -> memref<10240x128xf32, #tpu.memory_space<vmem_shared>>
        tpu.enqueue_indirect_dma source(%arg10 : memref<80x128xf32, #tpu.memory_space<vmem>>) target(%dma_start3A_166 : memref<10240x128xf32, #tpu.memory_space<vmem_shared>>) offsets(%dma_start3A_163 : memref<80xi32, #tpu.memory_space<vmem>>) semaphore(%run_scoped3A_160 : memref<!tpu.dma_semaphore, #tpu.memory_space<semaphore_mem>>) {add = true}
        %dma_wait3A_167 = arith.constant 0 : i32
        %dma_wait3A_168 = tpu.memref_slice %arg8[%run_scoped3A_135, %dma_wait3A_167] : memref<2x80xi32, #tpu.memory_space<vmem>> -> memref<1x80xi32, #tpu.memory_space<vmem>>
        %dma_wait3A_169 = tpu.memref_squeeze %dma_wait3A_168 : memref<1x80xi32, #tpu.memory_space<vmem>> -> memref<80xi32, #tpu.memory_space<vmem>>
        %dma_wait3A_170 = arith.constant 0 : i32
        %dma_wait3A_171 = arith.constant 0 : i32
        %dma_wait3A_172 = tpu.memref_slice %arg11[%dma_wait3A_170, %dma_wait3A_171] : memref<10240x128xf32, #tpu.memory_space<vmem_shared>> -> memref<10240x128xf32, #tpu.memory_space<vmem_shared>>
        tpu.wait_indirect_dma semaphore(%run_scoped3A_160 : memref<!tpu.dma_semaphore, #tpu.memory_space<semaphore_mem>>) src(%arg10 : memref<80x128xf32, #tpu.memory_space<vmem>>) dst(%dma_wait3A_172 : memref<10240x128xf32, #tpu.memory_space<vmem_shared>>)
        tpu.yield
      }) : () -> ()
      %add3A_136 = arith.constant 5 : i32
      %add3A_137 = arith.addi %mul3A_57, %add3A_136 : i32
      %lt3A_138 = arith.constant 125 : i32
      %lt3A_139 = arith.cmpi slt, %add3A_137, %lt3A_138 : i32
      %convert_element_type3A_140 = arith.extui %lt3A_139 : i1 to i32
      %cond3A_141 = arith.constant 0 : i32
      %cond3A_142 = arith.cmpi ne, %convert_element_type3A_140, %cond3A_141 : i32
      scf.if %cond3A_142 {
        %add3A_160 = arith.constant 5 : i32
        %add3A_161 = arith.addi %mul3A_57, %add3A_160 : i32
        %dma_start3A_162 = arith.constant 0 : i32
        %dma_start3A_163 = tpu.memref_slice %arg6[%add3A_161, %dma_start3A_162] : memref<125x80xi32, #tpu.memory_space<vmem>> -> memref<1x80xi32, #tpu.memory_space<vmem>>
        %dma_start3A_164 = tpu.memref_squeeze %dma_start3A_163 : memref<1x80xi32, #tpu.memory_space<vmem>> -> memref<80xi32, #tpu.memory_space<vmem>>
        %dma_start3A_165 = arith.constant 0 : i32
        %dma_start3A_166 = arith.constant 0 : i32
        %dma_start3A_167 = tpu.memref_slice %arg2[%dma_start3A_165, %dma_start3A_166] : memref<10240x128xf32, #tpu.memory_space<hbm>> -> memref<10240x128xf32, #tpu.memory_space<hbm>>
        tpu.enqueue_indirect_dma source(%dma_start3A_167 : memref<10240x128xf32, #tpu.memory_space<hbm>>) target(%arg10 : memref<80x128xf32, #tpu.memory_space<vmem>>) offsets(%dma_start3A_164 : memref<80xi32, #tpu.memory_space<vmem>>) semaphore(%arg13 : memref<!tpu.dma_semaphore, #tpu.memory_space<semaphore_mem>>)
      } else {
      }
      %add3A_143 = arith.constant 4 : i32
      %add3A_144 = arith.addi %mul3A_57, %add3A_143 : i32
      %dma_wait3A_145 = arith.constant 0 : i32
      %dma_wait3A_146 = tpu.memref_slice %arg4[%add3A, %add3A_144, %dma_wait3A_145] : memref<32x128x80xi32, #tpu.memory_space<hbm>> -> memref<1x2x80xi32, #tpu.memory_space<hbm>>
      %dma_wait3A_147 = tpu.memref_squeeze %dma_wait3A_146 : memref<1x2x80xi32, #tpu.memory_space<hbm>> -> memref<2x80xi32, #tpu.memory_space<hbm>>
      %dma_wait3A_148 = arith.constant 0 : i32
      %dma_wait3A_149 = tpu.memref_slice %arg4[%add3A, %add3A_144, %dma_wait3A_148] : memref<32x128x80xi32, #tpu.memory_space<hbm>> -> memref<1x2x80xi32, #tpu.memory_space<hbm>>
      %dma_wait3A_150 = tpu.memref_squeeze %dma_wait3A_149 : memref<1x2x80xi32, #tpu.memory_space<hbm>> -> memref<2x80xi32, #tpu.memory_space<hbm>>
      tpu.wait_dma2 semaphore(%arg14 : memref<!tpu.dma_semaphore, #tpu.memory_space<semaphore_mem>>) src(%dma_wait3A_150 : memref<2x80xi32, #tpu.memory_space<hbm>>) dst(%arg7 : memref<2x80xi32, #tpu.memory_space<vmem>>)
      %add3A_151 = arith.constant 6 : i32
      %add3A_152 = arith.addi %mul3A_57, %add3A_151 : i32
      %dma_start3A_153 = arith.constant 0 : i32
      %dma_start3A_154 = tpu.memref_slice %arg4[%add3A, %add3A_152, %dma_start3A_153] : memref<32x128x80xi32, #tpu.memory_space<hbm>> -> memref<1x2x80xi32, #tpu.memory_space<hbm>>
      %dma_start3A_155 = tpu.memref_squeeze %dma_start3A_154 : memref<1x2x80xi32, #tpu.memory_space<hbm>> -> memref<2x80xi32, #tpu.memory_space<hbm>>
      %dma_start3A_156 = arith.constant 0 : i32
      %dma_start3A_157 = tpu.memref_slice %arg4[%add3A, %add3A_152, %dma_start3A_156] : memref<32x128x80xi32, #tpu.memory_space<hbm>> -> memref<1x2x80xi32, #tpu.memory_space<hbm>>
      %dma_start3A_158 = tpu.memref_squeeze %dma_start3A_157 : memref<1x2x80xi32, #tpu.memory_space<hbm>> -> memref<2x80xi32, #tpu.memory_space<hbm>>
      tpu.enqueue_dma source(%dma_start3A_158 : memref<2x80xi32, #tpu.memory_space<hbm>>) target(%arg8 : memref<2x80xi32, #tpu.memory_space<vmem>>) target_semaphore(%arg14 : memref<!tpu.dma_semaphore, #tpu.memory_space<semaphore_mem>>)
      %scan3A_159 = arith.constant 0 : i32
      scf.yield %scan3A_159 : i32
    }
    %scan3A_34 = arith.constant 31 : i32
    %dma_wait3A = arith.constant 124 : i32
    %dma_wait3A_35 = arith.constant 0 : i32
    %dma_wait3A_36 = tpu.memref_slice %arg6[%dma_wait3A, %dma_wait3A_35] : memref<125x80xi32, #tpu.memory_space<vmem>> -> memref<1x80xi32, #tpu.memory_space<vmem>>
    %dma_wait3A_37 = tpu.memref_squeeze %dma_wait3A_36 : memref<1x80xi32, #tpu.memory_space<vmem>> -> memref<80xi32, #tpu.memory_space<vmem>>
    %dma_wait3A_38 = arith.constant 0 : i32
    %dma_wait3A_39 = arith.constant 0 : i32
    %dma_wait3A_40 = tpu.memref_slice %arg2[%dma_wait3A_38, %dma_wait3A_39] : memref<10240x128xf32, #tpu.memory_space<hbm>> -> memref<10240x128xf32, #tpu.memory_space<hbm>>
    tpu.wait_indirect_dma semaphore(%arg12 : memref<!tpu.dma_semaphore, #tpu.memory_space<semaphore_mem>>) src(%dma_wait3A_40 : memref<10240x128xf32, #tpu.memory_space<hbm>>) dst(%arg9 : memref<80x128xf32, #tpu.memory_space<vmem>>)
    %run_scoped3A = arith.constant 0 : i32
    "tpu.region"() ({
      %run_scoped3A_54 = tpu.sem_alloc : memref<!tpu.dma_semaphore, #tpu.memory_space<semaphore_mem>>
      %dma_start3A_55 = arith.constant 0 : i32
      %dma_start3A_56 = tpu.memref_slice %arg7[%run_scoped3A, %dma_start3A_55] : memref<2x80xi32, #tpu.memory_space<vmem>> -> memref<1x80xi32, #tpu.memory_space<vmem>>
      %dma_start3A_57 = tpu.memref_squeeze %dma_start3A_56 : memref<1x80xi32, #tpu.memory_space<vmem>> -> memref<80xi32, #tpu.memory_space<vmem>>
      %dma_start3A_58 = arith.constant 0 : i32
      %dma_start3A_59 = arith.constant 0 : i32
      %dma_start3A_60 = tpu.memref_slice %arg11[%dma_start3A_58, %dma_start3A_59] : memref<10240x128xf32, #tpu.memory_space<vmem_shared>> -> memref<10240x128xf32, #tpu.memory_space<vmem_shared>>
      tpu.enqueue_indirect_dma source(%arg9 : memref<80x128xf32, #tpu.memory_space<vmem>>) target(%dma_start3A_60 : memref<10240x128xf32, #tpu.memory_space<vmem_shared>>) offsets(%dma_start3A_57 : memref<80xi32, #tpu.memory_space<vmem>>) semaphore(%run_scoped3A_54 : memref<!tpu.dma_semaphore, #tpu.memory_space<semaphore_mem>>) {add = true}
      %dma_wait3A_61 = arith.constant 0 : i32
      %dma_wait3A_62 = tpu.memref_slice %arg7[%run_scoped3A, %dma_wait3A_61] : memref<2x80xi32, #tpu.memory_space<vmem>> -> memref<1x80xi32, #tpu.memory_space<vmem>>
      %dma_wait3A_63 = tpu.memref_squeeze %dma_wait3A_62 : memref<1x80xi32, #tpu.memory_space<vmem>> -> memref<80xi32, #tpu.memory_space<vmem>>
      %dma_wait3A_64 = arith.constant 0 : i32
      %dma_wait3A_65 = arith.constant 0 : i32
      %dma_wait3A_66 = tpu.memref_slice %arg11[%dma_wait3A_64, %dma_wait3A_65] : memref<10240x128xf32, #tpu.memory_space<vmem_shared>> -> memref<10240x128xf32, #tpu.memory_space<vmem_shared>>
      tpu.wait_indirect_dma semaphore(%run_scoped3A_54 : memref<!tpu.dma_semaphore, #tpu.memory_space<semaphore_mem>>) src(%arg9 : memref<80x128xf32, #tpu.memory_space<vmem>>) dst(%dma_wait3A_66 : memref<10240x128xf32, #tpu.memory_space<vmem_shared>>)
      tpu.yield
    }) : () -> ()
    %dma_wait3A_41 = arith.constant 0 : i32
    %dma_wait3A_42 = arith.constant 0 : i32
    %dma_wait3A_43 = tpu.memref_slice %arg4[%add3A, %dma_wait3A_41, %dma_wait3A_42] : memref<32x128x80xi32, #tpu.memory_space<hbm>> -> memref<1x2x80xi32, #tpu.memory_space<hbm>>
    %dma_wait3A_44 = tpu.memref_squeeze %dma_wait3A_43 : memref<1x2x80xi32, #tpu.memory_space<hbm>> -> memref<2x80xi32, #tpu.memory_space<hbm>>
    %dma_wait3A_45 = arith.constant 0 : i32
    %dma_wait3A_46 = arith.constant 0 : i32
    %dma_wait3A_47 = tpu.memref_slice %arg4[%add3A, %dma_wait3A_45, %dma_wait3A_46] : memref<32x128x80xi32, #tpu.memory_space<hbm>> -> memref<1x2x80xi32, #tpu.memory_space<hbm>>
    %dma_wait3A_48 = tpu.memref_squeeze %dma_wait3A_47 : memref<1x2x80xi32, #tpu.memory_space<hbm>> -> memref<2x80xi32, #tpu.memory_space<hbm>>
    tpu.wait_dma2 semaphore(%arg14 : memref<!tpu.dma_semaphore, #tpu.memory_space<semaphore_mem>>) src(%dma_wait3A_48 : memref<2x80xi32, #tpu.memory_space<hbm>>) dst(%arg8 : memref<2x80xi32, #tpu.memory_space<vmem>>)
    %barrier3A_49 = arith.constant 0 : index
    tpu.barrier barrier_id(%barrier3A_49)
    %mul3A_50 = arith.constant 640 : i32
    %mul3A_51 = arith.muli %arg1, %mul3A_50 : i32
    %mul3A_52 = arith.constant 640 : i32
    %mul3A_53 = arith.muli %arg1, %mul3A_52 : i32
    "tpu.region"() ({
      %run_scoped3A_54 = tpu.sem_alloc : memref<!tpu.dma_semaphore, #tpu.memory_space<semaphore_mem>>
      %dma_start3A_55 = arith.constant 0 : i32
      %dma_start3A_56 = tpu.memref_slice %arg5[%arg0, %mul3A_53, %dma_start3A_55] : memref<2x10240x128xf32, #tpu.memory_space<hbm>> -> memref<1x640x128xf32, #tpu.memory_space<hbm>>
      %dma_start3A_57 = tpu.memref_squeeze %dma_start3A_56 : memref<1x640x128xf32, #tpu.memory_space<hbm>> -> memref<640x128xf32, #tpu.memory_space<hbm>>
      %dma_start3A_58 = arith.constant 0 : i32
      %dma_start3A_59 = tpu.memref_slice %arg11[%mul3A_51, %dma_start3A_58] : memref<10240x128xf32, #tpu.memory_space<vmem_shared>> -> memref<640x128xf32, #tpu.memory_space<vmem_shared>>
      tpu.enqueue_dma source(%dma_start3A_59 : memref<640x128xf32, #tpu.memory_space<vmem_shared>>) target(%dma_start3A_57 : memref<640x128xf32, #tpu.memory_space<hbm>>) target_semaphore(%run_scoped3A_54 : memref<!tpu.dma_semaphore, #tpu.memory_space<semaphore_mem>>)
      %dma_wait3A_60 = arith.constant 0 : i32
      %dma_wait3A_61 = tpu.memref_slice %arg5[%arg0, %mul3A_53, %dma_wait3A_60] : memref<2x10240x128xf32, #tpu.memory_space<hbm>> -> memref<1x640x128xf32, #tpu.memory_space<hbm>>
      %dma_wait3A_62 = tpu.memref_squeeze %dma_wait3A_61 : memref<1x640x128xf32, #tpu.memory_space<hbm>> -> memref<640x128xf32, #tpu.memory_space<hbm>>
      %dma_wait3A_63 = arith.constant 0 : i32
      %dma_wait3A_64 = tpu.memref_slice %arg11[%mul3A_51, %dma_wait3A_63] : memref<10240x128xf32, #tpu.memory_space<vmem_shared>> -> memref<640x128xf32, #tpu.memory_space<vmem_shared>>
      tpu.wait_dma2 semaphore(%run_scoped3A_54 : memref<!tpu.dma_semaphore, #tpu.memory_space<semaphore_mem>>) src(%dma_wait3A_64 : memref<640x128xf32, #tpu.memory_space<vmem_shared>>) dst(%dma_wait3A_62 : memref<640x128xf32, #tpu.memory_space<hbm>>)
      tpu.yield
    }) : () -> ()
    return
  }
}

#map = affine_map<(d0, d1) -> (0, 0)>
#map1 = affine_map<(d0, d1) -> (0, 0, 0)>
module attributes {stable_mosaic.version = 14 : i64} {
  func.func @_scat_body(%arg0: i32, %arg1: i32, %arg2: memref<10240x128xf32, #tpu.memory_space<hbm>>, %arg3: memref<32x125x80xi32, #tpu.memory_space<hbm>>, %arg4: memref<32x128x80xi32, #tpu.memory_space<hbm>>, %arg5: memref<2x10240x128xf32, #tpu.memory_space<hbm>>, %arg6: memref<125x80xi32, #tpu.memory_space<vmem>>, %arg7: memref<2x80xi32, #tpu.memory_space<vmem>>, %arg8: memref<2x80xi32, #tpu.memory_space<vmem>>, %arg9: memref<80x128xf32, #tpu.memory_space<vmem>>, %arg10: memref<80x128xf32, #tpu.memory_space<vmem>>, %arg11: memref<10240x128xf32, #tpu.memory_space<vmem_shared>>, %arg12: memref<!tpu.dma_semaphore, #tpu.memory_space<semaphore_mem>>, %arg13: memref<!tpu.dma_semaphore, #tpu.memory_space<semaphore_mem>>, %arg14: memref<!tpu.dma_semaphore, #tpu.memory_space<semaphore_mem>>) attributes {dimension_semantics = [#tpu.dimension_semantics<core_parallel>, #tpu.dimension_semantics<subcore_parallel>], iteration_bounds = array<i64: 2, 16>, scalar_prefetch = 0 : i64, scratch_operands = 9 : i64, tpu.core_type = #tpu.core_type<sc_vector_subcore>, window_params = [{transform_indices = #map}, {transform_indices = #map1}, {transform_indices = #map1}, {transform_indices = #map1}]} {
    %mul3A = arith.constant 16 : i32
    %mul3A_0 = arith.muli %arg0, %mul3A : i32
    %add3A = arith.addi %mul3A_0, %arg1 : i32
    %scan3A = arith.constant 0 : i32
    %scan3A_1 = arith.constant 0 : i32
    %scan3A_2 = arith.constant 640 : i32
    %scan3A_3 = arith.addi %scan3A_1, %scan3A_2 : i32
    %scan3A_4 = arith.constant 1 : i32
    %scan3A_5 = scf.for %scan3A_54 = %scan3A_1 to %scan3A_3 step %scan3A_4 iter_args(%scan3A_55 = %scan3A) -> (i32)  : i32 {
      %jit3A = arith.constant 8 : i32
      %div3A = arith.divsi %scan3A_54, %jit3A : i32
      %sign3A = arith.constant 0 : i32
      %sign3A_56 = arith.cmpi sgt, %scan3A_54, %sign3A : i32
      %sign3A_57 = arith.extui %sign3A_56 : i1 to i32
      %sign3A_58 = arith.constant 0 : i32
      %sign3A_59 = arith.cmpi slt, %scan3A_54, %sign3A_58 : i32
      %sign3A_60 = arith.extui %sign3A_59 : i1 to i32
      %sign3A_61 = arith.subi %sign3A_57, %sign3A_60 : i32
      %sign3A_62 = arith.constant 0 : i32
      %sign3A_63 = arith.cmpi sgt, %jit3A, %sign3A_62 : i32
      %sign3A_64 = arith.extui %sign3A_63 : i1 to i32
      %sign3A_65 = arith.constant 0 : i32
      %sign3A_66 = arith.cmpi slt, %jit3A, %sign3A_65 : i32
      %sign3A_67 = arith.extui %sign3A_66 : i1 to i32
      %sign3A_68 = arith.subi %sign3A_64, %sign3A_67 : i32
      %ne3A = arith.cmpi ne, %sign3A_61, %sign3A_68 : i32
      %rem3A = arith.remsi %scan3A_54, %jit3A : i32
      %ne3A_69 = arith.constant 0 : i32
      %ne3A_70 = arith.cmpi ne, %rem3A, %ne3A_69 : i32
      %and3A = arith.andi %ne3A, %ne3A_70 : i1
      %sub3A = arith.constant 1 : i32
      %sub3A_71 = arith.subi %div3A, %sub3A : i32
      %select_n3A = arith.select %and3A, %sub3A_71, %div3A : i32
      %jit3A_72 = arith.constant 8 : i32
      %eq3A = arith.constant 0 : i32
      %eq3A_73 = arith.cmpi eq, %jit3A_72, %eq3A : i32
      %jit3A_74 = arith.constant 1 : i32
      %select_n3A_75 = arith.select %eq3A_73, %jit3A_74, %jit3A_72 : i32
      %rem3A_76 = arith.remsi %scan3A_54, %select_n3A_75 : i32
      %ne3A_77 = arith.constant 0 : i32
      %ne3A_78 = arith.cmpi ne, %rem3A_76, %ne3A_77 : i32
      %lt3A = arith.constant 0 : i32
      %lt3A_79 = arith.cmpi slt, %rem3A_76, %lt3A : i32
      %lt3A_80 = arith.constant 0 : i32
      %lt3A_81 = arith.cmpi slt, %select_n3A_75, %lt3A_80 : i32
      %ne3A_82 = arith.xori %lt3A_79, %lt3A_81 : i1
      %and3A_83 = arith.andi %ne3A_82, %ne3A_78 : i1
      %add3A_84 = arith.addi %rem3A_76, %select_n3A_75 : i32
      %select_n3A_85 = arith.select %and3A_83, %add3A_84, %rem3A_76 : i32
      %broadcast_in_dim3A = arith.constant 0.000000e+00 : f32
      %broadcast_in_dim3A_86 = vector.broadcast %broadcast_in_dim3A : f32 to vector<16xf32>
      %mul3A_87 = arith.constant 16 : i32
      %mul3A_88 = arith.muli %select_n3A_85, %mul3A_87 : i32
      %swap3A = arith.index_cast %select_n3A : i32 to index
      %swap3A_89 = arith.index_cast %mul3A_88 : i32 to index
      %swap3A_90 = tpu.vector_load %arg9[%swap3A, %swap3A_89] {strides = array<i32>} : memref<80x128xf32, #tpu.memory_space<vmem>>, vector<1x16xf32>,
      %swap3A_91 = vector.shape_cast %swap3A_90 : vector<1x16xf32> to vector<16xf32>
      %swap3A_92 = vector.shape_cast %broadcast_in_dim3A_86 : vector<16xf32> to vector<1x16xf32>
      tpu.vector_store %arg9[%swap3A, %swap3A_89], %swap3A_92 {strides = array<i32>} : memref<80x128xf32, #tpu.memory_space<vmem>>, vector<1x16xf32>,
      %scan3A_93 = arith.constant 0 : i32
      scf.yield %scan3A_93 : i32
    }
    %scan3A_6 = arith.constant 640 : i32
    %scan3A_7 = arith.constant 0 : i32
    %scan3A_8 = arith.constant 0 : i32
    %scan3A_9 = arith.constant 8 : i32
    %scan3A_10 = arith.addi %scan3A_8, %scan3A_9 : i32
    %scan3A_11 = arith.constant 1 : i32
    %scan3A_12 = scf.for %scan3A_54 = %scan3A_8 to %scan3A_10 step %scan3A_11 iter_args(%scan3A_55 = %scan3A_7) -> (i32)  : i32 {
      %mul3A_56 = arith.constant 640 : i32
      %mul3A_57 = arith.muli %arg1, %mul3A_56 : i32
      %mul3A_58 = arith.constant 80 : i32
      %mul3A_59 = arith.muli %scan3A_54, %mul3A_58 : i32
      %add3A_60 = arith.addi %mul3A_57, %mul3A_59 : i32
      "tpu.region"() ({
        %run_scoped3A_62 = tpu.sem_alloc : memref<!tpu.dma_semaphore, #tpu.memory_space<semaphore_mem>>
        %dma_start3A_63 = arith.constant 0 : i32
        %dma_start3A_64 = tpu.memref_slice %arg11[%add3A_60, %dma_start3A_63] : memref<10240x128xf32, #tpu.memory_space<vmem_shared>> -> memref<80x128xf32, #tpu.memory_space<vmem_shared>>
        %dma_start3A_65 = arith.constant 0 : i32
        %dma_start3A_66 = tpu.memref_slice %arg11[%add3A_60, %dma_start3A_65] : memref<10240x128xf32, #tpu.memory_space<vmem_shared>> -> memref<80x128xf32, #tpu.memory_space<vmem_shared>>
        tpu.enqueue_dma source(%arg9 : memref<80x128xf32, #tpu.memory_space<vmem>>) target(%dma_start3A_66 : memref<80x128xf32, #tpu.memory_space<vmem_shared>>) target_semaphore(%run_scoped3A_62 : memref<!tpu.dma_semaphore, #tpu.memory_space<semaphore_mem>>)
        %dma_wait3A_67 = arith.constant 0 : i32
        %dma_wait3A_68 = tpu.memref_slice %arg11[%add3A_60, %dma_wait3A_67] : memref<10240x128xf32, #tpu.memory_space<vmem_shared>> -> memref<80x128xf32, #tpu.memory_space<vmem_shared>>
        %dma_wait3A_69 = arith.constant 0 : i32
        %dma_wait3A_70 = tpu.memref_slice %arg11[%add3A_60, %dma_wait3A_69] : memref<10240x128xf32, #tpu.memory_space<vmem_shared>> -> memref<80x128xf32, #tpu.memory_space<vmem_shared>>
        tpu.wait_dma2 semaphore(%run_scoped3A_62 : memref<!tpu.dma_semaphore, #tpu.memory_space<semaphore_mem>>) src(%arg9 : memref<80x128xf32, #tpu.memory_space<vmem>>) dst(%dma_wait3A_70 : memref<80x128xf32, #tpu.memory_space<vmem_shared>>)
        tpu.yield
      }) : () -> ()
      %scan3A_61 = arith.constant 0 : i32
      scf.yield %scan3A_61 : i32
    }
    %scan3A_13 = arith.constant 8 : i32
    "tpu.region"() ({
      %run_scoped3A_54 = tpu.sem_alloc : memref<!tpu.dma_semaphore, #tpu.memory_space<semaphore_mem>>
      %dma_start3A_55 = arith.constant 0 : i32
      %dma_start3A_56 = arith.constant 0 : i32
      %dma_start3A_57 = tpu.memref_slice %arg3[%add3A, %dma_start3A_55, %dma_start3A_56] : memref<32x125x80xi32, #tpu.memory_space<hbm>> -> memref<1x125x80xi32, #tpu.memory_space<hbm>>
      %dma_start3A_58 = tpu.memref_squeeze %dma_start3A_57 : memref<1x125x80xi32, #tpu.memory_space<hbm>> -> memref<125x80xi32, #tpu.memory_space<hbm>>
      %dma_start3A_59 = arith.constant 0 : i32
      %dma_start3A_60 = arith.constant 0 : i32
      %dma_start3A_61 = tpu.memref_slice %arg3[%add3A, %dma_start3A_59, %dma_start3A_60] : memref<32x125x80xi32, #tpu.memory_space<hbm>> -> memref<1x125x80xi32, #tpu.memory_space<hbm>>
      %dma_start3A_62 = tpu.memref_squeeze %dma_start3A_61 : memref<1x125x80xi32, #tpu.memory_space<hbm>> -> memref<125x80xi32, #tpu.memory_space<hbm>>
      tpu.enqueue_dma source(%dma_start3A_62 : memref<125x80xi32, #tpu.memory_space<hbm>>) target(%arg6 : memref<125x80xi32, #tpu.memory_space<vmem>>) target_semaphore(%run_scoped3A_54 : memref<!tpu.dma_semaphore, #tpu.memory_space<semaphore_mem>>)
      %dma_wait3A_63 = arith.constant 0 : i32
      %dma_wait3A_64 = arith.constant 0 : i32
      %dma_wait3A_65 = tpu.memref_slice %arg3[%add3A, %dma_wait3A_63, %dma_wait3A_64] : memref<32x125x80xi32, #tpu.memory_space<hbm>> -> memref<1x125x80xi32, #tpu.memory_space<hbm>>
      %dma_wait3A_66 = tpu.memref_squeeze %dma_wait3A_65 : memref<1x125x80xi32, #tpu.memory_space<hbm>> -> memref<125x80xi32, #tpu.memory_space<hbm>>
      %dma_wait3A_67 = arith.constant 0 : i32
      %dma_wait3A_68 = arith.constant 0 : i32
      %dma_wait3A_69 = tpu.memref_slice %arg3[%add3A, %dma_wait3A_67, %dma_wait3A_68] : memref<32x125x80xi32, #tpu.memory_space<hbm>> -> memref<1x125x80xi32, #tpu.memory_space<hbm>>
      %dma_wait3A_70 = tpu.memref_squeeze %dma_wait3A_69 : memref<1x125x80xi32, #tpu.memory_space<hbm>> -> memref<125x80xi32, #tpu.memory_space<hbm>>
      tpu.wait_dma2 semaphore(%run_scoped3A_54 : memref<!tpu.dma_semaphore, #tpu.memory_space<semaphore_mem>>) src(%dma_wait3A_70 : memref<125x80xi32, #tpu.memory_space<hbm>>) dst(%arg6 : memref<125x80xi32, #tpu.memory_space<vmem>>)
      tpu.yield
    }) : () -> ()
    %barrier3A = arith.constant 0 : index
    tpu.barrier barrier_id(%barrier3A)
    "tpu.region"() ({
      %run_scoped3A_54 = tpu.sem_alloc : memref<!tpu.dma_semaphore, #tpu.memory_space<semaphore_mem>>
      %dma_start3A_55 = arith.constant 0 : i32
      %dma_start3A_56 = arith.constant 0 : i32
      %dma_start3A_57 = tpu.memref_slice %arg4[%add3A, %dma_start3A_55, %dma_start3A_56] : memref<32x128x80xi32, #tpu.memory_space<hbm>> -> memref<1x2x80xi32, #tpu.memory_space<hbm>>
      %dma_start3A_58 = tpu.memref_squeeze %dma_start3A_57 : memref<1x2x80xi32, #tpu.memory_space<hbm>> -> memref<2x80xi32, #tpu.memory_space<hbm>>
      %dma_start3A_59 = arith.constant 0 : i32
      %dma_start3A_60 = arith.constant 0 : i32
      %dma_start3A_61 = tpu.memref_slice %arg4[%add3A, %dma_start3A_59, %dma_start3A_60] : memref<32x128x80xi32, #tpu.memory_space<hbm>> -> memref<1x2x80xi32, #tpu.memory_space<hbm>>
      %dma_start3A_62 = tpu.memref_squeeze %dma_start3A_61 : memref<1x2x80xi32, #tpu.memory_space<hbm>> -> memref<2x80xi32, #tpu.memory_space<hbm>>
      tpu.enqueue_dma source(%dma_start3A_62 : memref<2x80xi32, #tpu.memory_space<hbm>>) target(%arg7 : memref<2x80xi32, #tpu.memory_space<vmem>>) target_semaphore(%run_scoped3A_54 : memref<!tpu.dma_semaphore, #tpu.memory_space<semaphore_mem>>)
      %dma_wait3A_63 = arith.constant 0 : i32
      %dma_wait3A_64 = arith.constant 0 : i32
      %dma_wait3A_65 = tpu.memref_slice %arg4[%add3A, %dma_wait3A_63, %dma_wait3A_64] : memref<32x128x80xi32, #tpu.memory_space<hbm>> -> memref<1x2x80xi32, #tpu.memory_space<hbm>>
      %dma_wait3A_66 = tpu.memref_squeeze %dma_wait3A_65 : memref<1x2x80xi32, #tpu.memory_space<hbm>> -> memref<2x80xi32, #tpu.memory_space<hbm>>
      %dma_wait3A_67 = arith.constant 0 : i32
      %dma_wait3A_68 = arith.constant 0 : i32
      %dma_wait3A_69 = tpu.memref_slice %arg4[%add3A, %dma_wait3A_67, %dma_wait3A_68] : memref<32x128x80xi32, #tpu.memory_space<hbm>> -> memref<1x2x80xi32, #tpu.memory_space<hbm>>
      %dma_wait3A_70 = tpu.memref_squeeze %dma_wait3A_69 : memref<1x2x80xi32, #tpu.memory_space<hbm>> -> memref<2x80xi32, #tpu.memory_space<hbm>>
      tpu.wait_dma2 semaphore(%run_scoped3A_54 : memref<!tpu.dma_semaphore, #tpu.memory_space<semaphore_mem>>) src(%dma_wait3A_70 : memref<2x80xi32, #tpu.memory_space<hbm>>) dst(%arg7 : memref<2x80xi32, #tpu.memory_space<vmem>>)
      tpu.yield
    }) : () -> ()
    %dma_start3A = arith.constant 2 : i32
    %dma_start3A_14 = arith.constant 0 : i32
    %dma_start3A_15 = tpu.memref_slice %arg4[%add3A, %dma_start3A, %dma_start3A_14] : memref<32x128x80xi32, #tpu.memory_space<hbm>> -> memref<1x2x80xi32, #tpu.memory_space<hbm>>
    %dma_start3A_16 = tpu.memref_squeeze %dma_start3A_15 : memref<1x2x80xi32, #tpu.memory_space<hbm>> -> memref<2x80xi32, #tpu.memory_space<hbm>>
    %dma_start3A_17 = arith.constant 2 : i32
    %dma_start3A_18 = arith.constant 0 : i32
    %dma_start3A_19 = tpu.memref_slice %arg4[%add3A, %dma_start3A_17, %dma_start3A_18] : memref<32x128x80xi32, #tpu.memory_space<hbm>> -> memref<1x2x80xi32, #tpu.memory_space<hbm>>
    %dma_start3A_20 = tpu.memref_squeeze %dma_start3A_19 : memref<1x2x80xi32, #tpu.memory_space<hbm>> -> memref<2x80xi32, #tpu.memory_space<hbm>>
    tpu.enqueue_dma source(%dma_start3A_20 : memref<2x80xi32, #tpu.memory_space<hbm>>) target(%arg8 : memref<2x80xi32, #tpu.memory_space<vmem>>) target_semaphore(%arg14 : memref<!tpu.dma_semaphore, #tpu.memory_space<semaphore_mem>>)
    %dma_start3A_21 = arith.constant 0 : i32
    %dma_start3A_22 = arith.constant 0 : i32
    %dma_start3A_23 = tpu.memref_slice %arg6[%dma_start3A_21, %dma_start3A_22] : memref<125x80xi32, #tpu.memory_space<vmem>> -> memref<1x80xi32, #tpu.memory_space<vmem>>
    %dma_start3A_24 = tpu.memref_squeeze %dma_start3A_23 : memref<1x80xi32, #tpu.memory_space<vmem>> -> memref<80xi32, #tpu.memory_space<vmem>>
    %dma_start3A_25 = arith.constant 0 : i32
    %dma_start3A_26 = arith.constant 0 : i32
    %dma_start3A_27 = tpu.memref_slice %arg2[%dma_start3A_25, %dma_start3A_26] : memref<10240x128xf32, #tpu.memory_space<hbm>> -> memref<10240x128xf32, #tpu.memory_space<hbm>>
    tpu.enqueue_indirect_dma source(%dma_start3A_27 : memref<10240x128xf32, #tpu.memory_space<hbm>>) target(%arg9 : memref<80x128xf32, #tpu.memory_space<vmem>>) offsets(%dma_start3A_24 : memref<80xi32, #tpu.memory_space<vmem>>) semaphore(%arg12 : memref<!tpu.dma_semaphore, #tpu.memory_space<semaphore_mem>>)
    %scan3A_28 = arith.constant 0 : i32
    %scan3A_29 = arith.constant 0 : i32
    %scan3A_30 = arith.constant 31 : i32
    %scan3A_31 = arith.addi %scan3A_29, %scan3A_30 : i32
    %scan3A_32 = arith.constant 1 : i32
    %scan3A_33 = scf.for %scan3A_54 = %scan3A_29 to %scan3A_31 step %scan3A_32 iter_args(%scan3A_55 = %scan3A_28) -> (i32)  : i32 {
      %mul3A_56 = arith.constant 4 : i32
      %mul3A_57 = arith.muli %scan3A_54, %mul3A_56 : i32
      %add3A_58 = arith.constant 1 : i32
      %add3A_59 = arith.addi %mul3A_57, %add3A_58 : i32
      %dma_start3A_60 = arith.constant 0 : i32
      %dma_start3A_61 = tpu.memref_slice %arg6[%add3A_59, %dma_start3A_60] : memref<125x80xi32, #tpu.memory_space<vmem>> -> memref<1x80xi32, #tpu.memory_space<vmem>>
      %dma_start3A_62 = tpu.memref_squeeze %dma_start3A_61 : memref<1x80xi32, #tpu.memory_space<vmem>> -> memref<80xi32, #tpu.memory_space<vmem>>
      %dma_start3A_63 = arith.constant 0 : i32
      %dma_start3A_64 = arith.constant 0 : i32
      %dma_start3A_65 = tpu.memref_slice %arg2[%dma_start3A_63, %dma_start3A_64] : memref<10240x128xf32, #tpu.memory_space<hbm>> -> memref<10240x128xf32, #tpu.memory_space<hbm>>
      tpu.enqueue_indirect_dma source(%dma_start3A_65 : memref<10240x128xf32, #tpu.memory_space<hbm>>) target(%arg10 : memref<80x128xf32, #tpu.memory_space<vmem>>) offsets(%dma_start3A_62 : memref<80xi32, #tpu.memory_space<vmem>>) semaphore(%arg13 : memref<!tpu.dma_semaphore, #tpu.memory_space<semaphore_mem>>)
      %dma_wait3A_66 = arith.constant 0 : i32
      %dma_wait3A_67 = tpu.memref_slice %arg6[%mul3A_57, %dma_wait3A_66] : memref<125x80xi32, #tpu.memory_space<vmem>> -> memref<1x80xi32, #tpu.memory_space<vmem>>
      %dma_wait3A_68 = tpu.memref_squeeze %dma_wait3A_67 : memref<1x80xi32, #tpu.memory_space<vmem>> -> memref<80xi32, #tpu.memory_space<vmem>>
      %dma_wait3A_69 = arith.constant 0 : i32
      %dma_wait3A_70 = arith.constant 0 : i32
      %dma_wait3A_71 = tpu.memref_slice %arg2[%dma_wait3A_69, %dma_wait3A_70] : memref<10240x128xf32, #tpu.memory_space<hbm>> -> memref<10240x128xf32, #tpu.memory_space<hbm>>
      tpu.wait_indirect_dma semaphore(%arg12 : memref<!tpu.dma_semaphore, #tpu.memory_space<semaphore_mem>>) src(%dma_wait3A_71 : memref<10240x128xf32, #tpu.memory_space<hbm>>) dst(%arg9 : memref<80x128xf32, #tpu.memory_space<vmem>>)
      %run_scoped3A_72 = arith.constant 0 : i32
      "tpu.region"() ({
        %run_scoped3A_160 = tpu.sem_alloc : memref<!tpu.dma_semaphore, #tpu.memory_space<semaphore_mem>>
        %dma_start3A_161 = arith.constant 0 : i32
        %dma_start3A_162 = tpu.memref_slice %arg7[%run_scoped3A_72, %dma_start3A_161] : memref<2x80xi32, #tpu.memory_space<vmem>> -> memref<1x80xi32, #tpu.memory_space<vmem>>
        %dma_start3A_163 = tpu.memref_squeeze %dma_start3A_162 : memref<1x80xi32, #tpu.memory_space<vmem>> -> memref<80xi32, #tpu.memory_space<vmem>>
        %dma_start3A_164 = arith.constant 0 : i32
        %dma_start3A_165 = arith.constant 0 : i32
        %dma_start3A_166 = tpu.memref_slice %arg11[%dma_start3A_164, %dma_start3A_165] : memref<10240x128xf32, #tpu.memory_space<vmem_shared>> -> memref<10240x128xf32, #tpu.memory_space<vmem_shared>>
        tpu.enqueue_indirect_dma source(%arg9 : memref<80x128xf32, #tpu.memory_space<vmem>>) target(%dma_start3A_166 : memref<10240x128xf32, #tpu.memory_space<vmem_shared>>) offsets(%dma_start3A_163 : memref<80xi32, #tpu.memory_space<vmem>>) semaphore(%run_scoped3A_160 : memref<!tpu.dma_semaphore, #tpu.memory_space<semaphore_mem>>) {add = true}
        %dma_wait3A_167 = arith.constant 0 : i32
        %dma_wait3A_168 = tpu.memref_slice %arg7[%run_scoped3A_72, %dma_wait3A_167] : memref<2x80xi32, #tpu.memory_space<vmem>> -> memref<1x80xi32, #tpu.memory_space<vmem>>
        %dma_wait3A_169 = tpu.memref_squeeze %dma_wait3A_168 : memref<1x80xi32, #tpu.memory_space<vmem>> -> memref<80xi32, #tpu.memory_space<vmem>>
        %dma_wait3A_170 = arith.constant 0 : i32
        %dma_wait3A_171 = arith.constant 0 : i32
        %dma_wait3A_172 = tpu.memref_slice %arg11[%dma_wait3A_170, %dma_wait3A_171] : memref<10240x128xf32, #tpu.memory_space<vmem_shared>> -> memref<10240x128xf32, #tpu.memory_space<vmem_shared>>
        tpu.wait_indirect_dma semaphore(%run_scoped3A_160 : memref<!tpu.dma_semaphore, #tpu.memory_space<semaphore_mem>>) src(%arg9 : memref<80x128xf32, #tpu.memory_space<vmem>>) dst(%dma_wait3A_172 : memref<10240x128xf32, #tpu.memory_space<vmem_shared>>)
        tpu.yield
      }) : () -> ()
      %add3A_73 = arith.constant 2 : i32
      %add3A_74 = arith.addi %mul3A_57, %add3A_73 : i32
      %dma_start3A_75 = arith.constant 0 : i32
      %dma_start3A_76 = tpu.memref_slice %arg6[%add3A_74, %dma_start3A_75] : memref<125x80xi32, #tpu.memory_space<vmem>> -> memref<1x80xi32, #tpu.memory_space<vmem>>
      %dma_start3A_77 = tpu.memref_squeeze %dma_start3A_76 : memref<1x80xi32, #tpu.memory_space<vmem>> -> memref<80xi32, #tpu.memory_space<vmem>>
      %dma_start3A_78 = arith.constant 0 : i32
      %dma_start3A_79 = arith.constant 0 : i32
      %dma_start3A_80 = tpu.memref_slice %arg2[%dma_start3A_78, %dma_start3A_79] : memref<10240x128xf32, #tpu.memory_space<hbm>> -> memref<10240x128xf32, #tpu.memory_space<hbm>>
      tpu.enqueue_indirect_dma source(%dma_start3A_80 : memref<10240x128xf32, #tpu.memory_space<hbm>>) target(%arg9 : memref<80x128xf32, #tpu.memory_space<vmem>>) offsets(%dma_start3A_77 : memref<80xi32, #tpu.memory_space<vmem>>) semaphore(%arg12 : memref<!tpu.dma_semaphore, #tpu.memory_space<semaphore_mem>>)
      %add3A_81 = arith.constant 1 : i32
      %add3A_82 = arith.addi %mul3A_57, %add3A_81 : i32
      %dma_wait3A_83 = arith.constant 0 : i32
      %dma_wait3A_84 = tpu.memref_slice %arg6[%add3A_82, %dma_wait3A_83] : memref<125x80xi32, #tpu.memory_space<vmem>> -> memref<1x80xi32, #tpu.memory_space<vmem>>
      %dma_wait3A_85 = tpu.memref_squeeze %dma_wait3A_84 : memref<1x80xi32, #tpu.memory_space<vmem>> -> memref<80xi32, #tpu.memory_space<vmem>>
      %dma_wait3A_86 = arith.constant 0 : i32
      %dma_wait3A_87 = arith.constant 0 : i32
      %dma_wait3A_88 = tpu.memref_slice %arg2[%dma_wait3A_86, %dma_wait3A_87] : memref<10240x128xf32, #tpu.memory_space<hbm>> -> memref<10240x128xf32, #tpu.memory_space<hbm>>
      tpu.wait_indirect_dma semaphore(%arg13 : memref<!tpu.dma_semaphore, #tpu.memory_space<semaphore_mem>>) src(%dma_wait3A_88 : memref<10240x128xf32, #tpu.memory_space<hbm>>) dst(%arg10 : memref<80x128xf32, #tpu.memory_space<vmem>>)
      %run_scoped3A_89 = arith.constant 1 : i32
      "tpu.region"() ({
        %run_scoped3A_160 = tpu.sem_alloc : memref<!tpu.dma_semaphore, #tpu.memory_space<semaphore_mem>>
        %dma_start3A_161 = arith.constant 0 : i32
        %dma_start3A_162 = tpu.memref_slice %arg7[%run_scoped3A_89, %dma_start3A_161] : memref<2x80xi32, #tpu.memory_space<vmem>> -> memref<1x80xi32, #tpu.memory_space<vmem>>
        %dma_start3A_163 = tpu.memref_squeeze %dma_start3A_162 : memref<1x80xi32, #tpu.memory_space<vmem>> -> memref<80xi32, #tpu.memory_space<vmem>>
        %dma_start3A_164 = arith.constant 0 : i32
        %dma_start3A_165 = arith.constant 0 : i32
        %dma_start3A_166 = tpu.memref_slice %arg11[%dma_start3A_164, %dma_start3A_165] : memref<10240x128xf32, #tpu.memory_space<vmem_shared>> -> memref<10240x128xf32, #tpu.memory_space<vmem_shared>>
        tpu.enqueue_indirect_dma source(%arg10 : memref<80x128xf32, #tpu.memory_space<vmem>>) target(%dma_start3A_166 : memref<10240x128xf32, #tpu.memory_space<vmem_shared>>) offsets(%dma_start3A_163 : memref<80xi32, #tpu.memory_space<vmem>>) semaphore(%run_scoped3A_160 : memref<!tpu.dma_semaphore, #tpu.memory_space<semaphore_mem>>) {add = true}
        %dma_wait3A_167 = arith.constant 0 : i32
        %dma_wait3A_168 = tpu.memref_slice %arg7[%run_scoped3A_89, %dma_wait3A_167] : memref<2x80xi32, #tpu.memory_space<vmem>> -> memref<1x80xi32, #tpu.memory_space<vmem>>
        %dma_wait3A_169 = tpu.memref_squeeze %dma_wait3A_168 : memref<1x80xi32, #tpu.memory_space<vmem>> -> memref<80xi32, #tpu.memory_space<vmem>>
        %dma_wait3A_170 = arith.constant 0 : i32
        %dma_wait3A_171 = arith.constant 0 : i32
        %dma_wait3A_172 = tpu.memref_slice %arg11[%dma_wait3A_170, %dma_wait3A_171] : memref<10240x128xf32, #tpu.memory_space<vmem_shared>> -> memref<10240x128xf32, #tpu.memory_space<vmem_shared>>
        tpu.wait_indirect_dma semaphore(%run_scoped3A_160 : memref<!tpu.dma_semaphore, #tpu.memory_space<semaphore_mem>>) src(%arg10 : memref<80x128xf32, #tpu.memory_space<vmem>>) dst(%dma_wait3A_172 : memref<10240x128xf32, #tpu.memory_space<vmem_shared>>)
        tpu.yield
      }) : () -> ()
      %add3A_90 = arith.constant 3 : i32
      %add3A_91 = arith.addi %mul3A_57, %add3A_90 : i32
      %dma_start3A_92 = arith.constant 0 : i32
      %dma_start3A_93 = tpu.memref_slice %arg6[%add3A_91, %dma_start3A_92] : memref<125x80xi32, #tpu.memory_space<vmem>> -> memref<1x80xi32, #tpu.memory_space<vmem>>
      %dma_start3A_94 = tpu.memref_squeeze %dma_start3A_93 : memref<1x80xi32, #tpu.memory_space<vmem>> -> memref<80xi32, #tpu.memory_space<vmem>>
      %dma_start3A_95 = arith.constant 0 : i32
      %dma_start3A_96 = arith.constant 0 : i32
      %dma_start3A_97 = tpu.memref_slice %arg2[%dma_start3A_95, %dma_start3A_96] : memref<10240x128xf32, #tpu.memory_space<hbm>> -> memref<10240x128xf32, #tpu.memory_space<hbm>>
      tpu.enqueue_indirect_dma source(%dma_start3A_97 : memref<10240x128xf32, #tpu.memory_space<hbm>>) target(%arg10 : memref<80x128xf32, #tpu.memory_space<vmem>>) offsets(%dma_start3A_94 : memref<80xi32, #tpu.memory_space<vmem>>) semaphore(%arg13 : memref<!tpu.dma_semaphore, #tpu.memory_space<semaphore_mem>>)
      %add3A_98 = arith.constant 2 : i32
      %add3A_99 = arith.addi %mul3A_57, %add3A_98 : i32
      %dma_wait3A_100 = arith.constant 0 : i32
      %dma_wait3A_101 = tpu.memref_slice %arg4[%add3A, %add3A_99, %dma_wait3A_100] : memref<32x128x80xi32, #tpu.memory_space<hbm>> -> memref<1x2x80xi32, #tpu.memory_space<hbm>>
      %dma_wait3A_102 = tpu.memref_squeeze %dma_wait3A_101 : memref<1x2x80xi32, #tpu.memory_space<hbm>> -> memref<2x80xi32, #tpu.memory_space<hbm>>
      %dma_wait3A_103 = arith.constant 0 : i32
      %dma_wait3A_104 = tpu.memref_slice %arg4[%add3A, %add3A_99, %dma_wait3A_103] : memref<32x128x80xi32, #tpu.memory_space<hbm>> -> memref<1x2x80xi32, #tpu.memory_space<hbm>>
      %dma_wait3A_105 = tpu.memref_squeeze %dma_wait3A_104 : memref<1x2x80xi32, #tpu.memory_space<hbm>> -> memref<2x80xi32, #tpu.memory_space<hbm>>
      tpu.wait_dma2 semaphore(%arg14 : memref<!tpu.dma_semaphore, #tpu.memory_space<semaphore_mem>>) src(%dma_wait3A_105 : memref<2x80xi32, #tpu.memory_space<hbm>>) dst(%arg8 : memref<2x80xi32, #tpu.memory_space<vmem>>)
      %add3A_106 = arith.constant 4 : i32
      %add3A_107 = arith.addi %mul3A_57, %add3A_106 : i32
      %dma_start3A_108 = arith.constant 0 : i32
      %dma_start3A_109 = tpu.memref_slice %arg4[%add3A, %add3A_107, %dma_start3A_108] : memref<32x128x80xi32, #tpu.memory_space<hbm>> -> memref<1x2x80xi32, #tpu.memory_space<hbm>>
      %dma_start3A_110 = tpu.memref_squeeze %dma_start3A_109 : memref<1x2x80xi32, #tpu.memory_space<hbm>> -> memref<2x80xi32, #tpu.memory_space<hbm>>
      %dma_start3A_111 = arith.constant 0 : i32
      %dma_start3A_112 = tpu.memref_slice %arg4[%add3A, %add3A_107, %dma_start3A_111] : memref<32x128x80xi32, #tpu.memory_space<hbm>> -> memref<1x2x80xi32, #tpu.memory_space<hbm>>
      %dma_start3A_113 = tpu.memref_squeeze %dma_start3A_112 : memref<1x2x80xi32, #tpu.memory_space<hbm>> -> memref<2x80xi32, #tpu.memory_space<hbm>>
      tpu.enqueue_dma source(%dma_start3A_113 : memref<2x80xi32, #tpu.memory_space<hbm>>) target(%arg7 : memref<2x80xi32, #tpu.memory_space<vmem>>) target_semaphore(%arg14 : memref<!tpu.dma_semaphore, #tpu.memory_space<semaphore_mem>>)
      %add3A_114 = arith.constant 2 : i32
      %add3A_115 = arith.addi %mul3A_57, %add3A_114 : i32
      %dma_wait3A_116 = arith.constant 0 : i32
      %dma_wait3A_117 = tpu.memref_slice %arg6[%add3A_115, %dma_wait3A_116] : memref<125x80xi32, #tpu.memory_space<vmem>> -> memref<1x80xi32, #tpu.memory_space<vmem>>
      %dma_wait3A_118 = tpu.memref_squeeze %dma_wait3A_117 : memref<1x80xi32, #tpu.memory_space<vmem>> -> memref<80xi32, #tpu.memory_space<vmem>>
      %dma_wait3A_119 = arith.constant 0 : i32
      %dma_wait3A_120 = arith.constant 0 : i32
      %dma_wait3A_121 = tpu.memref_slice %arg2[%dma_wait3A_119, %dma_wait3A_120] : memref<10240x128xf32, #tpu.memory_space<hbm>> -> memref<10240x128xf32, #tpu.memory_space<hbm>>
      tpu.wait_indirect_dma semaphore(%arg12 : memref<!tpu.dma_semaphore, #tpu.memory_space<semaphore_mem>>) src(%dma_wait3A_121 : memref<10240x128xf32, #tpu.memory_space<hbm>>) dst(%arg9 : memref<80x128xf32, #tpu.memory_space<vmem>>)
      %run_scoped3A_122 = arith.constant 0 : i32
      "tpu.region"() ({
        %run_scoped3A_160 = tpu.sem_alloc : memref<!tpu.dma_semaphore, #tpu.memory_space<semaphore_mem>>
        %dma_start3A_161 = arith.constant 0 : i32
        %dma_start3A_162 = tpu.memref_slice %arg8[%run_scoped3A_122, %dma_start3A_161] : memref<2x80xi32, #tpu.memory_space<vmem>> -> memref<1x80xi32, #tpu.memory_space<vmem>>
        %dma_start3A_163 = tpu.memref_squeeze %dma_start3A_162 : memref<1x80xi32, #tpu.memory_space<vmem>> -> memref<80xi32, #tpu.memory_space<vmem>>
        %dma_start3A_164 = arith.constant 0 : i32
        %dma_start3A_165 = arith.constant 0 : i32
        %dma_start3A_166 = tpu.memref_slice %arg11[%dma_start3A_164, %dma_start3A_165] : memref<10240x128xf32, #tpu.memory_space<vmem_shared>> -> memref<10240x128xf32, #tpu.memory_space<vmem_shared>>
        tpu.enqueue_indirect_dma source(%arg9 : memref<80x128xf32, #tpu.memory_space<vmem>>) target(%dma_start3A_166 : memref<10240x128xf32, #tpu.memory_space<vmem_shared>>) offsets(%dma_start3A_163 : memref<80xi32, #tpu.memory_space<vmem>>) semaphore(%run_scoped3A_160 : memref<!tpu.dma_semaphore, #tpu.memory_space<semaphore_mem>>) {add = true}
        %dma_wait3A_167 = arith.constant 0 : i32
        %dma_wait3A_168 = tpu.memref_slice %arg8[%run_scoped3A_122, %dma_wait3A_167] : memref<2x80xi32, #tpu.memory_space<vmem>> -> memref<1x80xi32, #tpu.memory_space<vmem>>
        %dma_wait3A_169 = tpu.memref_squeeze %dma_wait3A_168 : memref<1x80xi32, #tpu.memory_space<vmem>> -> memref<80xi32, #tpu.memory_space<vmem>>
        %dma_wait3A_170 = arith.constant 0 : i32
        %dma_wait3A_171 = arith.constant 0 : i32
        %dma_wait3A_172 = tpu.memref_slice %arg11[%dma_wait3A_170, %dma_wait3A_171] : memref<10240x128xf32, #tpu.memory_space<vmem_shared>> -> memref<10240x128xf32, #tpu.memory_space<vmem_shared>>
        tpu.wait_indirect_dma semaphore(%run_scoped3A_160 : memref<!tpu.dma_semaphore, #tpu.memory_space<semaphore_mem>>) src(%arg9 : memref<80x128xf32, #tpu.memory_space<vmem>>) dst(%dma_wait3A_172 : memref<10240x128xf32, #tpu.memory_space<vmem_shared>>)
        tpu.yield
      }) : () -> ()
      %add3A_123 = arith.constant 4 : i32
      %add3A_124 = arith.addi %mul3A_57, %add3A_123 : i32
      %lt3A = arith.constant 125 : i32
      %lt3A_125 = arith.cmpi slt, %add3A_124, %lt3A : i32
      %convert_element_type3A = arith.extui %lt3A_125 : i1 to i32
      %cond3A = arith.constant 0 : i32
      %cond3A_126 = arith.cmpi ne, %convert_element_type3A, %cond3A : i32
      scf.if %cond3A_126 {
        %add3A_160 = arith.constant 4 : i32
        %add3A_161 = arith.addi %mul3A_57, %add3A_160 : i32
        %dma_start3A_162 = arith.constant 0 : i32
        %dma_start3A_163 = tpu.memref_slice %arg6[%add3A_161, %dma_start3A_162] : memref<125x80xi32, #tpu.memory_space<vmem>> -> memref<1x80xi32, #tpu.memory_space<vmem>>
        %dma_start3A_164 = tpu.memref_squeeze %dma_start3A_163 : memref<1x80xi32, #tpu.memory_space<vmem>> -> memref<80xi32, #tpu.memory_space<vmem>>
        %dma_start3A_165 = arith.constant 0 : i32
        %dma_start3A_166 = arith.constant 0 : i32
        %dma_start3A_167 = tpu.memref_slice %arg2[%dma_start3A_165, %dma_start3A_166] : memref<10240x128xf32, #tpu.memory_space<hbm>> -> memref<10240x128xf32, #tpu.memory_space<hbm>>
        tpu.enqueue_indirect_dma source(%dma_start3A_167 : memref<10240x128xf32, #tpu.memory_space<hbm>>) target(%arg9 : memref<80x128xf32, #tpu.memory_space<vmem>>) offsets(%dma_start3A_164 : memref<80xi32, #tpu.memory_space<vmem>>) semaphore(%arg12 : memref<!tpu.dma_semaphore, #tpu.memory_space<semaphore_mem>>)
      } else {
      }
      %add3A_127 = arith.constant 3 : i32
      %add3A_128 = arith.addi %mul3A_57, %add3A_127 : i32
      %dma_wait3A_129 = arith.constant 0 : i32
      %dma_wait3A_130 = tpu.memref_slice %arg6[%add3A_128, %dma_wait3A_129] : memref<125x80xi32, #tpu.memory_space<vmem>> -> memref<1x80xi32, #tpu.memory_space<vmem>>
      %dma_wait3A_131 = tpu.memref_squeeze %dma_wait3A_130 : memref<1x80xi32, #tpu.memory_space<vmem>> -> memref<80xi32, #tpu.memory_space<vmem>>
      %dma_wait3A_132 = arith.constant 0 : i32
      %dma_wait3A_133 = arith.constant 0 : i32
      %dma_wait3A_134 = tpu.memref_slice %arg2[%dma_wait3A_132, %dma_wait3A_133] : memref<10240x128xf32, #tpu.memory_space<hbm>> -> memref<10240x128xf32, #tpu.memory_space<hbm>>
      tpu.wait_indirect_dma semaphore(%arg13 : memref<!tpu.dma_semaphore, #tpu.memory_space<semaphore_mem>>) src(%dma_wait3A_134 : memref<10240x128xf32, #tpu.memory_space<hbm>>) dst(%arg10 : memref<80x128xf32, #tpu.memory_space<vmem>>)
      %run_scoped3A_135 = arith.constant 1 : i32
      "tpu.region"() ({
        %run_scoped3A_160 = tpu.sem_alloc : memref<!tpu.dma_semaphore, #tpu.memory_space<semaphore_mem>>
        %dma_start3A_161 = arith.constant 0 : i32
        %dma_start3A_162 = tpu.memref_slice %arg8[%run_scoped3A_135, %dma_start3A_161] : memref<2x80xi32, #tpu.memory_space<vmem>> -> memref<1x80xi32, #tpu.memory_space<vmem>>
        %dma_start3A_163 = tpu.memref_squeeze %dma_start3A_162 : memref<1x80xi32, #tpu.memory_space<vmem>> -> memref<80xi32, #tpu.memory_space<vmem>>
        %dma_start3A_164 = arith.constant 0 : i32
        %dma_start3A_165 = arith.constant 0 : i32
        %dma_start3A_166 = tpu.memref_slice %arg11[%dma_start3A_164, %dma_start3A_165] : memref<10240x128xf32, #tpu.memory_space<vmem_shared>> -> memref<10240x128xf32, #tpu.memory_space<vmem_shared>>
        tpu.enqueue_indirect_dma source(%arg10 : memref<80x128xf32, #tpu.memory_space<vmem>>) target(%dma_start3A_166 : memref<10240x128xf32, #tpu.memory_space<vmem_shared>>) offsets(%dma_start3A_163 : memref<80xi32, #tpu.memory_space<vmem>>) semaphore(%run_scoped3A_160 : memref<!tpu.dma_semaphore, #tpu.memory_space<semaphore_mem>>) {add = true}
        %dma_wait3A_167 = arith.constant 0 : i32
        %dma_wait3A_168 = tpu.memref_slice %arg8[%run_scoped3A_135, %dma_wait3A_167] : memref<2x80xi32, #tpu.memory_space<vmem>> -> memref<1x80xi32, #tpu.memory_space<vmem>>
        %dma_wait3A_169 = tpu.memref_squeeze %dma_wait3A_168 : memref<1x80xi32, #tpu.memory_space<vmem>> -> memref<80xi32, #tpu.memory_space<vmem>>
        %dma_wait3A_170 = arith.constant 0 : i32
        %dma_wait3A_171 = arith.constant 0 : i32
        %dma_wait3A_172 = tpu.memref_slice %arg11[%dma_wait3A_170, %dma_wait3A_171] : memref<10240x128xf32, #tpu.memory_space<vmem_shared>> -> memref<10240x128xf32, #tpu.memory_space<vmem_shared>>
        tpu.wait_indirect_dma semaphore(%run_scoped3A_160 : memref<!tpu.dma_semaphore, #tpu.memory_space<semaphore_mem>>) src(%arg10 : memref<80x128xf32, #tpu.memory_space<vmem>>) dst(%dma_wait3A_172 : memref<10240x128xf32, #tpu.memory_space<vmem_shared>>)
        tpu.yield
      }) : () -> ()
      %add3A_136 = arith.constant 5 : i32
      %add3A_137 = arith.addi %mul3A_57, %add3A_136 : i32
      %lt3A_138 = arith.constant 125 : i32
      %lt3A_139 = arith.cmpi slt, %add3A_137, %lt3A_138 : i32
      %convert_element_type3A_140 = arith.extui %lt3A_139 : i1 to i32
      %cond3A_141 = arith.constant 0 : i32
      %cond3A_142 = arith.cmpi ne, %convert_element_type3A_140, %cond3A_141 : i32
      scf.if %cond3A_142 {
        %add3A_160 = arith.constant 5 : i32
        %add3A_161 = arith.addi %mul3A_57, %add3A_160 : i32
        %dma_start3A_162 = arith.constant 0 : i32
        %dma_start3A_163 = tpu.memref_slice %arg6[%add3A_161, %dma_start3A_162] : memref<125x80xi32, #tpu.memory_space<vmem>> -> memref<1x80xi32, #tpu.memory_space<vmem>>
        %dma_start3A_164 = tpu.memref_squeeze %dma_start3A_163 : memref<1x80xi32, #tpu.memory_space<vmem>> -> memref<80xi32, #tpu.memory_space<vmem>>
        %dma_start3A_165 = arith.constant 0 : i32
        %dma_start3A_166 = arith.constant 0 : i32
        %dma_start3A_167 = tpu.memref_slice %arg2[%dma_start3A_165, %dma_start3A_166] : memref<10240x128xf32, #tpu.memory_space<hbm>> -> memref<10240x128xf32, #tpu.memory_space<hbm>>
        tpu.enqueue_indirect_dma source(%dma_start3A_167 : memref<10240x128xf32, #tpu.memory_space<hbm>>) target(%arg10 : memref<80x128xf32, #tpu.memory_space<vmem>>) offsets(%dma_start3A_164 : memref<80xi32, #tpu.memory_space<vmem>>) semaphore(%arg13 : memref<!tpu.dma_semaphore, #tpu.memory_space<semaphore_mem>>)
      } else {
      }
      %add3A_143 = arith.constant 4 : i32
      %add3A_144 = arith.addi %mul3A_57, %add3A_143 : i32
      %dma_wait3A_145 = arith.constant 0 : i32
      %dma_wait3A_146 = tpu.memref_slice %arg4[%add3A, %add3A_144, %dma_wait3A_145] : memref<32x128x80xi32, #tpu.memory_space<hbm>> -> memref<1x2x80xi32, #tpu.memory_space<hbm>>
      %dma_wait3A_147 = tpu.memref_squeeze %dma_wait3A_146 : memref<1x2x80xi32, #tpu.memory_space<hbm>> -> memref<2x80xi32, #tpu.memory_space<hbm>>
      %dma_wait3A_148 = arith.constant 0 : i32
      %dma_wait3A_149 = tpu.memref_slice %arg4[%add3A, %add3A_144, %dma_wait3A_148] : memref<32x128x80xi32, #tpu.memory_space<hbm>> -> memref<1x2x80xi32, #tpu.memory_space<hbm>>
      %dma_wait3A_150 = tpu.memref_squeeze %dma_wait3A_149 : memref<1x2x80xi32, #tpu.memory_space<hbm>> -> memref<2x80xi32, #tpu.memory_space<hbm>>
      tpu.wait_dma2 semaphore(%arg14 : memref<!tpu.dma_semaphore, #tpu.memory_space<semaphore_mem>>) src(%dma_wait3A_150 : memref<2x80xi32, #tpu.memory_space<hbm>>) dst(%arg7 : memref<2x80xi32, #tpu.memory_space<vmem>>)
      %add3A_151 = arith.constant 6 : i32
      %add3A_152 = arith.addi %mul3A_57, %add3A_151 : i32
      %dma_start3A_153 = arith.constant 0 : i32
      %dma_start3A_154 = tpu.memref_slice %arg4[%add3A, %add3A_152, %dma_start3A_153] : memref<32x128x80xi32, #tpu.memory_space<hbm>> -> memref<1x2x80xi32, #tpu.memory_space<hbm>>
      %dma_start3A_155 = tpu.memref_squeeze %dma_start3A_154 : memref<1x2x80xi32, #tpu.memory_space<hbm>> -> memref<2x80xi32, #tpu.memory_space<hbm>>
      %dma_start3A_156 = arith.constant 0 : i32
      %dma_start3A_157 = tpu.memref_slice %arg4[%add3A, %add3A_152, %dma_start3A_156] : memref<32x128x80xi32, #tpu.memory_space<hbm>> -> memref<1x2x80xi32, #tpu.memory_space<hbm>>
      %dma_start3A_158 = tpu.memref_squeeze %dma_start3A_157 : memref<1x2x80xi32, #tpu.memory_space<hbm>> -> memref<2x80xi32, #tpu.memory_space<hbm>>
      tpu.enqueue_dma source(%dma_start3A_158 : memref<2x80xi32, #tpu.memory_space<hbm>>) target(%arg8 : memref<2x80xi32, #tpu.memory_space<vmem>>) target_semaphore(%arg14 : memref<!tpu.dma_semaphore, #tpu.memory_space<semaphore_mem>>)
      %scan3A_159 = arith.constant 0 : i32
      scf.yield %scan3A_159 : i32
    }
    %scan3A_34 = arith.constant 31 : i32
    %dma_wait3A = arith.constant 124 : i32
    %dma_wait3A_35 = arith.constant 0 : i32
    %dma_wait3A_36 = tpu.memref_slice %arg6[%dma_wait3A, %dma_wait3A_35] : memref<125x80xi32, #tpu.memory_space<vmem>> -> memref<1x80xi32, #tpu.memory_space<vmem>>
    %dma_wait3A_37 = tpu.memref_squeeze %dma_wait3A_36 : memref<1x80xi32, #tpu.memory_space<vmem>> -> memref<80xi32, #tpu.memory_space<vmem>>
    %dma_wait3A_38 = arith.constant 0 : i32
    %dma_wait3A_39 = arith.constant 0 : i32
    %dma_wait3A_40 = tpu.memref_slice %arg2[%dma_wait3A_38, %dma_wait3A_39] : memref<10240x128xf32, #tpu.memory_space<hbm>> -> memref<10240x128xf32, #tpu.memory_space<hbm>>
    tpu.wait_indirect_dma semaphore(%arg12 : memref<!tpu.dma_semaphore, #tpu.memory_space<semaphore_mem>>) src(%dma_wait3A_40 : memref<10240x128xf32, #tpu.memory_space<hbm>>) dst(%arg9 : memref<80x128xf32, #tpu.memory_space<vmem>>)
    %run_scoped3A = arith.constant 0 : i32
    "tpu.region"() ({
      %run_scoped3A_54 = tpu.sem_alloc : memref<!tpu.dma_semaphore, #tpu.memory_space<semaphore_mem>>
      %dma_start3A_55 = arith.constant 0 : i32
      %dma_start3A_56 = tpu.memref_slice %arg7[%run_scoped3A, %dma_start3A_55] : memref<2x80xi32, #tpu.memory_space<vmem>> -> memref<1x80xi32, #tpu.memory_space<vmem>>
      %dma_start3A_57 = tpu.memref_squeeze %dma_start3A_56 : memref<1x80xi32, #tpu.memory_space<vmem>> -> memref<80xi32, #tpu.memory_space<vmem>>
      %dma_start3A_58 = arith.constant 0 : i32
      %dma_start3A_59 = arith.constant 0 : i32
      %dma_start3A_60 = tpu.memref_slice %arg11[%dma_start3A_58, %dma_start3A_59] : memref<10240x128xf32, #tpu.memory_space<vmem_shared>> -> memref<10240x128xf32, #tpu.memory_space<vmem_shared>>
      tpu.enqueue_indirect_dma source(%arg9 : memref<80x128xf32, #tpu.memory_space<vmem>>) target(%dma_start3A_60 : memref<10240x128xf32, #tpu.memory_space<vmem_shared>>) offsets(%dma_start3A_57 : memref<80xi32, #tpu.memory_space<vmem>>) semaphore(%run_scoped3A_54 : memref<!tpu.dma_semaphore, #tpu.memory_space<semaphore_mem>>) {add = true}
      %dma_wait3A_61 = arith.constant 0 : i32
      %dma_wait3A_62 = tpu.memref_slice %arg7[%run_scoped3A, %dma_wait3A_61] : memref<2x80xi32, #tpu.memory_space<vmem>> -> memref<1x80xi32, #tpu.memory_space<vmem>>
      %dma_wait3A_63 = tpu.memref_squeeze %dma_wait3A_62 : memref<1x80xi32, #tpu.memory_space<vmem>> -> memref<80xi32, #tpu.memory_space<vmem>>
      %dma_wait3A_64 = arith.constant 0 : i32
      %dma_wait3A_65 = arith.constant 0 : i32
      %dma_wait3A_66 = tpu.memref_slice %arg11[%dma_wait3A_64, %dma_wait3A_65] : memref<10240x128xf32, #tpu.memory_space<vmem_shared>> -> memref<10240x128xf32, #tpu.memory_space<vmem_shared>>
      tpu.wait_indirect_dma semaphore(%run_scoped3A_54 : memref<!tpu.dma_semaphore, #tpu.memory_space<semaphore_mem>>) src(%arg9 : memref<80x128xf32, #tpu.memory_space<vmem>>) dst(%dma_wait3A_66 : memref<10240x128xf32, #tpu.memory_space<vmem_shared>>)
      tpu.yield
    }) : () -> ()
    %dma_wait3A_41 = arith.constant 0 : i32
    %dma_wait3A_42 = arith.constant 0 : i32
    %dma_wait3A_43 = tpu.memref_slice %arg4[%add3A, %dma_wait3A_41, %dma_wait3A_42] : memref<32x128x80xi32, #tpu.memory_space<hbm>> -> memref<1x2x80xi32, #tpu.memory_space<hbm>>
    %dma_wait3A_44 = tpu.memref_squeeze %dma_wait3A_43 : memref<1x2x80xi32, #tpu.memory_space<hbm>> -> memref<2x80xi32, #tpu.memory_space<hbm>>
    %dma_wait3A_45 = arith.constant 0 : i32
    %dma_wait3A_46 = arith.constant 0 : i32
    %dma_wait3A_47 = tpu.memref_slice %arg4[%add3A, %dma_wait3A_45, %dma_wait3A_46] : memref<32x128x80xi32, #tpu.memory_space<hbm>> -> memref<1x2x80xi32, #tpu.memory_space<hbm>>
    %dma_wait3A_48 = tpu.memref_squeeze %dma_wait3A_47 : memref<1x2x80xi32, #tpu.memory_space<hbm>> -> memref<2x80xi32, #tpu.memory_space<hbm>>
    tpu.wait_dma2 semaphore(%arg14 : memref<!tpu.dma_semaphore, #tpu.memory_space<semaphore_mem>>) src(%dma_wait3A_48 : memref<2x80xi32, #tpu.memory_space<hbm>>) dst(%arg8 : memref<2x80xi32, #tpu.memory_space<vmem>>)
    %barrier3A_49 = arith.constant 0 : index
    tpu.barrier barrier_id(%barrier3A_49)
    %mul3A_50 = arith.constant 640 : i32
    %mul3A_51 = arith.muli %arg1, %mul3A_50 : i32
    %mul3A_52 = arith.constant 640 : i32
    %mul3A_53 = arith.muli %arg1, %mul3A_52 : i32
    "tpu.region"() ({
      %run_scoped3A_54 = tpu.sem_alloc : memref<!tpu.dma_semaphore, #tpu.memory_space<semaphore_mem>>
      %dma_start3A_55 = arith.constant 0 : i32
      %dma_start3A_56 = tpu.memref_slice %arg5[%arg0, %mul3A_53, %dma_start3A_55] : memref<2x10240x128xf32, #tpu.memory_space<hbm>> -> memref<1x640x128xf32, #tpu.memory_space<hbm>>
      %dma_start3A_57 = tpu.memref_squeeze %dma_start3A_56 : memref<1x640x128xf32, #tpu.memory_space<hbm>> -> memref<640x128xf32, #tpu.memory_space<hbm>>
      %dma_start3A_58 = arith.constant 0 : i32
      %dma_start3A_59 = tpu.memref_slice %arg11[%mul3A_51, %dma_start3A_58] : memref<10240x128xf32, #tpu.memory_space<vmem_shared>> -> memref<640x128xf32, #tpu.memory_space<vmem_shared>>
      tpu.enqueue_dma source(%dma_start3A_59 : memref<640x128xf32, #tpu.memory_space<vmem_shared>>) target(%dma_start3A_57 : memref<640x128xf32, #tpu.memory_space<hbm>>) target_semaphore(%run_scoped3A_54 : memref<!tpu.dma_semaphore, #tpu.memory_space<semaphore_mem>>)
      %dma_wait3A_60 = arith.constant 0 : i32
      %dma_wait3A_61 = tpu.memref_slice %arg5[%arg0, %mul3A_53, %dma_wait3A_60] : memref<2x10240x128xf32, #tpu.memory_space<hbm>> -> memref<1x640x128xf32, #tpu.memory_space<hbm>>
      %dma_wait3A_62 = tpu.memref_squeeze %dma_wait3A_61 : memref<1x640x128xf32, #tpu.memory_space<hbm>> -> memref<640x128xf32, #tpu.memory_space<hbm>>
      %dma_wait3A_63 = arith.constant 0 : i32
      %dma_wait3A_64 = tpu.memref_slice %arg11[%mul3A_51, %dma_wait3A_63] : memref<10240x128xf32, #tpu.memory_space<vmem_shared>> -> memref<640x128xf32, #tpu.memory_space<vmem_shared>>
      tpu.wait_dma2 semaphore(%run_scoped3A_54 : memref<!tpu.dma_semaphore, #tpu.memory_space<semaphore_mem>>) src(%dma_wait3A_64 : memref<640x128xf32, #tpu.memory_space<vmem_shared>>) dst(%dma_wait3A_62 : memref<640x128xf32, #tpu.memory_space<hbm>>)
      tpu.yield
    }) : () -> ()
    return
  }
}

module attributes {stable_mosaic.version = 14 : i64} {
  func.func @_prep_body(%arg0: i32, %arg1: memref<5120x128xf32, #tpu.memory_space<vmem>>, %arg2: memref<2x5120x128xf32, #tpu.memory_space<vmem>>, %arg3: memref<128x128xf32, #tpu.memory_space<vmem>>, %arg4: memref<5120x128xf32, #tpu.memory_space<vmem>>, %arg5: memref<5120x16xf32, #tpu.memory_space<vmem>>) attributes {dimension_semantics = [#tpu.dimension_semantics<arbitrary>], iteration_bounds = array<i64: 2>, scalar_prefetch = 0 : i64, scratch_operands = 0 : i64, tpu.core_type = #tpu.core_type<tc>, window_params = [{transform_indices = @transform_0, window_bounds = array<i64: 5120, 128>}, {transform_indices = @transform_1, window_bounds = array<i64: 2, 5120, 128>}, {pipeline_mode = #tpu.pipeline_mode<synchronous>, transform_indices = @transform_2, window_bounds = array<i64: 128, 128>}, {transform_indices = @transform_3, window_bounds = array<i64: 5120, 128>}, {transform_indices = @transform_4, window_bounds = array<i64: 5120, 16>}]} {
    %get3A = arith.constant 0 : index
    %get3A_0 = arith.constant 0 : index
    %get3A_1 = arith.constant 0 : index
    %get3A_2 = vector.load %arg2[%get3A, %get3A_0, %get3A_1] : memref<2x5120x128xf32, #tpu.memory_space<vmem>>, vector<1x5120x1xf32>
    %get3A_3 = vector.shape_cast %get3A_2 : vector<1x5120x1xf32> to vector<5120x1xf32>
    %add3A = arith.constant 1.000000e+00 : f32
    %add3A_4 = vector.broadcast %add3A : f32 to vector<5120x1xf32>
    %add3A_5 = arith.addf %add3A_4, %get3A_3 : vector<5120x1xf32>
    %get3A_6 = arith.constant 1 : index
    %get3A_7 = arith.constant 0 : index
    %get3A_8 = arith.constant 0 : index
    %get3A_9 = vector.load %arg2[%get3A_6, %get3A_7, %get3A_8] : memref<2x5120x128xf32, #tpu.memory_space<vmem>>, vector<1x5120x1xf32>
    %get3A_10 = vector.shape_cast %get3A_9 : vector<1x5120x1xf32> to vector<5120x1xf32>
    %add3A_11 = arith.addf %add3A_5, %get3A_10 : vector<5120x1xf32>
    %rsqrt3A = math.rsqrt %add3A_11 : vector<5120x1xf32>
    %broadcast_in_dim3A = vector.shape_cast %rsqrt3A : vector<5120x1xf32> to vector<5120x1xf32>
    %broadcast_in_dim3A_12 = vector.broadcast %broadcast_in_dim3A : vector<5120x1xf32> to vector<5120x16xf32>
    %swap3A = arith.constant 0 : index
    %swap3A_13 = arith.constant 0 : index
    %swap3A_14 = vector.load %arg5[%swap3A, %swap3A_13] : memref<5120x16xf32, #tpu.memory_space<vmem>>, vector<5120x16xf32>
    tpu.vector_store %arg5[%swap3A, %swap3A_13], %broadcast_in_dim3A_12 {strides = array<i32>} : memref<5120x16xf32, #tpu.memory_space<vmem>>, vector<5120x16xf32>,
    %get3A_15 = arith.constant 0 : index
    %get3A_16 = arith.constant 0 : index
    %get3A_17 = vector.load %arg1[%get3A_15, %get3A_16] : memref<5120x128xf32, #tpu.memory_space<vmem>>, vector<5120x128xf32>
    %mul3A = vector.broadcast %rsqrt3A : vector<5120x1xf32> to vector<5120x128xf32>
    %mul3A_18 = arith.mulf %get3A_17, %mul3A : vector<5120x128xf32>
    %get3A_19 = arith.constant 0 : index
    %get3A_20 = arith.constant 0 : index
    %get3A_21 = vector.load %arg3[%get3A_19, %get3A_20] : memref<128x128xf32, #tpu.memory_space<vmem>>, vector<128x128xf32>
    %dot_general3A = arith.constant dense<0.000000e+00> : vector<5120x128xf32>
    %dot_general3A_22 = tpu.matmul %mul3A_18, %get3A_21, %dot_general3A {dimension_numbers = #tpu.dot_dimension_numbers<[1], [0], [0], [1], [0, 0, 1, 1], [], []>, transpose_lhs_hint = false} : vector<5120x128xf32>, vector<128x128xf32>, vector<5120x128xf32> -> vector<5120x128xf32>
    %swap3A_23 = arith.constant 0 : index
    %swap3A_24 = arith.constant 0 : index
    %swap3A_25 = vector.load %arg4[%swap3A_23, %swap3A_24] : memref<5120x128xf32, #tpu.memory_space<vmem>>, vector<5120x128xf32>
    tpu.vector_store %arg4[%swap3A_23, %swap3A_24], %dot_general3A_22 {strides = array<i32>} : memref<5120x128xf32, #tpu.memory_space<vmem>>, vector<5120x128xf32>,
    return
  }
  func.func @transform_0(%arg0: i32) -> (i32, i32) {
    %c0_i32 = arith.constant 0 : i32
    %c0_i32_0 = arith.constant 0 : i32
    return %arg0, %c0_i32 : i32, i32
  }
  func.func @transform_1(%arg0: i32) -> (i32, i32, i32) {
    %c0_i32 = arith.constant 0 : i32
    %c0_i32_0 = arith.constant 0 : i32
    %c0_i32_1 = arith.constant 0 : i32
    return %c0_i32, %arg0, %c0_i32_0 : i32, i32, i32
  }
  func.func @transform_2(%arg0: i32) -> (i32, i32) {
    %c0_i32 = arith.constant 0 : i32
    %c0_i32_0 = arith.constant 0 : i32
    %c0_i32_1 = arith.constant 0 : i32
    return %c0_i32, %c0_i32_0 : i32, i32
  }
  func.func @transform_3(%arg0: i32) -> (i32, i32) {
    %c0_i32 = arith.constant 0 : i32
    %c0_i32_0 = arith.constant 0 : i32
    return %arg0, %c0_i32 : i32, i32
  }
  func.func @transform_4(%arg0: i32) -> (i32, i32) {
    %c0_i32 = arith.constant 0 : i32
    %c0_i32_0 = arith.constant 0 : i32
    return %arg0, %c0_i32 : i32, i32
  }
}

module attributes {stable_mosaic.version = 14 : i64} {
  func.func @_mid_body(%arg0: i32, %arg1: memref<2x5120x128xf32, #tpu.memory_space<vmem>>, %arg2: memref<5120x128xf32, #tpu.memory_space<vmem>>, %arg3: memref<5120x16xf32, #tpu.memory_space<vmem>>, %arg4: memref<1x128xf32, #tpu.memory_space<vmem>>, %arg5: memref<128x128xf32, #tpu.memory_space<vmem>>, %arg6: memref<5120x128xf32, #tpu.memory_space<vmem>>) attributes {dimension_semantics = [#tpu.dimension_semantics<arbitrary>], iteration_bounds = array<i64: 2>, scalar_prefetch = 0 : i64, scratch_operands = 0 : i64, tpu.core_type = #tpu.core_type<tc>, window_params = [{transform_indices = @transform_0, window_bounds = array<i64: 2, 5120, 128>}, {transform_indices = @transform_1, window_bounds = array<i64: 5120, 128>}, {transform_indices = @transform_2, window_bounds = array<i64: 5120, 16>}, {pipeline_mode = #tpu.pipeline_mode<synchronous>, transform_indices = @transform_3, window_bounds = array<i64: 1, 128>}, {pipeline_mode = #tpu.pipeline_mode<synchronous>, transform_indices = @transform_4, window_bounds = array<i64: 128, 128>}, {transform_indices = @transform_5, window_bounds = array<i64: 5120, 128>}]} {
    %get3A = arith.constant 0 : index
    %get3A_0 = arith.constant 0 : index
    %get3A_1 = vector.load %arg3[%get3A, %get3A_0] : memref<5120x16xf32, #tpu.memory_space<vmem>>, vector<5120x1xf32>
    %get3A_2 = arith.constant 0 : index
    %get3A_3 = arith.constant 0 : index
    %get3A_4 = arith.constant 0 : index
    %get3A_5 = vector.load %arg1[%get3A_2, %get3A_3, %get3A_4] : memref<2x5120x128xf32, #tpu.memory_space<vmem>>, vector<1x5120x128xf32>
    %get3A_6 = vector.shape_cast %get3A_5 : vector<1x5120x128xf32> to vector<5120x128xf32>
    %get3A_7 = arith.constant 1 : index
    %get3A_8 = arith.constant 0 : index
    %get3A_9 = arith.constant 0 : index
    %get3A_10 = vector.load %arg1[%get3A_7, %get3A_8, %get3A_9] : memref<2x5120x128xf32, #tpu.memory_space<vmem>>, vector<1x5120x128xf32>
    %get3A_11 = vector.shape_cast %get3A_10 : vector<1x5120x128xf32> to vector<5120x128xf32>
    %add3A = arith.addf %get3A_6, %get3A_11 : vector<5120x128xf32>
    %get3A_12 = arith.constant 0 : index
    %get3A_13 = arith.constant 0 : index
    %get3A_14 = vector.load %arg2[%get3A_12, %get3A_13] : memref<5120x128xf32, #tpu.memory_space<vmem>>, vector<5120x128xf32>
    %add3A_15 = arith.addf %add3A, %get3A_14 : vector<5120x128xf32>
    %mul3A = vector.broadcast %get3A_1 : vector<5120x1xf32> to vector<5120x128xf32>
    %mul3A_16 = arith.mulf %mul3A, %add3A_15 : vector<5120x128xf32>
    %get3A_17 = arith.constant 0 : index
    %get3A_18 = arith.constant 0 : index
    %get3A_19 = vector.load %arg4[%get3A_17, %get3A_18] : memref<1x128xf32, #tpu.memory_space<vmem>>, vector<1x128xf32>
    %add3A_20 = vector.broadcast %get3A_19 : vector<1x128xf32> to vector<5120x128xf32>
    %add3A_21 = arith.addf %mul3A_16, %add3A_20 : vector<5120x128xf32>
    %max3A = arith.constant 0.000000e+00 : f32
    %max3A_22 = vector.broadcast %max3A : f32 to vector<5120x128xf32>
    %max3A_23 = arith.maximumf %add3A_21, %max3A_22 : vector<5120x128xf32>
    %mul3A_24 = vector.broadcast %get3A_1 : vector<5120x1xf32> to vector<5120x128xf32>
    %mul3A_25 = arith.mulf %max3A_23, %mul3A_24 : vector<5120x128xf32>
    %get3A_26 = arith.constant 0 : index
    %get3A_27 = arith.constant 0 : index
    %get3A_28 = vector.load %arg5[%get3A_26, %get3A_27] : memref<128x128xf32, #tpu.memory_space<vmem>>, vector<128x128xf32>
    %dot_general3A = arith.constant dense<0.000000e+00> : vector<5120x128xf32>
    %dot_general3A_29 = tpu.matmul %mul3A_25, %get3A_28, %dot_general3A {dimension_numbers = #tpu.dot_dimension_numbers<[1], [0], [0], [1], [0, 0, 1, 1], [], []>, transpose_lhs_hint = false} : vector<5120x128xf32>, vector<128x128xf32>, vector<5120x128xf32> -> vector<5120x128xf32>
    %swap3A = arith.constant 0 : index
    %swap3A_30 = arith.constant 0 : index
    %swap3A_31 = vector.load %arg6[%swap3A, %swap3A_30] : memref<5120x128xf32, #tpu.memory_space<vmem>>, vector<5120x128xf32>
    tpu.vector_store %arg6[%swap3A, %swap3A_30], %dot_general3A_29 {strides = array<i32>} : memref<5120x128xf32, #tpu.memory_space<vmem>>, vector<5120x128xf32>,
    return
  }
  func.func @transform_0(%arg0: i32) -> (i32, i32, i32) {
    %c0_i32 = arith.constant 0 : i32
    %c0_i32_0 = arith.constant 0 : i32
    %c0_i32_1 = arith.constant 0 : i32
    return %c0_i32, %arg0, %c0_i32_0 : i32, i32, i32
  }
  func.func @transform_1(%arg0: i32) -> (i32, i32) {
    %c0_i32 = arith.constant 0 : i32
    %c0_i32_0 = arith.constant 0 : i32
    return %arg0, %c0_i32 : i32, i32
  }
  func.func @transform_2(%arg0: i32) -> (i32, i32) {
    %c0_i32 = arith.constant 0 : i32
    %c0_i32_0 = arith.constant 0 : i32
    return %arg0, %c0_i32 : i32, i32
  }
  func.func @transform_3(%arg0: i32) -> (i32, i32) {
    %c0_i32 = arith.constant 0 : i32
    %c0_i32_0 = arith.constant 0 : i32
    %c0_i32_1 = arith.constant 0 : i32
    return %c0_i32, %c0_i32_0 : i32, i32
  }
  func.func @transform_4(%arg0: i32) -> (i32, i32) {
    %c0_i32 = arith.constant 0 : i32
    %c0_i32_0 = arith.constant 0 : i32
    %c0_i32_1 = arith.constant 0 : i32
    return %c0_i32, %c0_i32_0 : i32, i32
  }
  func.func @transform_5(%arg0: i32) -> (i32, i32) {
    %c0_i32 = arith.constant 0 : i32
    %c0_i32_0 = arith.constant 0 : i32
    return %arg0, %c0_i32 : i32, i32
  }
}

module attributes {stable_mosaic.version = 14 : i64} {
  func.func @_final_body(%arg0: i32, %arg1: memref<2x5120x128xf32, #tpu.memory_space<vmem>>, %arg2: memref<5120x128xf32, #tpu.memory_space<vmem>>, %arg3: memref<5120x16xf32, #tpu.memory_space<vmem>>, %arg4: memref<1x128xf32, #tpu.memory_space<vmem>>, %arg5: memref<5120x16xi32, #tpu.memory_space<vmem>>, %arg6: memref<64x128xf32, #tpu.memory_space<vmem>>, %arg7: memref<256x1024xf32, #tpu.memory_space<vmem>>, %arg8: memref<1x1024xf32, #tpu.memory_space<vmem>>, %arg9: memref<1024x80xf32, #tpu.memory_space<vmem>>, %arg10: memref<1x80xf32, #tpu.memory_space<vmem>>, %arg11: memref<64x80xf32, #tpu.memory_space<vmem>>, %arg12: memref<64x128xf32, #tpu.memory_space<vmem>>, %arg13: memref<64x1xf32, #tpu.memory_space<vmem>>) attributes {dimension_semantics = [#tpu.dimension_semantics<arbitrary>], iteration_bounds = array<i64: 2>, scalar_prefetch = 0 : i64, scratch_operands = 2 : i64, tpu.core_type = #tpu.core_type<tc>, window_params = [{transform_indices = @transform_0, window_bounds = array<i64: 2, 5120, 128>}, {transform_indices = @transform_1, window_bounds = array<i64: 5120, 128>}, {transform_indices = @transform_2, window_bounds = array<i64: 5120, 16>}, {pipeline_mode = #tpu.pipeline_mode<synchronous>, transform_indices = @transform_3, window_bounds = array<i64: 1, 128>}, {transform_indices = @transform_4, window_bounds = array<i64: 5120, 16>}, {pipeline_mode = #tpu.pipeline_mode<synchronous>, transform_indices = @transform_5, window_bounds = array<i64: 64, 128>}, {pipeline_mode = #tpu.pipeline_mode<synchronous>, transform_indices = @transform_6, window_bounds = array<i64: 256, 1024>}, {pipeline_mode = #tpu.pipeline_mode<synchronous>, transform_indices = @transform_7, window_bounds = array<i64: 1, 1024>}, {pipeline_mode = #tpu.pipeline_mode<synchronous>, transform_indices = @transform_8, window_bounds = array<i64: 1024, 80>}, {pipeline_mode = #tpu.pipeline_mode<synchronous>, transform_indices = @transform_9, window_bounds = array<i64: 1, 80>}, {pipeline_mode = #tpu.pipeline_mode<synchronous>, transform_indices = @transform_10, window_bounds = array<i64: 64, 80>}]} {
    %get3A = arith.constant 0 : index
    %get3A_0 = arith.constant 0 : index
    %get3A_1 = vector.load %arg3[%get3A, %get3A_0] : memref<5120x16xf32, #tpu.memory_space<vmem>>, vector<5120x1xf32>
    %get3A_2 = arith.constant 0 : index
    %get3A_3 = arith.constant 0 : index
    %get3A_4 = arith.constant 0 : index
    %get3A_5 = vector.load %arg1[%get3A_2, %get3A_3, %get3A_4] : memref<2x5120x128xf32, #tpu.memory_space<vmem>>, vector<1x5120x128xf32>
    %get3A_6 = vector.shape_cast %get3A_5 : vector<1x5120x128xf32> to vector<5120x128xf32>
    %get3A_7 = arith.constant 1 : index
    %get3A_8 = arith.constant 0 : index
    %get3A_9 = arith.constant 0 : index
    %get3A_10 = vector.load %arg1[%get3A_7, %get3A_8, %get3A_9] : memref<2x5120x128xf32, #tpu.memory_space<vmem>>, vector<1x5120x128xf32>
    %get3A_11 = vector.shape_cast %get3A_10 : vector<1x5120x128xf32> to vector<5120x128xf32>
    %add3A = arith.addf %get3A_6, %get3A_11 : vector<5120x128xf32>
    %get3A_12 = arith.constant 0 : index
    %get3A_13 = arith.constant 0 : index
    %get3A_14 = vector.load %arg2[%get3A_12, %get3A_13] : memref<5120x128xf32, #tpu.memory_space<vmem>>, vector<5120x128xf32>
    %add3A_15 = arith.addf %add3A, %get3A_14 : vector<5120x128xf32>
    %mul3A = vector.broadcast %get3A_1 : vector<5120x1xf32> to vector<5120x128xf32>
    %mul3A_16 = arith.mulf %mul3A, %add3A_15 : vector<5120x128xf32>
    %get3A_17 = arith.constant 0 : index
    %get3A_18 = arith.constant 0 : index
    %get3A_19 = vector.load %arg4[%get3A_17, %get3A_18] : memref<1x128xf32, #tpu.memory_space<vmem>>, vector<1x128xf32>
    %add3A_20 = vector.broadcast %get3A_19 : vector<1x128xf32> to vector<5120x128xf32>
    %add3A_21 = arith.addf %mul3A_16, %add3A_20 : vector<5120x128xf32>
    %max3A = arith.constant 0.000000e+00 : f32
    %max3A_22 = vector.broadcast %max3A : f32 to vector<5120x128xf32>
    %max3A_23 = arith.maximumf %add3A_21, %max3A_22 : vector<5120x128xf32>
    %iota3A = tpu.iota {dimensions = array<i32: 1>} : vector<5120x64xi32>
    %get3A_24 = arith.constant 0 : index
    %get3A_25 = arith.constant 0 : index
    %get3A_26 = vector.load %arg5[%get3A_24, %get3A_25] : memref<5120x16xi32, #tpu.memory_space<vmem>>, vector<5120x1xi32>
    %eq3A = vector.broadcast %get3A_26 : vector<5120x1xi32> to vector<5120x64xi32>
    %eq3A_27 = arith.cmpi eq, %eq3A, %iota3A : vector<5120x64xi32>
    %convert_element_type3A = arith.extui %eq3A_27 : vector<5120x64xi1> to vector<5120x64xi32>
    %convert_element_type3A_28 = arith.sitofp %convert_element_type3A : vector<5120x64xi32> to vector<5120x64xf32>
    %dot_general3A = arith.constant dense<0.000000e+00> : vector<64x128xf32>
    %dot_general3A_29 = tpu.matmul %convert_element_type3A_28, %max3A_23, %dot_general3A {dimension_numbers = #tpu.dot_dimension_numbers<[0], [0], [1], [1], [0, 1, 1, 1], [], []>, transpose_lhs_hint = false} : vector<5120x64xf32>, vector<5120x128xf32>, vector<64x128xf32> -> vector<64x128xf32>
    %broadcast_in_dim3A = arith.constant 1.000000e+00 : f32
    %broadcast_in_dim3A_30 = vector.broadcast %broadcast_in_dim3A : f32 to vector<5120x1xf32>
    %dot_general3A_31 = arith.constant dense<0.000000e+00> : vector<64x1xf32>
    %dot_general3A_32 = tpu.matmul %convert_element_type3A_28, %broadcast_in_dim3A_30, %dot_general3A_31 {dimension_numbers = #tpu.dot_dimension_numbers<[0], [0], [1], [1], [0, 1, 1, 1], [], []>, transpose_lhs_hint = false} : vector<5120x64xf32>, vector<5120x1xf32>, vector<64x1xf32> -> vector<64x1xf32>
    %eq3A_33 = arith.constant 0 : i32
    %eq3A_34 = arith.cmpi eq, %arg0, %eq3A_33 : i32
    %convert_element_type3A_35 = arith.extui %eq3A_34 : i1 to i32
    %cond3A = arith.constant 0 : i32
    %cond3A_36 = arith.cmpi ne, %convert_element_type3A_35, %cond3A : i32
    scf.if %cond3A_36 {
      %broadcast_in_dim3A_55 = arith.constant 0.000000e+00 : f32
      %broadcast_in_dim3A_56 = vector.broadcast %broadcast_in_dim3A_55 : f32 to vector<64x128xf32>
      %swap3A_57 = arith.constant 0 : index
      %swap3A_58 = arith.constant 0 : index
      %swap3A_59 = vector.load %arg12[%swap3A_57, %swap3A_58] : memref<64x128xf32, #tpu.memory_space<vmem>>, vector<64x128xf32>
      tpu.vector_store %arg12[%swap3A_57, %swap3A_58], %broadcast_in_dim3A_56 {strides = array<i32>} : memref<64x128xf32, #tpu.memory_space<vmem>>, vector<64x128xf32>,
      %broadcast_in_dim3A_60 = arith.constant 0.000000e+00 : f32
      %broadcast_in_dim3A_61 = vector.broadcast %broadcast_in_dim3A_60 : f32 to vector<64x1xf32>
      %swap3A_62 = arith.constant 0 : index
      %swap3A_63 = arith.constant 0 : index
      %swap3A_64 = vector.load %arg13[%swap3A_62, %swap3A_63] : memref<64x1xf32, #tpu.memory_space<vmem>>, vector<64x1xf32>
      tpu.vector_store %arg13[%swap3A_62, %swap3A_63], %broadcast_in_dim3A_61 {strides = array<i32>} : memref<64x1xf32, #tpu.memory_space<vmem>>, vector<64x1xf32>,
    } else {
    }
    %get3A_37 = arith.constant 0 : index
    %get3A_38 = arith.constant 0 : index
    %get3A_39 = vector.load %arg12[%get3A_37, %get3A_38] : memref<64x128xf32, #tpu.memory_space<vmem>>, vector<64x128xf32>
    %add3A_40 = arith.addf %get3A_39, %dot_general3A_29 : vector<64x128xf32>
    %swap3A = arith.constant 0 : index
    %swap3A_41 = arith.constant 0 : index
    %swap3A_42 = vector.load %arg12[%swap3A, %swap3A_41] : memref<64x128xf32, #tpu.memory_space<vmem>>, vector<64x128xf32>
    tpu.vector_store %arg12[%swap3A, %swap3A_41], %add3A_40 {strides = array<i32>} : memref<64x128xf32, #tpu.memory_space<vmem>>, vector<64x128xf32>,
    %get3A_43 = arith.constant 0 : index
    %get3A_44 = arith.constant 0 : index
    %get3A_45 = vector.load %arg13[%get3A_43, %get3A_44] : memref<64x1xf32, #tpu.memory_space<vmem>>, vector<64x1xf32>
    %add3A_46 = arith.addf %get3A_45, %dot_general3A_32 : vector<64x1xf32>
    %swap3A_47 = arith.constant 0 : index
    %swap3A_48 = arith.constant 0 : index
    %swap3A_49 = vector.load %arg13[%swap3A_47, %swap3A_48] : memref<64x1xf32, #tpu.memory_space<vmem>>, vector<64x1xf32>
    tpu.vector_store %arg13[%swap3A_47, %swap3A_48], %add3A_46 {strides = array<i32>} : memref<64x1xf32, #tpu.memory_space<vmem>>, vector<64x1xf32>,
    %eq3A_50 = arith.constant 1 : i32
    %eq3A_51 = arith.cmpi eq, %arg0, %eq3A_50 : i32
    %convert_element_type3A_52 = arith.extui %eq3A_51 : i1 to i32
    %cond3A_53 = arith.constant 0 : i32
    %cond3A_54 = arith.cmpi ne, %convert_element_type3A_52, %cond3A_53 : i32
    scf.if %cond3A_54 {
      %get3A_55 = arith.constant 0 : index
      %get3A_56 = arith.constant 0 : index
      %get3A_57 = vector.load %arg12[%get3A_55, %get3A_56] : memref<64x128xf32, #tpu.memory_space<vmem>>, vector<64x128xf32>
      %get3A_58 = arith.constant 0 : index
      %get3A_59 = arith.constant 0 : index
      %get3A_60 = vector.load %arg13[%get3A_58, %get3A_59] : memref<64x1xf32, #tpu.memory_space<vmem>>, vector<64x1xf32>
      %max3A_61 = arith.constant 1.000000e+00 : f32
      %max3A_62 = vector.broadcast %max3A_61 : f32 to vector<64x1xf32>
      %max3A_63 = arith.maximumf %get3A_60, %max3A_62 : vector<64x1xf32>
      %div3A = vector.broadcast %max3A_63 : vector<64x1xf32> to vector<64x128xf32>
      %div3A_64 = arith.divf %get3A_57, %div3A : vector<64x128xf32>
      %get3A_65 = arith.constant 0 : index
      %get3A_66 = arith.constant 0 : index
      %get3A_67 = vector.load %arg6[%get3A_65, %get3A_66] : memref<64x128xf32, #tpu.memory_space<vmem>>, vector<64x128xf32>
      %concatenate3A = tpu.concatenate %get3A_67, %div3A_64 in 1 : vector<64x128xf32>, vector<64x128xf32> -> vector<64x256xf32>
      %get3A_68 = arith.constant 0 : index
      %get3A_69 = arith.constant 0 : index
      %get3A_70 = vector.load %arg7[%get3A_68, %get3A_69] : memref<256x1024xf32, #tpu.memory_space<vmem>>, vector<256x1024xf32>
      %dot_general3A_71 = arith.constant dense<0.000000e+00> : vector<64x1024xf32>
      %dot_general3A_72 = tpu.matmul %concatenate3A, %get3A_70, %dot_general3A_71 {dimension_numbers = #tpu.dot_dimension_numbers<[1], [0], [0], [1], [0, 0, 1, 1], [], []>, transpose_lhs_hint = false} : vector<64x256xf32>, vector<256x1024xf32>, vector<64x1024xf32> -> vector<64x1024xf32>
      %get3A_73 = arith.constant 0 : index
      %get3A_74 = arith.constant 0 : index
      %get3A_75 = vector.load %arg8[%get3A_73, %get3A_74] : memref<1x1024xf32, #tpu.memory_space<vmem>>, vector<1x1024xf32>
      %add3A_76 = vector.broadcast %get3A_75 : vector<1x1024xf32> to vector<64x1024xf32>
      %add3A_77 = arith.addf %dot_general3A_72, %add3A_76 : vector<64x1024xf32>
      %max3A_78 = arith.constant 0.000000e+00 : f32
      %max3A_79 = vector.broadcast %max3A_78 : f32 to vector<64x1024xf32>
      %max3A_80 = arith.maximumf %add3A_77, %max3A_79 : vector<64x1024xf32>
      %get3A_81 = arith.constant 0 : index
      %get3A_82 = arith.constant 0 : index
      %get3A_83 = vector.load %arg9[%get3A_81, %get3A_82] : memref<1024x80xf32, #tpu.memory_space<vmem>>, vector<1024x80xf32>
      %dot_general3A_84 = arith.constant dense<0.000000e+00> : vector<64x80xf32>
      %dot_general3A_85 = tpu.matmul %max3A_80, %get3A_83, %dot_general3A_84 {dimension_numbers = #tpu.dot_dimension_numbers<[1], [0], [0], [1], [0, 0, 1, 1], [], []>, transpose_lhs_hint = false} : vector<64x1024xf32>, vector<1024x80xf32>, vector<64x80xf32> -> vector<64x80xf32>
      %get3A_86 = arith.constant 0 : index
      %get3A_87 = arith.constant 0 : index
      %get3A_88 = vector.load %arg10[%get3A_86, %get3A_87] : memref<1x80xf32, #tpu.memory_space<vmem>>, vector<1x80xf32>
      %add3A_89 = vector.broadcast %get3A_88 : vector<1x80xf32> to vector<64x80xf32>
      %add3A_90 = arith.addf %dot_general3A_85, %add3A_89 : vector<64x80xf32>
      %swap3A_91 = arith.constant 0 : index
      %swap3A_92 = arith.constant 0 : index
      %swap3A_93 = vector.load %arg11[%swap3A_91, %swap3A_92] : memref<64x80xf32, #tpu.memory_space<vmem>>, vector<64x80xf32>
      tpu.vector_store %arg11[%swap3A_91, %swap3A_92], %add3A_90 {strides = array<i32>} : memref<64x80xf32, #tpu.memory_space<vmem>>, vector<64x80xf32>,
    } else {
    }
    return
  }
  func.func @transform_0(%arg0: i32) -> (i32, i32, i32) {
    %c0_i32 = arith.constant 0 : i32
    %c0_i32_0 = arith.constant 0 : i32
    %c0_i32_1 = arith.constant 0 : i32
    return %c0_i32, %arg0, %c0_i32_0 : i32, i32, i32
  }
  func.func @transform_1(%arg0: i32) -> (i32, i32) {
    %c0_i32 = arith.constant 0 : i32
    %c0_i32_0 = arith.constant 0 : i32
    return %arg0, %c0_i32 : i32, i32
  }
  func.func @transform_2(%arg0: i32) -> (i32, i32) {
    %c0_i32 = arith.constant 0 : i32
    %c0_i32_0 = arith.constant 0 : i32
    return %arg0, %c0_i32 : i32, i32
  }
  func.func @transform_3(%arg0: i32) -> (i32, i32) {
    %c0_i32 = arith.constant 0 : i32
    %c0_i32_0 = arith.constant 0 : i32
    %c0_i32_1 = arith.constant 0 : i32
    return %c0_i32, %c0_i32_0 : i32, i32
  }
  func.func @transform_4(%arg0: i32) -> (i32, i32) {
    %c0_i32 = arith.constant 0 : i32
    %c0_i32_0 = arith.constant 0 : i32
    return %arg0, %c0_i32 : i32, i32
  }
  func.func @transform_5(%arg0: i32) -> (i32, i32) {
    %c0_i32 = arith.constant 0 : i32
    %c0_i32_0 = arith.constant 0 : i32
    %c0_i32_1 = arith.constant 0 : i32
    return %c0_i32, %c0_i32_0 : i32, i32
  }
  func.func @transform_6(%arg0: i32) -> (i32, i32) {
    %c0_i32 = arith.constant 0 : i32
    %c0_i32_0 = arith.constant 0 : i32
    %c0_i32_1 = arith.constant 0 : i32
    return %c0_i32, %c0_i32_0 : i32, i32
  }
  func.func @transform_7(%arg0: i32) -> (i32, i32) {
    %c0_i32 = arith.constant 0 : i32
    %c0_i32_0 = arith.constant 0 : i32
    %c0_i32_1 = arith.constant 0 : i32
    return %c0_i32, %c0_i32_0 : i32, i32
  }
  func.func @transform_8(%arg0: i32) -> (i32, i32) {
    %c0_i32 = arith.constant 0 : i32
    %c0_i32_0 = arith.constant 0 : i32
    %c0_i32_1 = arith.constant 0 : i32
    return %c0_i32, %c0_i32_0 : i32, i32
  }
  func.func @transform_9(%arg0: i32) -> (i32, i32) {
    %c0_i32 = arith.constant 0 : i32
    %c0_i32_0 = arith.constant 0 : i32
    %c0_i32_1 = arith.constant 0 : i32
    return %c0_i32, %c0_i32_0 : i32, i32
  }
  func.func @transform_10(%arg0: i32) -> (i32, i32) {
    %c0_i32 = arith.constant 0 : i32
    %c0_i32_0 = arith.constant 0 : i32
    %c0_i32_1 = arith.constant 0 : i32
    return %c0_i32, %c0_i32_0 : i32, i32
  }
}

</mosaic_0001>

<sc_bundles>
// kernel: kernel.11.cloned.1.call-start
scs
__scs_entry_jumppad:
0x0: {  	(pc) =	sbr.rel $0x88, $3  }
0x1: {  	(tag) =	ssettag $0x0;
	lr =	simm.s32 $0x1  }
0x2: {  	[smem:$0x3F95] =	sst lr;
	_ =	strace $0xD0000000  }
0x3: {  	_ = 	snop  }
0x4: {  	_ = 	snop  }
0x5: {  	_ = 	snop  }
0x6: {  	_ = 	snop  }
0x7: {  	_ = 	snop  }
__scs_overlays_trampoline_lowered:
0x8: {  	[smem:$0x3FA4] =	sst s0  }
0x9: {  	[smem:$0x3FA5] =	sst s1  }
0xa: {  	[smem:$0x3FA6] =	sst s2  }
0xb: {  	[smem:$0x3FA7] =	sst s3  }
0xc: {  	[smem:$0x3FA8] =	sst s4  }
0xd: {  	[smem:$0x3FA9] =	sst s5  }
0xe: {  	[smem:$0x3FAA] =	sst s6  }
0xf: {  	[smem:$0x3FAB] =	sst s7  }
0x10: {  	[smem:$0x3FAC] =	sst s8  }
0x11: {  	[smem:$0x3FAD] =	sst s9;
	s0 =	simm.s32 @!p0 $0x0  }
0x12: {  	s1 =	sld [smem:$0x3F93];
	s0 =	simm.s32 @p0 $0x1  }
0x13: {  	[smem:$0x3FAE] =	sst s0;
	s0 =	simm.s32 @!p1 $0x0  }
0x14: {  	s2 =	sld [smem:$0x3F92];
	s0 =	simm.s32 @p1 $0x1  }
0x15: {  	[smem:$0x3FAF] =	sst s0;
	s0 =	simm.s32 @!p2 $0x0  }
0x16: {  	s3 =	sld [smem:$0x3FDB];
	s0 =	simm.s32 @p2 $0x1  }
0x17: {  	s4 =	simm.s32 $0x1BF5;
	[smem:$0x3FB1] =	sst s0  }
0x18: {  	s0 =	sld [smem:$0x3F94];
	_ =	swait.ge [sflag:s4], $0x0  }
0x19: {  	s7 =	sld [smem:$0x3F95]  }
0x1a: {  	s8 =	sadd.s32 $0xFFFFE003, lr  }
0x1b: {  	s9 =	sadd.s32 $0xFFFFFEF7, lr;
	s5 =	simm.s32 $0xFFFFFFFF;
	p2 =	slt.u32 s8, $0xFFFFF086  }
0x1c: {  	p1 =	slt.u32 s9, $0xF7A;
	s5 =	simm.s32 @!p2 $0x0  }
0x1d: {  	s5 =	simm.s32 @p1 $0x1;
	p0 =	seq.s32 s7, s2  }
0x1e: {  	s7 =	smul.u32 @!p0 $0xF7A, s2;
	p2 =	seq.s32 @!p0 s5, $0x0  }
0x1f: {  	s9 =	smul.u32 $0xF7A, s1;
	s8 =	simm.s32 @!p0 $0x1BF5;
	p2 =	por !p2, p0  }
0x20: {  	[sflag:s8] =	ssyncset.s32 @!p0 $0xFFFFF086;
	s6 =	sadd.s32 @!p0 s3, s7;
	s7 =	simm.s32 @!p0 $0x108  }
0x21: {  	s3 =	sadd.s32 s3, s9;
	s6 =	sadd.s32 @!p0 $0x88, s6;
	s7 =	simm.s32 @p2 $0x1082  }
0x22: {  	[simem:s7], [sflag:s8] =	dma.local @!p0 [hbm:s6], $0xF7A  }
0x23: {  	s9 =	sor.u32 $0xD0000000, s2;
	s6 =	simm.s32 $0x108;
	_ =	swait.ge @!p0 [sflag:s8], $0x0  }
0x24: {  	s3 =	sadd.s32 $0x88, s3;
	s6 =	simm.s32 @!p1 $0x1082;
	[sflag:s4] =	ssyncset.s32 $0xFFFFF086  }
0x25: {  	[simem:s6], [sflag:s4] =	dma.local [hbm:s3], $0xF7A  }
0x26: {  	[smem:$0x3F95] =	sst s1;
	(tag) =	ssettag s2;
	_ =	strace s9  }
0x27: {  	s1 =	sld [smem:$0x3FA5]  }
0x28: {  	s2 =	sld [smem:$0x3FA6]  }
0x29: {  	s4 =	sld [smem:$0x3FA8]  }
0x2a: {  	p0 =	seq.s32 s5, $0x0;
	s5 =	sld [smem:$0x3FA9]  }
0x2b: {  	s6 =	sld [smem:$0x3FAA]  }
0x2c: {  	s7 =	sld [smem:$0x3FAB]  }
0x2d: {  	s3 =	simm.s32 $0x108;
	s8 =	sld [smem:$0x3FAC]  }
0x2e: {  	s3 =	simm.s32 @!p0 $0x1082;
	s9 =	sld [smem:$0x3FAD]  }
0x2f: {  	lr =	sadd.s32 s0, s3;
	s0 =	sld [smem:$0x3FA4]  }
0x30: {  	s3 =	sld [smem:$0x3FA7]  }
0x31: {  	[smem:$0x3FB0] =	sst s10  }
0x32: {  	s10 =	sld [smem:$0x3FAE];
	_ =	sdelay $0x3  }
0x33: {  	p0 =	seq.s32 s10, $0x1;
	s10 =	sld [smem:$0x3FB0];
	_ =	sdelay $0x3  }
0x34: {  	[smem:$0x3FB0] =	sst s10  }
0x35: {  	s10 =	sld [smem:$0x3FAF];
	_ =	sdelay $0x3  }
0x36: {  	p1 =	seq.s32 s10, $0x1;
	s10 =	sld [smem:$0x3FB0];
	_ =	sdelay $0x3  }
0x37: {  	[smem:$0x3FB0] =	sst s10  }
0x38: {  	s10 =	sld [smem:$0x3FB1]  }
0x39: {  	_ = 	snop;
	(pc) =	sbr.ind lr, $3  }
0x3a: {  	_ = 	snop  }
0x3b: {  	_ = 	snop  }
0x3c: {  	p2 =	seq.s32 s10, $0x1;
	s10 =	sld [smem:$0x3FB0]  }
0x3d: {  	_ =	shalt  }
0x3e: {  	_ =	shalt  }
0x3f: {  	_ =	shalt  }
0x40: {  	_ =	shalt  }
0x41: {  	_ =	shalt  }
0x42: {  	_ =	shalt  }
0x43: {  	_ =	shalt  }
0x44: {  	_ =	shalt  }
0x45: {  	_ =	shalt  }
0x46: {  	_ =	shalt  }
0x47: {  	_ =	shalt  }
0x48: {  	_ =	shalt  }
0x49: {  	_ =	shalt  }
0x4a: {  	_ =	shalt  }
0x4b: {  	_ =	shalt  }
0x4c: {  	_ =	shalt  }
0x4d: {  	_ =	shalt  }
0x4e: {  	_ =	shalt  }
0x4f: {  	_ =	shalt  }
0x50: {  	_ =	shalt  }
0x51: {  	_ =	shalt  }
0x52: {  	_ =	shalt  }
0x53: {  	_ =	shalt  }
0x54: {  	_ =	shalt  }
0x55: {  	_ =	shalt  }
0x56: {  	_ =	shalt  }
0x57: {  	_ =	shalt  }
0x58: {  	_ =	shalt  }
0x59: {  	_ =	shalt  }
0x5a: {  	_ =	shalt  }
0x5b: {  	_ =	shalt  }
0x5c: {  	_ =	shalt  }
0x5d: {  	_ =	shalt  }
0x5e: {  	_ =	shalt  }
0x5f: {  	_ =	shalt  }
0x60: {  	_ =	shalt  }
0x61: {  	_ =	shalt  }
0x62: {  	_ =	shalt  }
0x63: {  	_ =	shalt  }
0x64: {  	_ =	shalt  }
0x65: {  	_ =	shalt  }
0x66: {  	_ =	shalt  }
0x67: {  	_ =	shalt  }
0x68: {  	_ =	shalt  }
0x69: {  	_ =	shalt  }
0x6a: {  	_ =	shalt  }
0x6b: {  	_ =	shalt  }
0x6c: {  	_ =	shalt  }
0x6d: {  	_ =	shalt  }
0x6e: {  	_ =	shalt  }
0x6f: {  	_ =	shalt  }
0x70: {  	_ =	shalt  }
0x71: {  	_ =	shalt  }
0x72: {  	_ =	shalt  }
0x73: {  	_ =	shalt  }
0x74: {  	_ =	shalt  }
0x75: {  	_ =	shalt  }
0x76: {  	_ =	shalt  }
0x77: {  	_ =	shalt  }
0x78: {  	_ =	shalt  }
0x79: {  	_ =	shalt  }
0x7a: {  	_ =	shalt  }
0x7b: {  	_ =	shalt  }
0x7c: {  	_ =	shalt  }
0x7d: {  	_ =	shalt  }
0x7e: {  	_ =	shalt  }
0x7f: {  	_ =	shalt  }
0x80: {  	_ =	shalt  }
0x81: {  	_ =	shalt  }
0x82: {  	_ =	shalt  }
0x83: {  	_ =	shalt  }
0x84: {  	_ =	shalt  }
0x85: {  	_ =	shalt  }
0x86: {  	_ =	shalt  }
0x87: {  	_ =	shalt  }
.Lfunc_end0:
.L_simem_size_0:
called_computation.1_lowered:
.L_overlay_start_0:
0x88: {  	s2 =	sld [smem:$0x3FD9]  }
0x89: {  	s3 =	sld [smem:$0x3FFE];
	_ =	sdelay $0x1  }
0x8a: {  	s1 =	srdreg.scid  }
0x8b: {  	s0 =	sand.u32 $0x1, s1  }
0x8c: {  	s16 =	sshll.u32 s0, $0xA;
	s2 =	sadd.s32 s3, s2  }
0x8d: {  	s2 =	sadd.s32 s2, s16  }
0x8e: {  	[smem:$0x3FBC] =	sst s2  }
0x8f: {  	_ = 	snop  }
0x90: {  	(tm) =	ssettm $0x1  }
0x91: {  	s17 =	sld [smem:$0x3FFB];
	_ =	sdelay $0x3  }
0x92: {  	_ =	strace s17  }
0x93: {  	s2 =	sld [smem:$0x3FFC];
	_ =	sdelay $0x3  }
0x94: {  	_ =	strace s2  }
0x95: {  	s2 =	sld [smem:$0x3FFD];
	_ =	sdelay $0x3  }
0x96: {  	_ =	strace s2  }
0x97: {  	_ =	strace $0x8FFFFFFF  }
0x98: {  	s18 =	sld [smem:$0x3FDB];
	_ =	sdelay $0x1  }
0x99: {  	s19 =	simm.s32 $_scs_section_size  }
0x9a: {  	s4 =	simm.s32 $_size__tile_overlayer_lowered;
	s5 =	simm.s32 $_tile_overlayer_lowered  }
0x9b: {  	s22 =	simm.s32 $0x1BFF;
	s21 =	sshll.u32 s5, $0x1;
	s2 =	sadd.s32 s19, s18  }
0x9c: {  	s6 =	simm.s32 $0x0;
	s20 =	sshll.u32 s4, $0x1;
	s4 =	sadd.s32 s21, s2  }
0x9d: {  	[timem:s6], [sflag:s22] =	dma.local [hbm:s4], s20  }
0x9e: {  	_ =	swait.ge [sflag:s22], s20  }
0x9f: {  	s3 =	ssub.s32 $0x0, s20;
	[sflag:s22] =	ssyncset.done $0x0  }
0xa0: {  	[sflag:s22] =	ssyncadd.s32 s3;
	_ =	sdelay $0x1  }
0xa1: {  	s23 =	simm.s32 $0x1B8B  }
0xa2: {  	_ =	swait.ge [sflag:s23], $0x1  }
0xa3: {  	[sflag:s23] =	ssyncset.done $0x0  }
0xa4: {  	s25 =	simm.s32 $0x1B8E;
	s24 =	sld [smem:$0x3FFE];
	[sflag:s23] =	ssyncadd.s32 $0xFFFFFFFF  }
0xa5: {  	s26 =	simm.s32 $execute0_lowered;
	[smem:$0x3FD2] =	sst s25  }
0xa6: {  	s4 =	sshll.u32 s26, $0x1;
	_ =	strace $0x80000049;
	[dreg:$0x1] =	wrdreg $0xFFFFFFFF  }
0xa7: {  	s28 =	simm.s32 $_size_execute0_lowered;
	s2 =	sadd.s32 s2, s4;
	[dreg:$0x0] =	wrdreg $0x0  }
0xa8: {  	s4 =	sshll.u32 s28, $0x1;
	[dreg:$0x2] =	wrdreg s2  }
0xa9: {  	[dreg:$0x3] =	wrdreg s4  }
0xaa: {  	[dreg:$0x4] =	wrdreg $0xC0  }
0xab: {  	_ =	task [dreg:s6], $0x5FFFF  }
0xac: {  	[dreg:$0x1] =	wrdreg $0xFFFFFFFF  }
0xad: {  	[dreg:$0x0] =	wrdreg $0x60  }
0xae: {  	[dreg:$0x2] =	wrdreg s24  }
0xaf: {  	[dreg:$0x3] =	wrdreg $0x92000  }
0xb0: {  	[dreg:$0x4] =	wrdreg $0x9  }
0xb1: {  	_ =	task.clear_ibuf [dreg:s6], $0x5FFFF;
	_ =	strace $0x90000049  }
0xb2: {  	s29 =	simm.s32 $0x9;
	_ =	strace $0x8000004B  }
0xb3: {  	_ =	swait.ge [sflag:s29], $0x1  }
0xb4: {  	[sflag:s29] =	ssyncadd.s32 $0xFFFFFFFF  }
0xb5: {  	_ =	strace $0x9000004B  }
0xb6: {  	_ =	sfence  }
0xb7: {  	s30 =	sld [smem:$0x0];
	_ =	sdelay $0x2  }
0xb8: {  	s31 =	sshll.u32 s1, $0xD;
	s1 =	sshrl.u32 s1, $0x2  }
0xb9: {  	s3 =	sand.u32 $0x4000, s31;
	s1 =	sadd.s32 s1, s30  }
0xba: {  	s0 =	sor.u32 s3, s0;
	s1 =	sshll.u32 s1, $0x11  }
0xbb: {  	s0 =	sor.u32 s1, s0  }
0xbc: {  	s0 =	sadd.s32 $0x8F2B, s0  }
0xbd: {  	[sflag:s0] =	ssyncadd.remote.s32 $0x1  }
0xbe: {  	_ =	sfence.sel $0xFFFF  }
0xbf: {  	[dreg:$0x0] =	wrdreg $0xFFFFFFFF;
	(pc) =	sbr.abs _section_cstart, $3  }
0xc0: {  	[dreg:$0x1] =	wrdreg $0xFFFFFFFF  }
0xc1: {  	_ =	task.clear_ibuf [dreg:s6], $0x2FFFF;
	_ =	strace $0x9FFFFFFF  }
0xc2: {  	(tm) =	ssettm $0x7FFFFFFF  }
0xc3: {  	_ =	shalt  }
tec
execute0_lowered:
.L_overlay_start_1:
0x0: {  	(tag) =	ssettag $0x1  }
0x1: {  	s0 =	rddreg [dreg:$0x0]  }
0x2: {  	s2 =	rddreg [dreg:$0x1];
	s1 =	srdreg.scid  }
0x3: {  	s3 =	simm.s32 $0x0;
	s10 =	stileid.u32;
	s28 =	simm.s32 $0x6A00  }
0x4: {  	s29 =	simm.s32 $0x1;
	s30 =	simm.s32 $0x2;
	s31 =	simm.s32 $0x4080  }
0x5: {  	s1 =	sand.u32 $0x1, s1;
	s5 =	sshll.u32 s10, $0xE;
	s7 =	smul.u32 $0x14000, s10  }
0x6: {  	[smem:$0x7FF] =	sst s3;
	s10 =	smul.u32 $0x50000, s10;
	s4 =	sshll.u32 s1, $0x12  }
0x7: {  	s6 =	smul.u32 $0x140000, s1;
	_ =	strace $0x8000004A;
	s1 =	ssub.s32 $0x2, s1  }
0x8: {  	s4 =	sor.u32 s5, s4;
	s5 =	sadd.s32 $0x3200, s0;
	s19 =	sshrl.u32 s1, $0x1  }
0x9: {  	s20 =	sshrl.u32 s10, $0x2;
	s8 =	sshrl.u32 s4, $0x3;
	s6 =	sadd.s32 s7, s6  }
0xa: {  	s1 =	ssub.s32 s1, s19;
	s10 =	sadd.s32 s20, s2;
	s9 =	sadd.s32 s8, s0  }
0xb: {  	s7 =	sshrl.u32 s6, $0x3;
	s6 =	sadd.s32 $0x63200, s0;
	s22 =	smax.u32 s1, $0x1  }
0xc: {  	s23 =	sadd.s32 $0x2800, s10;
	s24 =	sadd.s32 $0x5000, s10;
	s25 =	sadd.s32 $0x7800, s10  }
0xd: {  	s26 =	sadd.s32 $0xA000, s10;
	s17 =	sadd.s32 $0xC800, s10;
	[dreg:$0x6] =	wrdreg s22  }
0xe: {  	s18 =	sadd.s32 $0xF000, s10;
	s19 =	sadd.s32 $0x11800, s10;
	[dreg:$0x7] =	wrdreg s23  }
0xf: {  	s1 =	simm.s32 $0x4180;
	s0 =	sadd.s32 s7, s0;
	[dreg:$0x8] =	wrdreg s24  }
0x10: {  	s7 =	sadd.s32 s6, s8;
	s9 =	sadd.s32 $0x73200, s9;
	[dreg:$0x9] =	wrdreg s25  }
0x11: {  	[dreg:$0xa] =	wrdreg s26;
	s22 =	simm.s32 $0x4200;
	s23 =	simm.s32 $0x4  }
0x12: {  	s24 =	simm.s32 $0x4000;
	s25 =	simm.s32 $0x4100;
	s26 =	simm.s32 $0x50  }
0x13: {  	s8 =	simm.s32 $0x0;
	[dreg:$0x3] =	wrdreg s9;
	s21 =	sadd.s32 $0x20, s7  }
0x14: {  	s0 =	sadd.s32 $0x83200, s0;
	s20 =	sadd.s32 $0x7C0, s7;
	[dreg:$0x4] =	wrdreg s21  }
0x15: {  	v0 =	vimm.f32 $0.0e+00;
	[dreg:$0x5] =	wrdreg s0;
	s21 =	sadd.s32 $0x7E0, s7;
	s0 =	simm.s32 $0x3  }
.LBB2_1:
0x16: {  	s9 =	sand.u32 $0xFE00, s3  }
0x17: {  	s11 =	sand.u32 $0x70, s3;
	s12 =	sshrl.u32 s9, $0x2  }
0x18: {  	s9 =	simm.s32 $0x40;
	s12 =	sor.u32 s11, s12;
	s11 =	simm.s32 $0x0  }
.LBB2_2:
0x19: {  	p0 =	sne.s32 s9, $0x9FC0  }
0x1a: {  	[tilespmem:s12+$0x4200] =	vst v0;
	s11 =	sadd.s32 $0x10, s11;
	s12 =	smov.u32 s9;
	s9 =	sadd.s32 $0x40, s9  }
.Ltmp0:
0x1b: {  	(pc) =	sbr.rel @p0 .LBB2_2-.Ltmp0, $4  }
0x1c: {  	_ = 	snop  }
0x1d: {  	s12 =	sand.u32 $0xFE00, s12  }
0x1e: {  	s13 =	sand.u32 $0x70, s11;
	s12 =	sshrl.u32 s12, $0x2  }
0x1f: {  	s12 =	sor.u32 s13, s12  }
0x20: {  	[tilespmem:s12+$0x4200] =	vst v0  }
0x21: {  	[spmem:s10] =	stream.linear.scatter [tilespmem:s22], [sflag:$0x4], $0x2800, $0x38;
	[tilespmem:$0x1D200] =	vst v63  }
0x22: {  	_ =	swait.ge [sflag:s23], $0x2800  }
0x23: {  	[sflag:s23] =	ssyncset.done $0x0  }
0x24: {  	s9 =	rddreg [dreg:$0x7];
	[sflag:s23] =	ssyncadd.s32 $0xFFFFD800  }
0x25: {  	[spmem:s9] =	stream.linear.scatter [tilespmem:s22], [sflag:$0x4], $0x2800, $0x38;
	[tilespmem:$0x1D200] =	vst v63  }
0x26: {  	_ =	swait.ge [sflag:s23], $0x2800  }
0x27: {  	[sflag:s23] =	ssyncset.done $0x0  }
0x28: {  	s13 =	rddreg [dreg:$0x8];
	[sflag:s23] =	ssyncadd.s32 $0xFFFFD800  }
0x29: {  	[spmem:s13] =	stream.linear.scatter [tilespmem:s22], [sflag:$0x4], $0x2800, $0x38;
	[tilespmem:$0x1D200] =	vst v63  }
0x2a: {  	_ =	swait.ge [sflag:s23], $0x2800  }
0x2b: {  	[sflag:s23] =	ssyncset.done $0x0  }
0x2c: {  	s14 =	rddreg [dreg:$0x9];
	[sflag:s23] =	ssyncadd.s32 $0xFFFFD800  }
0x2d: {  	[spmem:s14] =	stream.linear.scatter [tilespmem:s22], [sflag:$0x4], $0x2800, $0x38;
	[tilespmem:$0x1D200] =	vst v63  }
0x2e: {  	_ =	swait.ge [sflag:s23], $0x2800  }
0x2f: {  	[sflag:s23] =	ssyncset.done $0x0  }
0x30: {  	s15 =	rddreg [dreg:$0xa];
	[sflag:s23] =	ssyncadd.s32 $0xFFFFD800  }
0x31: {  	[spmem:s15] =	stream.linear.scatter [tilespmem:s22], [sflag:$0x4], $0x2800, $0x38;
	[tilespmem:$0x1D200] =	vst v63  }
0x32: {  	_ =	swait.ge [sflag:s23], $0x2800  }
0x33: {  	[sflag:s23] =	ssyncset.done $0x0  }
0x34: {  	[sflag:s23] =	ssyncadd.s32 $0xFFFFD800  }
0x35: {  	[spmem:s17] =	stream.linear.scatter [tilespmem:s22], [sflag:$0x4], $0x2800, $0x38;
	[tilespmem:$0x1D200] =	vst v63  }
0x36: {  	_ =	swait.ge [sflag:s23], $0x2800  }
0x37: {  	[sflag:s23] =	ssyncset.done $0x0  }
0x38: {  	[sflag:s23] =	ssyncadd.s32 $0xFFFFD800  }
0x39: {  	[spmem:s18] =	stream.linear.scatter [tilespmem:s22], [sflag:$0x4], $0x2800, $0x38;
	[tilespmem:$0x1D200] =	vst v63  }
0x3a: {  	_ =	swait.ge [sflag:s23], $0x2800  }
0x3b: {  	[sflag:s23] =	ssyncset.done $0x0  }
0x3c: {  	[sflag:s23] =	ssyncadd.s32 $0xFFFFD800  }
0x3d: {  	[spmem:s19] =	stream.linear.scatter [tilespmem:s22], [sflag:$0x4], $0x2800, $0x38;
	[tilespmem:$0x1D200] =	vst v63  }
0x3e: {  	_ =	swait.ge [sflag:s23], $0x2800  }
0x3f: {  	[sflag:s23] =	ssyncset.done $0x0  }
0x40: {  	s16 =	simm.s32 $0x0;
	s11 =	rddreg [dreg:$0x3];
	[sflag:s23] =	ssyncadd.s32 $0xFFFFD800  }
0x41: {  	[tilespmem:s16], [sflag:$0x4] =	stream.linear.gather [hbm4b:s11+s16], $0x3E80, $0x38;
	[tilespmem:$0x1D200] =	vst v63  }
0x42: {  	_ =	swait.ge [sflag:s23], $0x3E80  }
0x43: {  	[sflag:s23] =	ssyncset.done $0x0  }
0x44: {  	[sflag:s23] =	ssyncadd.s32 $0xFFFFC180  }
0x45: {  	[bflag:$0x0] =	sbarrier.arrive $0xFFFF  }
0x46: {  	[tilespmem:s24], [sflag:$0x4] =	stream.linear.gather [hbm4b:s7+s16], $0x100, $0x38;
	[tilespmem:$0x1D200] =	vst v63  }
0x47: {  	_ =	swait.ge [sflag:s23], $0x100  }
0x48: {  	[sflag:s23] =	ssyncset.done $0x0  }
0x49: {  	s12 =	rddreg [dreg:$0x4];
	[sflag:s23] =	ssyncadd.s32 $0xFFFFFF00  }
0x4a: {  	[tilespmem:s25], [sflag:$0x3] =	stream.linear.gather [hbm4b:s12+s16], $0x100, $0x38;
	[tilespmem:$0x1D200] =	vst v63  }
0x4b: {  	_ = 	snop  }
0x4c: {  	[tilespmem:s22], [sflag:$0x1] =	stream.indirect.gather [hbm4b:s5+s26], $0x80, s16, s26, $0xb8;
	[tilespmem:$0x1D200] =	vst v63  }
0x4d: {  	s13 =	simm.s32 $0x80  }
0x4e: {  	[tilespmem:s28], [sflag:$0x2] =	stream.indirect.gather [hbm4b:s5+s26], $0x80, s13, s26, $0xb8;
	[tilespmem:$0x1D200] =	vst v63  }
0x4f: {  	_ =	swait.ge [sflag:s29], $0x2800  }
0x50: {  	[sflag:s29] =	ssyncset.done $0x0  }
0x51: {  	[sflag:s29] =	ssyncadd.s32 $0xFFFFD800  }
0x52: {  	[spmem:s2] =	stream.indirect.scatter.add.f32 [tilespmem:s22], [sflag:$0x4], $0x80, s24, s26, $0xb8;
	[tilespmem:$0x1D200] =	vst v63  }
0x53: {  	_ =	swait.ge [sflag:s23], $0x2800  }
0x54: {  	[sflag:s23] =	ssyncset.done $0x0  }
0x55: {  	s14 =	simm.s32 $0x100;
	[sflag:s23] =	ssyncadd.s32 $0xFFFFD800  }
0x56: {  	[tilespmem:s22], [sflag:$0x1] =	stream.indirect.gather [hbm4b:s5+s26], $0x80, s14, s26, $0xb8;
	[tilespmem:$0x1D200] =	vst v63  }
0x57: {  	_ =	swait.ge [sflag:s30], $0x2800  }
0x58: {  	[sflag:s30] =	ssyncset.done $0x0  }
0x59: {  	[sflag:s30] =	ssyncadd.s32 $0xFFFFD800  }
0x5a: {  	[spmem:s2] =	stream.indirect.scatter.add.f32 [tilespmem:s28], [sflag:$0x4], $0x80, s31, s26, $0xb8;
	[tilespmem:$0x1D200] =	vst v63  }
0x5b: {  	s15 =	simm.s32 $0x200;
	_ =	swait.ge [sflag:s23], $0x2800  }
0x5c: {  	s9 =	sand.u32 $0x200, s15;
	s13 =	sand.u32 $0x7C00, s15;
	[sflag:s23] =	ssyncset.done $0x0  }
0x5d: {  	s16 =	simm.s32 $0x180;
	s12 =	sadd.s32 s4, s13;
	[sflag:s23] =	ssyncadd.s32 $0xFFFFD800  }
0x5e: {  	[tilespmem:s28], [sflag:$0x2] =	stream.indirect.gather [hbm4b:s5+s26], $0x80, s16, s26, $0xb8;
	[tilespmem:$0x1D200] =	vst v63  }
0x5f: {  	s9 =	sor.u32 s9, s12;
	_ =	swait.ge [sflag:s0], $0x100  }
0x60: {  	s9 =	sshrl.u32 s9, $0x3;
	[sflag:s0] =	ssyncset.done $0x0  }
0x61: {  	s9 =	sadd.s32 s6, s9;
	[sflag:s0] =	ssyncadd.s32 $0xFFFFFF00  }
0x62: {  	[tilespmem:s24], [sflag:$0x3] =	stream.linear.gather [hbm4b:s9+s3], $0x100, $0x38;
	[tilespmem:$0x1D200] =	vst v63  }
0x63: {  	_ =	swait.ge [sflag:s29], $0x2800  }
0x64: {  	[sflag:s29] =	ssyncset.done $0x0  }
0x65: {  	[sflag:s29] =	ssyncadd.s32 $0xFFFFD800  }
0x66: {  	[spmem:s2] =	stream.indirect.scatter.add.f32 [tilespmem:s22], [sflag:$0x4], $0x80, s25, s26, $0xb8;
	[tilespmem:$0x1D200] =	vst v63  }
0x67: {  	_ =	swait.ge [sflag:s23], $0x2800  }
0x68: {  	[sflag:s23] =	ssyncset.done $0x0  }
0x69: {  	s14 =	simm.s32 $0x200;
	[sflag:s23] =	ssyncadd.s32 $0xFFFFD800  }
0x6a: {  	[tilespmem:s22], [sflag:$0x1] =	stream.indirect.gather [hbm4b:s5+s26], $0x80, s14, s26, $0xb8;
	[tilespmem:$0x1D200] =	vst v63  }
0x6b: {  	_ =	swait.ge [sflag:s30], $0x2800  }
0x6c: {  	[sflag:s30] =	ssyncset.done $0x0  }
0x6d: {  	[sflag:s30] =	ssyncadd.s32 $0xFFFFD800  }
0x6e: {  	[spmem:s2] =	stream.indirect.scatter.add.f32 [tilespmem:s28], [sflag:$0x4], $0x80, s1, s26, $0xb8;
	[tilespmem:$0x1D200] =	vst v63  }
0x6f: {  	s11 =	simm.s32 $0x800;
	s15 =	simm.s32 $0x300;
	_ =	swait.ge [sflag:s23], $0x2800  }
0x70: {  	s13 =	simm.s32 $0x280;
	s16 =	sand.u32 $0x7C00, s15;
	[sflag:s23] =	ssyncset.done $0x0  }
0x71: {  	s9 =	sand.u32 $0x300, s15;
	s14 =	sadd.s32 s4, s16;
	[sflag:s23] =	ssyncadd.s32 $0xFFFFD800  }
0x72: {  	[tilespmem:s28], [sflag:$0x2] =	stream.indirect.gather [hbm4b:s5+s26], $0x80, s13, s26, $0xb8;
	[tilespmem:$0x1D200] =	vst v63  }
0x73: {  	s12 =	simm.s32 $0x1000;
	s9 =	sor.u32 s9, s14;
	_ =	swait.ge [sflag:s0], $0x100  }
0x74: {  	s14 =	sshrl.u32 s9, $0x3;
	s9 =	simm.s32 $0x500;
	[sflag:s0] =	ssyncset.done $0x0  }
.LBB2_4:
0x75: {  	s13 =	sshra.s32 s11, $0x2  }
0x76: {  	[sflag:s0] =	ssyncadd.s32 $0xFFFFFF00;
	s14 =	sadd.s32 s6, s14;
	s11 =	smov.u32 s12  }
0x77: {  	[tilespmem:s25], [sflag:$0x3] =	stream.linear.gather [hbm4b:s14+s3], $0x100, $0x38;
	[tilespmem:$0x1D200] =	vst v63  }
0x78: {  	p0 =	sne.s32 s12, $0xE800;
	s12 =	sadd.s32 $0x800, s12;
	s14 =	sadd.s32 $0x80, s13  }
0x79: {  	[tilespmem:s28], [sflag:$0x2] =	stream.indirect.gather [hbm4b:s5+s26], $0x80, s14, s26, $0xb8;
	[tilespmem:$0x1D200] =	vst v63  }
0x7a: {  	_ =	swait.ge [sflag:s29], $0x2800  }
0x7b: {  	[sflag:s29] =	ssyncset.done $0x0  }
0x7c: {  	[sflag:s29] =	ssyncadd.s32 $0xFFFFD800  }
0x7d: {  	[spmem:s2] =	stream.indirect.scatter.add.f32 [tilespmem:s22], [sflag:$0x4], $0x80, s24, s26, $0xb8;
	[tilespmem:$0x1D200] =	vst v63  }
0x7e: {  	_ =	swait.ge [sflag:s23], $0x2800  }
0x7f: {  	s14 =	sadd.s32 $0x100, s13;
	[sflag:s23] =	ssyncset.done $0x0  }
0x80: {  	[sflag:s23] =	ssyncadd.s32 $0xFFFFD800  }
0x81: {  	[tilespmem:s22], [sflag:$0x1] =	stream.indirect.gather [hbm4b:s5+s26], $0x80, s14, s26, $0xb8;
	[tilespmem:$0x1D200] =	vst v63  }
0x82: {  	_ =	swait.ge [sflag:s30], $0x2800  }
0x83: {  	[sflag:s30] =	ssyncset.done $0x0  }
0x84: {  	[sflag:s30] =	ssyncadd.s32 $0xFFFFD800  }
0x85: {  	[spmem:s2] =	stream.indirect.scatter.add.f32 [tilespmem:s28], [sflag:$0x4], $0x80, s31, s26, $0xb8;
	[tilespmem:$0x1D200] =	vst v63  }
0x86: {  	s14 =	sadd.s32 $0xFFFFFF00, s9;
	_ =	swait.ge [sflag:s23], $0x2800  }
0x87: {  	s15 =	sadd.s32 $0x180, s13;
	s16 =	sand.u32 $0x7C00, s14;
	[sflag:s23] =	ssyncset.done $0x0  }
0x88: {  	s14 =	sand.u32 $0x200, s14;
	s16 =	sadd.s32 s4, s16;
	[sflag:s23] =	ssyncadd.s32 $0xFFFFD800  }
0x89: {  	[tilespmem:s28], [sflag:$0x2] =	stream.indirect.gather [hbm4b:s5+s26], $0x80, s15, s26, $0xb8;
	[tilespmem:$0x1D200] =	vst v63  }
0x8a: {  	s14 =	sor.u32 s14, s16;
	_ =	swait.ge [sflag:s0], $0x100  }
0x8b: {  	s14 =	sshrl.u32 s14, $0x3;
	[sflag:s0] =	ssyncset.done $0x0  }
0x8c: {  	s14 =	sadd.s32 s6, s14;
	[sflag:s0] =	ssyncadd.s32 $0xFFFFFF00  }
0x8d: {  	[tilespmem:s24], [sflag:$0x3] =	stream.linear.gather [hbm4b:s14+s3], $0x100, $0x38;
	[tilespmem:$0x1D200] =	vst v63  }
0x8e: {  	_ =	swait.ge [sflag:s29], $0x2800  }
0x8f: {  	[sflag:s29] =	ssyncset.done $0x0  }
0x90: {  	[sflag:s29] =	ssyncadd.s32 $0xFFFFD800  }
0x91: {  	[spmem:s2] =	stream.indirect.scatter.add.f32 [tilespmem:s22], [sflag:$0x4], $0x80, s25, s26, $0xb8;
	[tilespmem:$0x1D200] =	vst v63  }
0x92: {  	_ =	swait.ge [sflag:s23], $0x2800  }
0x93: {  	s14 =	sadd.s32 $0x200, s13;
	[sflag:s23] =	ssyncset.done $0x0  }
0x94: {  	[sflag:s23] =	ssyncadd.s32 $0xFFFFD800  }
0x95: {  	[tilespmem:s22], [sflag:$0x1] =	stream.indirect.gather [hbm4b:s5+s26], $0x80, s14, s26, $0xb8;
	[tilespmem:$0x1D200] =	vst v63  }
0x96: {  	_ =	swait.ge [sflag:s30], $0x2800  }
0x97: {  	[sflag:s30] =	ssyncset.done $0x0  }
0x98: {  	[sflag:s30] =	ssyncadd.s32 $0xFFFFD800  }
0x99: {  	[spmem:s2] =	stream.indirect.scatter.add.f32 [tilespmem:s28], [sflag:$0x4], $0x80, s1, s26, $0xb8;
	[tilespmem:$0x1D200] =	vst v63  }
0x9a: {  	s14 =	sand.u32 $0x7C00, s9;
	_ =	swait.ge [sflag:s23], $0x2800  }
.Ltmp1:
0x9b: {  	s13 =	sadd.s32 $0x280, s13;
	[sflag:s23] =	ssyncset.done $0x0;
	(pc) =	sbr.rel @p0 .LBB2_4-.Ltmp1, $4  }
0x9c: {  	s15 =	sand.u32 $0x300, s9;
	s14 =	sadd.s32 s4, s14;
	[sflag:s23] =	ssyncadd.s32 $0xFFFFD800  }
0x9d: {  	[tilespmem:s28], [sflag:$0x2] =	stream.indirect.gather [hbm4b:s5+s26], $0x80, s13, s26, $0xb8;
	[tilespmem:$0x1D200] =	vst v63  }
0x9e: {  	s13 =	sor.u32 s15, s14;
	_ =	swait.ge [sflag:s0], $0x100  }
0x9f: {  	s9 =	sadd.s32 $0x200, s9;
	s14 =	sshrl.u32 s13, $0x3;
	[sflag:s0] =	ssyncset.done $0x0  }
0xa0: {  	s11 =	sshra.s32 s11, $0x2;
	[sflag:s0] =	ssyncadd.s32 $0xFFFFFF00;
	s12 =	sadd.s32 s6, s14  }
0xa1: {  	[tilespmem:s25], [sflag:$0x3] =	stream.linear.gather [hbm4b:s12+s3], $0x100, $0x38;
	[tilespmem:$0x1D200] =	vst v63  }
0xa2: {  	s16 =	sadd.s32 $0x80, s11  }
0xa3: {  	[tilespmem:s28], [sflag:$0x2] =	stream.indirect.gather [hbm4b:s5+s26], $0x80, s16, s26, $0xb8;
	[tilespmem:$0x1D200] =	vst v63  }
0xa4: {  	_ =	swait.ge [sflag:s29], $0x2800  }
0xa5: {  	[sflag:s29] =	ssyncset.done $0x0  }
0xa6: {  	[sflag:s29] =	ssyncadd.s32 $0xFFFFD800  }
0xa7: {  	[spmem:s2] =	stream.indirect.scatter.add.f32 [tilespmem:s22], [sflag:$0x4], $0x80, s24, s26, $0xb8;
	[tilespmem:$0x1D200] =	vst v63  }
0xa8: {  	_ =	swait.ge [sflag:s23], $0x2800  }
0xa9: {  	[sflag:s23] =	ssyncset.done $0x0  }
0xaa: {  	s13 =	sadd.s32 $0x100, s11;
	[sflag:s23] =	ssyncadd.s32 $0xFFFFD800  }
0xab: {  	[tilespmem:s22], [sflag:$0x1] =	stream.indirect.gather [hbm4b:s5+s26], $0x80, s13, s26, $0xb8;
	[tilespmem:$0x1D200] =	vst v63  }
0xac: {  	_ =	swait.ge [sflag:s30], $0x2800  }
0xad: {  	[sflag:s30] =	ssyncset.done $0x0  }
0xae: {  	[sflag:s30] =	ssyncadd.s32 $0xFFFFD800  }
0xaf: {  	[spmem:s2] =	stream.indirect.scatter.add.f32 [tilespmem:s28], [sflag:$0x4], $0x80, s31, s26, $0xb8;
	[tilespmem:$0x1D200] =	vst v63  }
0xb0: {  	_ =	swait.ge [sflag:s23], $0x2800  }
0xb1: {  	s14 =	sadd.s32 $0xFFFFFF00, s9;
	[sflag:s23] =	ssyncset.done $0x0  }
0xb2: {  	s15 =	sand.u32 $0x7C00, s14;
	s13 =	sadd.s32 $0x180, s11;
	[sflag:s23] =	ssyncadd.s32 $0xFFFFD800  }
0xb3: {  	[tilespmem:s28], [sflag:$0x2] =	stream.indirect.gather [hbm4b:s5+s26], $0x80, s13, s26, $0xb8;
	[tilespmem:$0x1D200] =	vst v63  }
0xb4: {  	s12 =	sand.u32 $0x200, s14;
	s13 =	sadd.s32 s4, s15  }
0xb5: {  	s12 =	sor.u32 s12, s13;
	_ =	swait.ge [sflag:s0], $0x100  }
0xb6: {  	[sflag:s0] =	ssyncset.done $0x0;
	s12 =	sshrl.u32 s12, $0x3  }
0xb7: {  	[sflag:s0] =	ssyncadd.s32 $0xFFFFFF00;
	s12 =	sadd.s32 s6, s12  }
0xb8: {  	[tilespmem:s24], [sflag:$0x3] =	stream.linear.gather [hbm4b:s12+s3], $0x100, $0x38;
	[tilespmem:$0x1D200] =	vst v63  }
0xb9: {  	_ =	swait.ge [sflag:s29], $0x2800  }
0xba: {  	[sflag:s29] =	ssyncset.done $0x0  }
0xbb: {  	[sflag:s29] =	ssyncadd.s32 $0xFFFFD800  }
0xbc: {  	[spmem:s2] =	stream.indirect.scatter.add.f32 [tilespmem:s22], [sflag:$0x4], $0x80, s25, s26, $0xb8;
	[tilespmem:$0x1D200] =	vst v63  }
0xbd: {  	_ =	swait.ge [sflag:s23], $0x2800  }
0xbe: {  	[sflag:s23] =	ssyncset.done $0x0  }
0xbf: {  	s16 =	sadd.s32 $0x200, s11;
	[sflag:s23] =	ssyncadd.s32 $0xFFFFD800  }
0xc0: {  	[tilespmem:s22], [sflag:$0x1] =	stream.indirect.gather [hbm4b:s5+s26], $0x80, s16, s26, $0xb8;
	[tilespmem:$0x1D200] =	vst v63  }
0xc1: {  	_ =	swait.ge [sflag:s30], $0x2800  }
0xc2: {  	[sflag:s30] =	ssyncset.done $0x0  }
0xc3: {  	[sflag:s30] =	ssyncadd.s32 $0xFFFFD800  }
0xc4: {  	[spmem:s2] =	stream.indirect.scatter.add.f32 [tilespmem:s28], [sflag:$0x4], $0x80, s1, s26, $0xb8;
	[tilespmem:$0x1D200] =	vst v63  }
0xc5: {  	_ =	swait.ge [sflag:s23], $0x2800  }
0xc6: {  	[sflag:s23] =	ssyncset.done $0x0  }
0xc7: {  	s11 =	sadd.s32 $0x280, s11;
	s13 =	sand.u32 $0x7C00, s9;
	[sflag:s23] =	ssyncadd.s32 $0xFFFFD800  }
0xc8: {  	[tilespmem:s28], [sflag:$0x2] =	stream.indirect.gather [hbm4b:s5+s26], $0x80, s11, s26, $0xb8;
	[tilespmem:$0x1D200] =	vst v63  }
0xc9: {  	s14 =	sand.u32 $0x300, s9;
	s11 =	sadd.s32 s4, s13  }
0xca: {  	_ =	swait.ge [sflag:s0], $0x100;
	s9 =	sor.u32 s14, s11  }
0xcb: {  	[sflag:s0] =	ssyncset.done $0x0;
	s9 =	sshrl.u32 s9, $0x3  }
0xcc: {  	[sflag:s0] =	ssyncadd.s32 $0xFFFFFF00;
	s9 =	sadd.s32 s6, s9  }
0xcd: {  	[tilespmem:s25], [sflag:$0x3] =	stream.linear.gather [hbm4b:s9+s3], $0x100, $0x38;
	[tilespmem:$0x1D200] =	vst v63  }
0xce: {  	s15 =	simm.s32 $0x3C80  }
0xcf: {  	[tilespmem:s28], [sflag:$0x2] =	stream.indirect.gather [hbm4b:s5+s26], $0x80, s15, s26, $0xb8;
	[tilespmem:$0x1D200] =	vst v63  }
0xd0: {  	_ =	swait.ge [sflag:s29], $0x2800  }
0xd1: {  	[sflag:s29] =	ssyncset.done $0x0  }
0xd2: {  	[sflag:s29] =	ssyncadd.s32 $0xFFFFD800  }
0xd3: {  	[spmem:s2] =	stream.indirect.scatter.add.f32 [tilespmem:s22], [sflag:$0x4], $0x80, s24, s26, $0xb8;
	[tilespmem:$0x1D200] =	vst v63  }
0xd4: {  	_ =	swait.ge [sflag:s23], $0x2800  }
0xd5: {  	[sflag:s23] =	ssyncset.done $0x0  }
0xd6: {  	s16 =	simm.s32 $0x3D00;
	[sflag:s23] =	ssyncadd.s32 $0xFFFFD800  }
0xd7: {  	[tilespmem:s22], [sflag:$0x1] =	stream.indirect.gather [hbm4b:s5+s26], $0x80, s16, s26, $0xb8;
	[tilespmem:$0x1D200] =	vst v63  }
0xd8: {  	_ =	swait.ge [sflag:s30], $0x2800  }
0xd9: {  	[sflag:s30] =	ssyncset.done $0x0  }
0xda: {  	[sflag:s30] =	ssyncadd.s32 $0xFFFFD800  }
0xdb: {  	[spmem:s2] =	stream.indirect.scatter.add.f32 [tilespmem:s28], [sflag:$0x4], $0x80, s31, s26, $0xb8;
	[tilespmem:$0x1D200] =	vst v63  }
0xdc: {  	_ =	swait.ge [sflag:s23], $0x2800  }
0xdd: {  	[sflag:s23] =	ssyncset.done $0x0  }
0xde: {  	s11 =	simm.s32 $0x3D80;
	[sflag:s23] =	ssyncadd.s32 $0xFFFFD800  }
0xdf: {  	[tilespmem:s28], [sflag:$0x2] =	stream.indirect.gather [hbm4b:s5+s26], $0x80, s11, s26, $0xb8;
	[tilespmem:$0x1D200] =	vst v63  }
0xe0: {  	_ =	swait.ge [sflag:s0], $0x100  }
0xe1: {  	[sflag:s0] =	ssyncset.done $0x0  }
0xe2: {  	[sflag:s0] =	ssyncadd.s32 $0xFFFFFF00  }
0xe3: {  	[tilespmem:s24], [sflag:$0x3] =	stream.linear.gather [hbm4b:s20+s3], $0x100, $0x38;
	[tilespmem:$0x1D200] =	vst v63  }
0xe4: {  	_ =	swait.ge [sflag:s29], $0x2800  }
0xe5: {  	[sflag:s29] =	ssyncset.done $0x0  }
0xe6: {  	[sflag:s29] =	ssyncadd.s32 $0xFFFFD800  }
0xe7: {  	[spmem:s2] =	stream.indirect.scatter.add.f32 [tilespmem:s22], [sflag:$0x4], $0x80, s25, s26, $0xb8;
	[tilespmem:$0x1D200] =	vst v63  }
0xe8: {  	_ =	swait.ge [sflag:s23], $0x2800  }
0xe9: {  	[sflag:s23] =	ssyncset.done $0x0  }
0xea: {  	s12 =	simm.s32 $0x3E00;
	[sflag:s23] =	ssyncadd.s32 $0xFFFFD800  }
0xeb: {  	[tilespmem:s22], [sflag:$0x1] =	stream.indirect.gather [hbm4b:s5+s26], $0x80, s12, s26, $0xb8;
	[tilespmem:$0x1D200] =	vst v63  }
0xec: {  	_ =	swait.ge [sflag:s30], $0x2800  }
0xed: {  	[sflag:s30] =	ssyncset.done $0x0  }
0xee: {  	[sflag:s30] =	ssyncadd.s32 $0xFFFFD800  }
0xef: {  	[spmem:s2] =	stream.indirect.scatter.add.f32 [tilespmem:s28], [sflag:$0x4], $0x80, s1, s26, $0xb8;
	[tilespmem:$0x1D200] =	vst v63  }
0xf0: {  	_ =	swait.ge [sflag:s23], $0x2800  }
0xf1: {  	[sflag:s23] =	ssyncset.done $0x0  }
0xf2: {  	[sflag:s23] =	ssyncadd.s32 $0xFFFFD800  }
0xf3: {  	_ =	swait.ge [sflag:s0], $0x100  }
0xf4: {  	[sflag:s0] =	ssyncset.done $0x0  }
0xf5: {  	[sflag:s0] =	ssyncadd.s32 $0xFFFFFF00  }
0xf6: {  	[tilespmem:s25], [sflag:$0x3] =	stream.linear.gather [hbm4b:s21+s3], $0x100, $0x38;
	[tilespmem:$0x1D200] =	vst v63  }
0xf7: {  	_ =	swait.ge [sflag:s29], $0x2800  }
0xf8: {  	[sflag:s29] =	ssyncset.done $0x0  }
0xf9: {  	[sflag:s29] =	ssyncadd.s32 $0xFFFFD800  }
0xfa: {  	[spmem:s2] =	stream.indirect.scatter.add.f32 [tilespmem:s22], [sflag:$0x4], $0x80, s24, s26, $0xb8;
	[tilespmem:$0x1D200] =	vst v63  }
0xfb: {  	_ =	swait.ge [sflag:s23], $0x2800  }
0xfc: {  	[sflag:s23] =	ssyncset.done $0x0  }
0xfd: {  	[sflag:s23] =	ssyncadd.s32 $0xFFFFD800  }
0xfe: {  	_ =	swait.ge [sflag:s0], $0x100  }
0xff: {  	[sflag:s0] =	ssyncset.done $0x0  }
0x100: {  	s13 =	stileid.u32;
	[sflag:s0] =	ssyncadd.s32 $0xFFFFFF00  }
0x101: {  	s9 =	sshll.u32 s13, $0x6;
	[bflag:$0x0] =	sbarrier.arrive $0xFFFF  }
0x102: {  	s14 =	sshrl.u32 s10, $0x3;
	s9 =	sor.u32 $0x1C04, s9;
	s15 =	rddreg [dreg:$0x5]  }
0x103: {  	[hbm:s15], [sflag:s9] =	dma.local [spmem:s14], $0x2800  }
0x104: {  	_ =	swait.ge [sflag:s23], $0x2800  }
0x105: {  	s8 =	sadd.s32 $0x1, s8;
	s16 =	rddreg [dreg:$0x6]  }
0x106: {  	p0 =	sne.s32 s8, s16  }
.Ltmp2:
0x107: {  	_ = 	snop;
	(pc) =	sbr.rel @p0 .LBB2_1-.Ltmp2, $3  }
0x108: {  	_ =	sdelay $0x1  }
0x109: {  	[sflag:s23] =	ssyncset.done $0x0  }
0x10a: {  	[sflag:s23] =	ssyncadd.s32 $0xFFFFD800  }
0x10b: {  	_ =	sfence.sel $0x180000  }
0x10c: {  	[bflag:$0x0] =	sbarrier.arrive $0xFFFF  }
0x10d: {  	_ =	strace $0x9000004A  }
0x10e: {  	s0 =	stileid.u32;
	[bflag:$0x2] =	sbarrier.arrive $0xFFFF  }
0x10f: {  	p0 =	sne.s32 s0, $0x0;
	s0 =	rddreg [dreg:$0x2]  }
0x110: {  	s0 =	sadd.s32 @!p0 $0x100000, s0  }
0x111: {  	[sflag:s0] =	ssyncadd.tile.s32 @!p0 $0x1;
	_ =	shalt  }
.Lfunc_end2:
_tile_overlayer_lowered:
.L_overlay_start_2:
0x112: {  	(tag) =	ssettag $0x2  }
0x113: {  	s0 =	rddreg [dreg:$0x0];
	s2 =	stileid.u32  }
0x114: {  	s1 =	rddreg [dreg:$0x1];
	p0 =	sne.s32 s2, $0x0  }
0x115: {  	s3 =	rddreg [dreg:$0x2];
	[bflag:$0x3] =	sbarrier.arrive $0xFFFF;
	s2 =	simm.s32 @!p0 $0x1C04  }
0x116: {  	[timem:s3], [sflag:s2] =	dma.local @!p0 [hbm:s0], s1  }
0x117: {  	s0 =	simm.s32 @!p0 $0x4  }
0x118: {  	_ =	swait.ge @!p0 [sflag:s0], s1  }
0x119: {  	s1 =	ssub.s32 @!p0 $0x0, s1;
	[sflag:s0] =	ssyncset.done @!p0 $0x0  }
0x11a: {  	[sflag:s0] =	ssyncadd.s32 @!p0 s1  }
0x11b: {  	[bflag:$0x3] =	sbarrier.arrive $0xFFFF  }
0x11c: {  	_ =	shalt  }

// kernel: kernel.14.cloned.1.call-start
scs
__scs_entry_jumppad:
0x0: {  	(pc) =	sbr.rel $0x88, $3  }
0x1: {  	(tag) =	ssettag $0x0;
	lr =	simm.s32 $0x1  }
0x2: {  	[smem:$0x3F95] =	sst lr;
	_ =	strace $0xD0000000  }
0x3: {  	_ = 	snop  }
0x4: {  	_ = 	snop  }
0x5: {  	_ = 	snop  }
0x6: {  	_ = 	snop  }
0x7: {  	_ = 	snop  }
__scs_overlays_trampoline_lowered:
0x8: {  	[smem:$0x3FA4] =	sst s0  }
0x9: {  	[smem:$0x3FA5] =	sst s1  }
0xa: {  	[smem:$0x3FA6] =	sst s2  }
0xb: {  	[smem:$0x3FA7] =	sst s3  }
0xc: {  	[smem:$0x3FA8] =	sst s4  }
0xd: {  	[smem:$0x3FA9] =	sst s5  }
0xe: {  	[smem:$0x3FAA] =	sst s6  }
0xf: {  	[smem:$0x3FAB] =	sst s7  }
0x10: {  	[smem:$0x3FAC] =	sst s8  }
0x11: {  	[smem:$0x3FAD] =	sst s9;
	s0 =	simm.s32 @!p0 $0x0  }
0x12: {  	s1 =	sld [smem:$0x3F93];
	s0 =	simm.s32 @p0 $0x1  }
0x13: {  	[smem:$0x3FAE] =	sst s0;
	s0 =	simm.s32 @!p1 $0x0  }
0x14: {  	s2 =	sld [smem:$0x3F92];
	s0 =	simm.s32 @p1 $0x1  }
0x15: {  	[smem:$0x3FAF] =	sst s0;
	s0 =	simm.s32 @!p2 $0x0  }
0x16: {  	s3 =	sld [smem:$0x3FDB];
	s0 =	simm.s32 @p2 $0x1  }
0x17: {  	s4 =	simm.s32 $0x1BF5;
	[smem:$0x3FB1] =	sst s0  }
0x18: {  	s0 =	sld [smem:$0x3F94];
	_ =	swait.ge [sflag:s4], $0x0  }
0x19: {  	s7 =	sld [smem:$0x3F95]  }
0x1a: {  	s8 =	sadd.s32 $0xFFFFE003, lr  }
0x1b: {  	s9 =	sadd.s32 $0xFFFFFEF7, lr;
	s5 =	simm.s32 $0xFFFFFFFF;
	p2 =	slt.u32 s8, $0xFFFFF086  }
0x1c: {  	p1 =	slt.u32 s9, $0xF7A;
	s5 =	simm.s32 @!p2 $0x0  }
0x1d: {  	s5 =	simm.s32 @p1 $0x1;
	p0 =	seq.s32 s7, s2  }
0x1e: {  	s7 =	smul.u32 @!p0 $0xF7A, s2;
	p2 =	seq.s32 @!p0 s5, $0x0  }
0x1f: {  	s9 =	smul.u32 $0xF7A, s1;
	s8 =	simm.s32 @!p0 $0x1BF5;
	p2 =	por !p2, p0  }
0x20: {  	[sflag:s8] =	ssyncset.s32 @!p0 $0xFFFFF086;
	s6 =	sadd.s32 @!p0 s3, s7;
	s7 =	simm.s32 @!p0 $0x108  }
0x21: {  	s3 =	sadd.s32 s3, s9;
	s6 =	sadd.s32 @!p0 $0x88, s6;
	s7 =	simm.s32 @p2 $0x1082  }
0x22: {  	[simem:s7], [sflag:s8] =	dma.local @!p0 [hbm:s6], $0xF7A  }
0x23: {  	s9 =	sor.u32 $0xD0000000, s2;
	s6 =	simm.s32 $0x108;
	_ =	swait.ge @!p0 [sflag:s8], $0x0  }
0x24: {  	s3 =	sadd.s32 $0x88, s3;
	s6 =	simm.s32 @!p1 $0x1082;
	[sflag:s4] =	ssyncset.s32 $0xFFFFF086  }
0x25: {  	[simem:s6], [sflag:s4] =	dma.local [hbm:s3], $0xF7A  }
0x26: {  	[smem:$0x3F95] =	sst s1;
	(tag) =	ssettag s2;
	_ =	strace s9  }
0x27: {  	s1 =	sld [smem:$0x3FA5]  }
0x28: {  	s2 =	sld [smem:$0x3FA6]  }
0x29: {  	s4 =	sld [smem:$0x3FA8]  }
0x2a: {  	p0 =	seq.s32 s5, $0x0;
	s5 =	sld [smem:$0x3FA9]  }
0x2b: {  	s6 =	sld [smem:$0x3FAA]  }
0x2c: {  	s7 =	sld [smem:$0x3FAB]  }
0x2d: {  	s3 =	simm.s32 $0x108;
	s8 =	sld [smem:$0x3FAC]  }
0x2e: {  	s3 =	simm.s32 @!p0 $0x1082;
	s9 =	sld [smem:$0x3FAD]  }
0x2f: {  	lr =	sadd.s32 s0, s3;
	s0 =	sld [smem:$0x3FA4]  }
0x30: {  	s3 =	sld [smem:$0x3FA7]  }
0x31: {  	[smem:$0x3FB0] =	sst s10  }
0x32: {  	s10 =	sld [smem:$0x3FAE];
	_ =	sdelay $0x3  }
0x33: {  	p0 =	seq.s32 s10, $0x1;
	s10 =	sld [smem:$0x3FB0];
	_ =	sdelay $0x3  }
0x34: {  	[smem:$0x3FB0] =	sst s10  }
0x35: {  	s10 =	sld [smem:$0x3FAF];
	_ =	sdelay $0x3  }
0x36: {  	p1 =	seq.s32 s10, $0x1;
	s10 =	sld [smem:$0x3FB0];
	_ =	sdelay $0x3  }
0x37: {  	[smem:$0x3FB0] =	sst s10  }
0x38: {  	s10 =	sld [smem:$0x3FB1]  }
0x39: {  	_ = 	snop;
	(pc) =	sbr.ind lr, $3  }
0x3a: {  	_ = 	snop  }
0x3b: {  	_ = 	snop  }
0x3c: {  	p2 =	seq.s32 s10, $0x1;
	s10 =	sld [smem:$0x3FB0]  }
0x3d: {  	_ =	shalt  }
0x3e: {  	_ =	shalt  }
0x3f: {  	_ =	shalt  }
0x40: {  	_ =	shalt  }
0x41: {  	_ =	shalt  }
0x42: {  	_ =	shalt  }
0x43: {  	_ =	shalt  }
0x44: {  	_ =	shalt  }
0x45: {  	_ =	shalt  }
0x46: {  	_ =	shalt  }
0x47: {  	_ =	shalt  }
0x48: {  	_ =	shalt  }
0x49: {  	_ =	shalt  }
0x4a: {  	_ =	shalt  }
0x4b: {  	_ =	shalt  }
0x4c: {  	_ =	shalt  }
0x4d: {  	_ =	shalt  }
0x4e: {  	_ =	shalt  }
0x4f: {  	_ =	shalt  }
0x50: {  	_ =	shalt  }
0x51: {  	_ =	shalt  }
0x52: {  	_ =	shalt  }
0x53: {  	_ =	shalt  }
0x54: {  	_ =	shalt  }
0x55: {  	_ =	shalt  }
0x56: {  	_ =	shalt  }
0x57: {  	_ =	shalt  }
0x58: {  	_ =	shalt  }
0x59: {  	_ =	shalt  }
0x5a: {  	_ =	shalt  }
0x5b: {  	_ =	shalt  }
0x5c: {  	_ =	shalt  }
0x5d: {  	_ =	shalt  }
0x5e: {  	_ =	shalt  }
0x5f: {  	_ =	shalt  }
0x60: {  	_ =	shalt  }
0x61: {  	_ =	shalt  }
0x62: {  	_ =	shalt  }
0x63: {  	_ =	shalt  }
0x64: {  	_ =	shalt  }
0x65: {  	_ =	shalt  }
0x66: {  	_ =	shalt  }
0x67: {  	_ =	shalt  }
0x68: {  	_ =	shalt  }
0x69: {  	_ =	shalt  }
0x6a: {  	_ =	shalt  }
0x6b: {  	_ =	shalt  }
0x6c: {  	_ =	shalt  }
0x6d: {  	_ =	shalt  }
0x6e: {  	_ =	shalt  }
0x6f: {  	_ =	shalt  }
0x70: {  	_ =	shalt  }
0x71: {  	_ =	shalt  }
0x72: {  	_ =	shalt  }
0x73: {  	_ =	shalt  }
0x74: {  	_ =	shalt  }
0x75: {  	_ =	shalt  }
0x76: {  	_ =	shalt  }
0x77: {  	_ =	shalt  }
0x78: {  	_ =	shalt  }
0x79: {  	_ =	shalt  }
0x7a: {  	_ =	shalt  }
0x7b: {  	_ =	shalt  }
0x7c: {  	_ =	shalt  }
0x7d: {  	_ =	shalt  }
0x7e: {  	_ =	shalt  }
0x7f: {  	_ =	shalt  }
0x80: {  	_ =	shalt  }
0x81: {  	_ =	shalt  }
0x82: {  	_ =	shalt  }
0x83: {  	_ =	shalt  }
0x84: {  	_ =	shalt  }
0x85: {  	_ =	shalt  }
0x86: {  	_ =	shalt  }
0x87: {  	_ =	shalt  }
.Lfunc_end0:
.L_simem_size_0:
called_computation.2_lowered:
.L_overlay_start_0:
0x88: {  	s2 =	sld [smem:$0x3FD9]  }
0x89: {  	s3 =	sld [smem:$0x3FFE];
	_ =	sdelay $0x1  }
0x8a: {  	s1 =	srdreg.scid  }
0x8b: {  	s0 =	sand.u32 $0x1, s1  }
0x8c: {  	s16 =	sshll.u32 s0, $0xA;
	s2 =	sadd.s32 s3, s2  }
0x8d: {  	s2 =	sadd.s32 s2, s16  }
0x8e: {  	[smem:$0x3FBC] =	sst s2  }
0x8f: {  	_ = 	snop  }
0x90: {  	(tm) =	ssettm $0x1  }
0x91: {  	s17 =	sld [smem:$0x3FFB];
	_ =	sdelay $0x3  }
0x92: {  	_ =	strace s17  }
0x93: {  	s2 =	sld [smem:$0x3FFC];
	_ =	sdelay $0x3  }
0x94: {  	_ =	strace s2  }
0x95: {  	s2 =	sld [smem:$0x3FFD];
	_ =	sdelay $0x3  }
0x96: {  	_ =	strace s2  }
0x97: {  	_ =	strace $0x8FFFFFFF  }
0x98: {  	s18 =	sld [smem:$0x3FDB];
	_ =	sdelay $0x1  }
0x99: {  	s19 =	simm.s32 $_scs_section_size  }
0x9a: {  	s4 =	simm.s32 $_size__tile_overlayer_lowered;
	s5 =	simm.s32 $_tile_overlayer_lowered  }
0x9b: {  	s22 =	simm.s32 $0x1BFF;
	s21 =	sshll.u32 s5, $0x1;
	s2 =	sadd.s32 s19, s18  }
0x9c: {  	s6 =	simm.s32 $0x0;
	s20 =	sshll.u32 s4, $0x1;
	s4 =	sadd.s32 s21, s2  }
0x9d: {  	[timem:s6], [sflag:s22] =	dma.local [hbm:s4], s20  }
0x9e: {  	_ =	swait.ge [sflag:s22], s20  }
0x9f: {  	s3 =	ssub.s32 $0x0, s20;
	[sflag:s22] =	ssyncset.done $0x0  }
0xa0: {  	[sflag:s22] =	ssyncadd.s32 s3;
	_ =	sdelay $0x1  }
0xa1: {  	s23 =	simm.s32 $0x1B8B  }
0xa2: {  	_ =	swait.ge [sflag:s23], $0x1  }
0xa3: {  	[sflag:s23] =	ssyncset.done $0x0  }
0xa4: {  	s25 =	simm.s32 $0x1B8E;
	s24 =	sld [smem:$0x3FFE];
	[sflag:s23] =	ssyncadd.s32 $0xFFFFFFFF  }
0xa5: {  	s26 =	simm.s32 $execute0_lowered;
	[smem:$0x3FD2] =	sst s25  }
0xa6: {  	s4 =	sshll.u32 s26, $0x1;
	_ =	strace $0x8000004C;
	[dreg:$0x1] =	wrdreg $0xFFFFFFFF  }
0xa7: {  	s28 =	simm.s32 $_size_execute0_lowered;
	s2 =	sadd.s32 s2, s4;
	[dreg:$0x0] =	wrdreg $0x0  }
0xa8: {  	s4 =	sshll.u32 s28, $0x1;
	[dreg:$0x2] =	wrdreg s2  }
0xa9: {  	[dreg:$0x3] =	wrdreg s4  }
0xaa: {  	[dreg:$0x4] =	wrdreg $0xC0  }
0xab: {  	_ =	task [dreg:s6], $0x5FFFF  }
0xac: {  	[dreg:$0x1] =	wrdreg $0xFFFFFFFF  }
0xad: {  	[dreg:$0x0] =	wrdreg $0x60  }
0xae: {  	[dreg:$0x2] =	wrdreg s24  }
0xaf: {  	[dreg:$0x3] =	wrdreg $0x92000  }
0xb0: {  	[dreg:$0x4] =	wrdreg $0x9  }
0xb1: {  	_ =	task.clear_ibuf [dreg:s6], $0x5FFFF;
	_ =	strace $0x9000004C  }
0xb2: {  	s29 =	simm.s32 $0x9;
	_ =	strace $0x8000004E  }
0xb3: {  	_ =	swait.ge [sflag:s29], $0x1  }
0xb4: {  	[sflag:s29] =	ssyncadd.s32 $0xFFFFFFFF  }
0xb5: {  	_ =	strace $0x9000004E  }
0xb6: {  	_ =	sfence  }
0xb7: {  	s30 =	sld [smem:$0x0];
	_ =	sdelay $0x2  }
0xb8: {  	s31 =	sshll.u32 s1, $0xD;
	s1 =	sshrl.u32 s1, $0x2  }
0xb9: {  	s3 =	sand.u32 $0x4000, s31;
	s1 =	sadd.s32 s1, s30  }
0xba: {  	s0 =	sor.u32 s3, s0;
	s1 =	sshll.u32 s1, $0x11  }
0xbb: {  	s0 =	sor.u32 s1, s0  }
0xbc: {  	s0 =	sadd.s32 $0x8F2B, s0  }
0xbd: {  	[sflag:s0] =	ssyncadd.remote.s32 $0x1  }
0xbe: {  	_ =	sfence.sel $0xFFFF  }
0xbf: {  	[dreg:$0x0] =	wrdreg $0xFFFFFFFF;
	(pc) =	sbr.abs _section_cstart, $3  }
0xc0: {  	[dreg:$0x1] =	wrdreg $0xFFFFFFFF  }
0xc1: {  	_ =	task.clear_ibuf [dreg:s6], $0x2FFFF;
	_ =	strace $0x9FFFFFFF  }
0xc2: {  	(tm) =	ssettm $0x7FFFFFFF  }
0xc3: {  	_ =	shalt  }
tec
execute0_lowered:
.L_overlay_start_1:
0x0: {  	(tag) =	ssettag $0x1  }
0x1: {  	s0 =	rddreg [dreg:$0x0]  }
0x2: {  	s2 =	rddreg [dreg:$0x1];
	s1 =	srdreg.scid  }
0x3: {  	s3 =	simm.s32 $0x0;
	s10 =	stileid.u32;
	s28 =	simm.s32 $0x6A00  }
0x4: {  	s29 =	simm.s32 $0x1;
	s30 =	simm.s32 $0x2;
	s31 =	simm.s32 $0x4080  }
0x5: {  	s1 =	sand.u32 $0x1, s1;
	s5 =	sshll.u32 s10, $0xE;
	s7 =	smul.u32 $0x14000, s10  }
0x6: {  	[smem:$0x7FF] =	sst s3;
	s10 =	smul.u32 $0x50000, s10;
	s4 =	sshll.u32 s1, $0x12  }
0x7: {  	s6 =	smul.u32 $0x140000, s1;
	_ =	strace $0x8000004D;
	s1 =	ssub.s32 $0x2, s1  }
0x8: {  	s4 =	sor.u32 s5, s4;
	s5 =	sadd.s32 $0x3200, s0;
	s19 =	sshrl.u32 s1, $0x1  }
0x9: {  	s20 =	sshrl.u32 s10, $0x2;
	s8 =	sshrl.u32 s4, $0x3;
	s6 =	sadd.s32 s7, s6  }
0xa: {  	s1 =	ssub.s32 s1, s19;
	s10 =	sadd.s32 s20, s2;
	s9 =	sadd.s32 s8, s0  }
0xb: {  	s7 =	sshrl.u32 s6, $0x3;
	s6 =	sadd.s32 $0x63200, s0;
	s22 =	smax.u32 s1, $0x1  }
0xc: {  	s23 =	sadd.s32 $0x2800, s10;
	s24 =	sadd.s32 $0x5000, s10;
	s25 =	sadd.s32 $0x7800, s10  }
0xd: {  	s26 =	sadd.s32 $0xA000, s10;
	s17 =	sadd.s32 $0xC800, s10;
	[dreg:$0x6] =	wrdreg s22  }
0xe: {  	s18 =	sadd.s32 $0xF000, s10;
	s19 =	sadd.s32 $0x11800, s10;
	[dreg:$0x7] =	wrdreg s23  }
0xf: {  	s1 =	simm.s32 $0x4180;
	s0 =	sadd.s32 s7, s0;
	[dreg:$0x8] =	wrdreg s24  }
0x10: {  	s7 =	sadd.s32 s6, s8;
	s9 =	sadd.s32 $0x73200, s9;
	[dreg:$0x9] =	wrdreg s25  }
0x11: {  	[dreg:$0xa] =	wrdreg s26;
	s22 =	simm.s32 $0x4200;
	s23 =	simm.s32 $0x4  }
0x12: {  	s24 =	simm.s32 $0x4000;
	s25 =	simm.s32 $0x4100;
	s26 =	simm.s32 $0x50  }
0x13: {  	s8 =	simm.s32 $0x0;
	[dreg:$0x3] =	wrdreg s9;
	s21 =	sadd.s32 $0x20, s7  }
0x14: {  	s0 =	sadd.s32 $0x83200, s0;
	s20 =	sadd.s32 $0x7C0, s7;
	[dreg:$0x4] =	wrdreg s21  }
0x15: {  	v0 =	vimm.f32 $0.0e+00;
	[dreg:$0x5] =	wrdreg s0;
	s21 =	sadd.s32 $0x7E0, s7;
	s0 =	simm.s32 $0x3  }
.LBB2_1:
0x16: {  	s9 =	sand.u32 $0xFE00, s3  }
0x17: {  	s11 =	sand.u32 $0x70, s3;
	s12 =	sshrl.u32 s9, $0x2  }
0x18: {  	s9 =	simm.s32 $0x40;
	s12 =	sor.u32 s11, s12;
	s11 =	simm.s32 $0x0  }
.LBB2_2:
0x19: {  	p0 =	sne.s32 s9, $0x9FC0  }
0x1a: {  	[tilespmem:s12+$0x4200] =	vst v0;
	s11 =	sadd.s32 $0x10, s11;
	s12 =	smov.u32 s9;
	s9 =	sadd.s32 $0x40, s9  }
.Ltmp0:
0x1b: {  	(pc) =	sbr.rel @p0 .LBB2_2-.Ltmp0, $4  }
0x1c: {  	_ = 	snop  }
0x1d: {  	s12 =	sand.u32 $0xFE00, s12  }
0x1e: {  	s13 =	sand.u32 $0x70, s11;
	s12 =	sshrl.u32 s12, $0x2  }
0x1f: {  	s12 =	sor.u32 s13, s12  }
0x20: {  	[tilespmem:s12+$0x4200] =	vst v0  }
0x21: {  	[spmem:s10] =	stream.linear.scatter [tilespmem:s22], [sflag:$0x4], $0x2800, $0x38;
	[tilespmem:$0x1D200] =	vst v63  }
0x22: {  	_ =	swait.ge [sflag:s23], $0x2800  }
0x23: {  	[sflag:s23] =	ssyncset.done $0x0  }
0x24: {  	s9 =	rddreg [dreg:$0x7];
	[sflag:s23] =	ssyncadd.s32 $0xFFFFD800  }
0x25: {  	[spmem:s9] =	stream.linear.scatter [tilespmem:s22], [sflag:$0x4], $0x2800, $0x38;
	[tilespmem:$0x1D200] =	vst v63  }
0x26: {  	_ =	swait.ge [sflag:s23], $0x2800  }
0x27: {  	[sflag:s23] =	ssyncset.done $0x0  }
0x28: {  	s13 =	rddreg [dreg:$0x8];
	[sflag:s23] =	ssyncadd.s32 $0xFFFFD800  }
0x29: {  	[spmem:s13] =	stream.linear.scatter [tilespmem:s22], [sflag:$0x4], $0x2800, $0x38;
	[tilespmem:$0x1D200] =	vst v63  }
0x2a: {  	_ =	swait.ge [sflag:s23], $0x2800  }
0x2b: {  	[sflag:s23] =	ssyncset.done $0x0  }
0x2c: {  	s14 =	rddreg [dreg:$0x9];
	[sflag:s23] =	ssyncadd.s32 $0xFFFFD800  }
0x2d: {  	[spmem:s14] =	stream.linear.scatter [tilespmem:s22], [sflag:$0x4], $0x2800, $0x38;
	[tilespmem:$0x1D200] =	vst v63  }
0x2e: {  	_ =	swait.ge [sflag:s23], $0x2800  }
0x2f: {  	[sflag:s23] =	ssyncset.done $0x0  }
0x30: {  	s15 =	rddreg [dreg:$0xa];
	[sflag:s23] =	ssyncadd.s32 $0xFFFFD800  }
0x31: {  	[spmem:s15] =	stream.linear.scatter [tilespmem:s22], [sflag:$0x4], $0x2800, $0x38;
	[tilespmem:$0x1D200] =	vst v63  }
0x32: {  	_ =	swait.ge [sflag:s23], $0x2800  }
0x33: {  	[sflag:s23] =	ssyncset.done $0x0  }
0x34: {  	[sflag:s23] =	ssyncadd.s32 $0xFFFFD800  }
0x35: {  	[spmem:s17] =	stream.linear.scatter [tilespmem:s22], [sflag:$0x4], $0x2800, $0x38;
	[tilespmem:$0x1D200] =	vst v63  }
0x36: {  	_ =	swait.ge [sflag:s23], $0x2800  }
0x37: {  	[sflag:s23] =	ssyncset.done $0x0  }
0x38: {  	[sflag:s23] =	ssyncadd.s32 $0xFFFFD800  }
0x39: {  	[spmem:s18] =	stream.linear.scatter [tilespmem:s22], [sflag:$0x4], $0x2800, $0x38;
	[tilespmem:$0x1D200] =	vst v63  }
0x3a: {  	_ =	swait.ge [sflag:s23], $0x2800  }
0x3b: {  	[sflag:s23] =	ssyncset.done $0x0  }
0x3c: {  	[sflag:s23] =	ssyncadd.s32 $0xFFFFD800  }
0x3d: {  	[spmem:s19] =	stream.linear.scatter [tilespmem:s22], [sflag:$0x4], $0x2800, $0x38;
	[tilespmem:$0x1D200] =	vst v63  }
0x3e: {  	_ =	swait.ge [sflag:s23], $0x2800  }
0x3f: {  	[sflag:s23] =	ssyncset.done $0x0  }
0x40: {  	s16 =	simm.s32 $0x0;
	s11 =	rddreg [dreg:$0x3];
	[sflag:s23] =	ssyncadd.s32 $0xFFFFD800  }
0x41: {  	[tilespmem:s16], [sflag:$0x4] =	stream.linear.gather [hbm4b:s11+s16], $0x3E80, $0x38;
	[tilespmem:$0x1D200] =	vst v63  }
0x42: {  	_ =	swait.ge [sflag:s23], $0x3E80  }
0x43: {  	[sflag:s23] =	ssyncset.done $0x0  }
0x44: {  	[sflag:s23] =	ssyncadd.s32 $0xFFFFC180  }
0x45: {  	[bflag:$0x0] =	sbarrier.arrive $0xFFFF  }
0x46: {  	[tilespmem:s24], [sflag:$0x4] =	stream.linear.gather [hbm4b:s7+s16], $0x100, $0x38;
	[tilespmem:$0x1D200] =	vst v63  }
0x47: {  	_ =	swait.ge [sflag:s23], $0x100  }
0x48: {  	[sflag:s23] =	ssyncset.done $0x0  }
0x49: {  	s12 =	rddreg [dreg:$0x4];
	[sflag:s23] =	ssyncadd.s32 $0xFFFFFF00  }
0x4a: {  	[tilespmem:s25], [sflag:$0x3] =	stream.linear.gather [hbm4b:s12+s16], $0x100, $0x38;
	[tilespmem:$0x1D200] =	vst v63  }
0x4b: {  	_ = 	snop  }
0x4c: {  	[tilespmem:s22], [sflag:$0x1] =	stream.indirect.gather [hbm4b:s5+s26], $0x80, s16, s26, $0xb8;
	[tilespmem:$0x1D200] =	vst v63  }
0x4d: {  	s13 =	simm.s32 $0x80  }
0x4e: {  	[tilespmem:s28], [sflag:$0x2] =	stream.indirect.gather [hbm4b:s5+s26], $0x80, s13, s26, $0xb8;
	[tilespmem:$0x1D200] =	vst v63  }
0x4f: {  	_ =	swait.ge [sflag:s29], $0x2800  }
0x50: {  	[sflag:s29] =	ssyncset.done $0x0  }
0x51: {  	[sflag:s29] =	ssyncadd.s32 $0xFFFFD800  }
0x52: {  	[spmem:s2] =	stream.indirect.scatter.add.f32 [tilespmem:s22], [sflag:$0x4], $0x80, s24, s26, $0xb8;
	[tilespmem:$0x1D200] =	vst v63  }
0x53: {  	_ =	swait.ge [sflag:s23], $0x2800  }
0x54: {  	[sflag:s23] =	ssyncset.done $0x0  }
0x55: {  	s14 =	simm.s32 $0x100;
	[sflag:s23] =	ssyncadd.s32 $0xFFFFD800  }
0x56: {  	[tilespmem:s22], [sflag:$0x1] =	stream.indirect.gather [hbm4b:s5+s26], $0x80, s14, s26, $0xb8;
	[tilespmem:$0x1D200] =	vst v63  }
0x57: {  	_ =	swait.ge [sflag:s30], $0x2800  }
0x58: {  	[sflag:s30] =	ssyncset.done $0x0  }
0x59: {  	[sflag:s30] =	ssyncadd.s32 $0xFFFFD800  }
0x5a: {  	[spmem:s2] =	stream.indirect.scatter.add.f32 [tilespmem:s28], [sflag:$0x4], $0x80, s31, s26, $0xb8;
	[tilespmem:$0x1D200] =	vst v63  }
0x5b: {  	s15 =	simm.s32 $0x200;
	_ =	swait.ge [sflag:s23], $0x2800  }
0x5c: {  	s9 =	sand.u32 $0x200, s15;
	s13 =	sand.u32 $0x7C00, s15;
	[sflag:s23] =	ssyncset.done $0x0  }
0x5d: {  	s16 =	simm.s32 $0x180;
	s12 =	sadd.s32 s4, s13;
	[sflag:s23] =	ssyncadd.s32 $0xFFFFD800  }
0x5e: {  	[tilespmem:s28], [sflag:$0x2] =	stream.indirect.gather [hbm4b:s5+s26], $0x80, s16, s26, $0xb8;
	[tilespmem:$0x1D200] =	vst v63  }
0x5f: {  	s9 =	sor.u32 s9, s12;
	_ =	swait.ge [sflag:s0], $0x100  }
0x60: {  	s9 =	sshrl.u32 s9, $0x3;
	[sflag:s0] =	ssyncset.done $0x0  }
0x61: {  	s9 =	sadd.s32 s6, s9;
	[sflag:s0] =	ssyncadd.s32 $0xFFFFFF00  }
0x62: {  	[tilespmem:s24], [sflag:$0x3] =	stream.linear.gather [hbm4b:s9+s3], $0x100, $0x38;
	[tilespmem:$0x1D200] =	vst v63  }
0x63: {  	_ =	swait.ge [sflag:s29], $0x2800  }
0x64: {  	[sflag:s29] =	ssyncset.done $0x0  }
0x65: {  	[sflag:s29] =	ssyncadd.s32 $0xFFFFD800  }
0x66: {  	[spmem:s2] =	stream.indirect.scatter.add.f32 [tilespmem:s22], [sflag:$0x4], $0x80, s25, s26, $0xb8;
	[tilespmem:$0x1D200] =	vst v63  }
0x67: {  	_ =	swait.ge [sflag:s23], $0x2800  }
0x68: {  	[sflag:s23] =	ssyncset.done $0x0  }
0x69: {  	s14 =	simm.s32 $0x200;
	[sflag:s23] =	ssyncadd.s32 $0xFFFFD800  }
0x6a: {  	[tilespmem:s22], [sflag:$0x1] =	stream.indirect.gather [hbm4b:s5+s26], $0x80, s14, s26, $0xb8;
	[tilespmem:$0x1D200] =	vst v63  }
0x6b: {  	_ =	swait.ge [sflag:s30], $0x2800  }
0x6c: {  	[sflag:s30] =	ssyncset.done $0x0  }
0x6d: {  	[sflag:s30] =	ssyncadd.s32 $0xFFFFD800  }
0x6e: {  	[spmem:s2] =	stream.indirect.scatter.add.f32 [tilespmem:s28], [sflag:$0x4], $0x80, s1, s26, $0xb8;
	[tilespmem:$0x1D200] =	vst v63  }
0x6f: {  	s11 =	simm.s32 $0x800;
	s15 =	simm.s32 $0x300;
	_ =	swait.ge [sflag:s23], $0x2800  }
0x70: {  	s13 =	simm.s32 $0x280;
	s16 =	sand.u32 $0x7C00, s15;
	[sflag:s23] =	ssyncset.done $0x0  }
0x71: {  	s9 =	sand.u32 $0x300, s15;
	s14 =	sadd.s32 s4, s16;
	[sflag:s23] =	ssyncadd.s32 $0xFFFFD800  }
0x72: {  	[tilespmem:s28], [sflag:$0x2] =	stream.indirect.gather [hbm4b:s5+s26], $0x80, s13, s26, $0xb8;
	[tilespmem:$0x1D200] =	vst v63  }
0x73: {  	s12 =	simm.s32 $0x1000;
	s9 =	sor.u32 s9, s14;
	_ =	swait.ge [sflag:s0], $0x100  }
0x74: {  	s14 =	sshrl.u32 s9, $0x3;
	s9 =	simm.s32 $0x500;
	[sflag:s0] =	ssyncset.done $0x0  }
.LBB2_4:
0x75: {  	s13 =	sshra.s32 s11, $0x2  }
0x76: {  	[sflag:s0] =	ssyncadd.s32 $0xFFFFFF00;
	s14 =	sadd.s32 s6, s14;
	s11 =	smov.u32 s12  }
0x77: {  	[tilespmem:s25], [sflag:$0x3] =	stream.linear.gather [hbm4b:s14+s3], $0x100, $0x38;
	[tilespmem:$0x1D200] =	vst v63  }
0x78: {  	p0 =	sne.s32 s12, $0xE800;
	s12 =	sadd.s32 $0x800, s12;
	s14 =	sadd.s32 $0x80, s13  }
0x79: {  	[tilespmem:s28], [sflag:$0x2] =	stream.indirect.gather [hbm4b:s5+s26], $0x80, s14, s26, $0xb8;
	[tilespmem:$0x1D200] =	vst v63  }
0x7a: {  	_ =	swait.ge [sflag:s29], $0x2800  }
0x7b: {  	[sflag:s29] =	ssyncset.done $0x0  }
0x7c: {  	[sflag:s29] =	ssyncadd.s32 $0xFFFFD800  }
0x7d: {  	[spmem:s2] =	stream.indirect.scatter.add.f32 [tilespmem:s22], [sflag:$0x4], $0x80, s24, s26, $0xb8;
	[tilespmem:$0x1D200] =	vst v63  }
0x7e: {  	_ =	swait.ge [sflag:s23], $0x2800  }
0x7f: {  	s14 =	sadd.s32 $0x100, s13;
	[sflag:s23] =	ssyncset.done $0x0  }
0x80: {  	[sflag:s23] =	ssyncadd.s32 $0xFFFFD800  }
0x81: {  	[tilespmem:s22], [sflag:$0x1] =	stream.indirect.gather [hbm4b:s5+s26], $0x80, s14, s26, $0xb8;
	[tilespmem:$0x1D200] =	vst v63  }
0x82: {  	_ =	swait.ge [sflag:s30], $0x2800  }
0x83: {  	[sflag:s30] =	ssyncset.done $0x0  }
0x84: {  	[sflag:s30] =	ssyncadd.s32 $0xFFFFD800  }
0x85: {  	[spmem:s2] =	stream.indirect.scatter.add.f32 [tilespmem:s28], [sflag:$0x4], $0x80, s31, s26, $0xb8;
	[tilespmem:$0x1D200] =	vst v63  }
0x86: {  	s14 =	sadd.s32 $0xFFFFFF00, s9;
	_ =	swait.ge [sflag:s23], $0x2800  }
0x87: {  	s15 =	sadd.s32 $0x180, s13;
	s16 =	sand.u32 $0x7C00, s14;
	[sflag:s23] =	ssyncset.done $0x0  }
0x88: {  	s14 =	sand.u32 $0x200, s14;
	s16 =	sadd.s32 s4, s16;
	[sflag:s23] =	ssyncadd.s32 $0xFFFFD800  }
0x89: {  	[tilespmem:s28], [sflag:$0x2] =	stream.indirect.gather [hbm4b:s5+s26], $0x80, s15, s26, $0xb8;
	[tilespmem:$0x1D200] =	vst v63  }
0x8a: {  	s14 =	sor.u32 s14, s16;
	_ =	swait.ge [sflag:s0], $0x100  }
0x8b: {  	s14 =	sshrl.u32 s14, $0x3;
	[sflag:s0] =	ssyncset.done $0x0  }
0x8c: {  	s14 =	sadd.s32 s6, s14;
	[sflag:s0] =	ssyncadd.s32 $0xFFFFFF00  }
0x8d: {  	[tilespmem:s24], [sflag:$0x3] =	stream.linear.gather [hbm4b:s14+s3], $0x100, $0x38;
	[tilespmem:$0x1D200] =	vst v63  }
0x8e: {  	_ =	swait.ge [sflag:s29], $0x2800  }
0x8f: {  	[sflag:s29] =	ssyncset.done $0x0  }
0x90: {  	[sflag:s29] =	ssyncadd.s32 $0xFFFFD800  }
0x91: {  	[spmem:s2] =	stream.indirect.scatter.add.f32 [tilespmem:s22], [sflag:$0x4], $0x80, s25, s26, $0xb8;
	[tilespmem:$0x1D200] =	vst v63  }
0x92: {  	_ =	swait.ge [sflag:s23], $0x2800  }
0x93: {  	s14 =	sadd.s32 $0x200, s13;
	[sflag:s23] =	ssyncset.done $0x0  }
0x94: {  	[sflag:s23] =	ssyncadd.s32 $0xFFFFD800  }
0x95: {  	[tilespmem:s22], [sflag:$0x1] =	stream.indirect.gather [hbm4b:s5+s26], $0x80, s14, s26, $0xb8;
	[tilespmem:$0x1D200] =	vst v63  }
0x96: {  	_ =	swait.ge [sflag:s30], $0x2800  }
0x97: {  	[sflag:s30] =	ssyncset.done $0x0  }
0x98: {  	[sflag:s30] =	ssyncadd.s32 $0xFFFFD800  }
0x99: {  	[spmem:s2] =	stream.indirect.scatter.add.f32 [tilespmem:s28], [sflag:$0x4], $0x80, s1, s26, $0xb8;
	[tilespmem:$0x1D200] =	vst v63  }
0x9a: {  	s14 =	sand.u32 $0x7C00, s9;
	_ =	swait.ge [sflag:s23], $0x2800  }
.Ltmp1:
0x9b: {  	s13 =	sadd.s32 $0x280, s13;
	[sflag:s23] =	ssyncset.done $0x0;
	(pc) =	sbr.rel @p0 .LBB2_4-.Ltmp1, $4  }
0x9c: {  	s15 =	sand.u32 $0x300, s9;
	s14 =	sadd.s32 s4, s14;
	[sflag:s23] =	ssyncadd.s32 $0xFFFFD800  }
0x9d: {  	[tilespmem:s28], [sflag:$0x2] =	stream.indirect.gather [hbm4b:s5+s26], $0x80, s13, s26, $0xb8;
	[tilespmem:$0x1D200] =	vst v63  }
0x9e: {  	s13 =	sor.u32 s15, s14;
	_ =	swait.ge [sflag:s0], $0x100  }
0x9f: {  	s9 =	sadd.s32 $0x200, s9;
	s14 =	sshrl.u32 s13, $0x3;
	[sflag:s0] =	ssyncset.done $0x0  }
0xa0: {  	s11 =	sshra.s32 s11, $0x2;
	[sflag:s0] =	ssyncadd.s32 $0xFFFFFF00;
	s12 =	sadd.s32 s6, s14  }
0xa1: {  	[tilespmem:s25], [sflag:$0x3] =	stream.linear.gather [hbm4b:s12+s3], $0x100, $0x38;
	[tilespmem:$0x1D200] =	vst v63  }
0xa2: {  	s16 =	sadd.s32 $0x80, s11  }
0xa3: {  	[tilespmem:s28], [sflag:$0x2] =	stream.indirect.gather [hbm4b:s5+s26], $0x80, s16, s26, $0xb8;
	[tilespmem:$0x1D200] =	vst v63  }
0xa4: {  	_ =	swait.ge [sflag:s29], $0x2800  }
0xa5: {  	[sflag:s29] =	ssyncset.done $0x0  }
0xa6: {  	[sflag:s29] =	ssyncadd.s32 $0xFFFFD800  }
0xa7: {  	[spmem:s2] =	stream.indirect.scatter.add.f32 [tilespmem:s22], [sflag:$0x4], $0x80, s24, s26, $0xb8;
	[tilespmem:$0x1D200] =	vst v63  }
0xa8: {  	_ =	swait.ge [sflag:s23], $0x2800  }
0xa9: {  	[sflag:s23] =	ssyncset.done $0x0  }
0xaa: {  	s13 =	sadd.s32 $0x100, s11;
	[sflag:s23] =	ssyncadd.s32 $0xFFFFD800  }
0xab: {  	[tilespmem:s22], [sflag:$0x1] =	stream.indirect.gather [hbm4b:s5+s26], $0x80, s13, s26, $0xb8;
	[tilespmem:$0x1D200] =	vst v63  }
0xac: {  	_ =	swait.ge [sflag:s30], $0x2800  }
0xad: {  	[sflag:s30] =	ssyncset.done $0x0  }
0xae: {  	[sflag:s30] =	ssyncadd.s32 $0xFFFFD800  }
0xaf: {  	[spmem:s2] =	stream.indirect.scatter.add.f32 [tilespmem:s28], [sflag:$0x4], $0x80, s31, s26, $0xb8;
	[tilespmem:$0x1D200] =	vst v63  }
0xb0: {  	_ =	swait.ge [sflag:s23], $0x2800  }
0xb1: {  	s14 =	sadd.s32 $0xFFFFFF00, s9;
	[sflag:s23] =	ssyncset.done $0x0  }
0xb2: {  	s15 =	sand.u32 $0x7C00, s14;
	s13 =	sadd.s32 $0x180, s11;
	[sflag:s23] =	ssyncadd.s32 $0xFFFFD800  }
0xb3: {  	[tilespmem:s28], [sflag:$0x2] =	stream.indirect.gather [hbm4b:s5+s26], $0x80, s13, s26, $0xb8;
	[tilespmem:$0x1D200] =	vst v63  }
0xb4: {  	s12 =	sand.u32 $0x200, s14;
	s13 =	sadd.s32 s4, s15  }
0xb5: {  	s12 =	sor.u32 s12, s13;
	_ =	swait.ge [sflag:s0], $0x100  }
0xb6: {  	[sflag:s0] =	ssyncset.done $0x0;
	s12 =	sshrl.u32 s12, $0x3  }
0xb7: {  	[sflag:s0] =	ssyncadd.s32 $0xFFFFFF00;
	s12 =	sadd.s32 s6, s12  }
0xb8: {  	[tilespmem:s24], [sflag:$0x3] =	stream.linear.gather [hbm4b:s12+s3], $0x100, $0x38;
	[tilespmem:$0x1D200] =	vst v63  }
0xb9: {  	_ =	swait.ge [sflag:s29], $0x2800  }
0xba: {  	[sflag:s29] =	ssyncset.done $0x0  }
0xbb: {  	[sflag:s29] =	ssyncadd.s32 $0xFFFFD800  }
0xbc: {  	[spmem:s2] =	stream.indirect.scatter.add.f32 [tilespmem:s22], [sflag:$0x4], $0x80, s25, s26, $0xb8;
	[tilespmem:$0x1D200] =	vst v63  }
0xbd: {  	_ =	swait.ge [sflag:s23], $0x2800  }
0xbe: {  	[sflag:s23] =	ssyncset.done $0x0  }
0xbf: {  	s16 =	sadd.s32 $0x200, s11;
	[sflag:s23] =	ssyncadd.s32 $0xFFFFD800  }
0xc0: {  	[tilespmem:s22], [sflag:$0x1] =	stream.indirect.gather [hbm4b:s5+s26], $0x80, s16, s26, $0xb8;
	[tilespmem:$0x1D200] =	vst v63  }
0xc1: {  	_ =	swait.ge [sflag:s30], $0x2800  }
0xc2: {  	[sflag:s30] =	ssyncset.done $0x0  }
0xc3: {  	[sflag:s30] =	ssyncadd.s32 $0xFFFFD800  }
0xc4: {  	[spmem:s2] =	stream.indirect.scatter.add.f32 [tilespmem:s28], [sflag:$0x4], $0x80, s1, s26, $0xb8;
	[tilespmem:$0x1D200] =	vst v63  }
0xc5: {  	_ =	swait.ge [sflag:s23], $0x2800  }
0xc6: {  	[sflag:s23] =	ssyncset.done $0x0  }
0xc7: {  	s11 =	sadd.s32 $0x280, s11;
	s13 =	sand.u32 $0x7C00, s9;
	[sflag:s23] =	ssyncadd.s32 $0xFFFFD800  }
0xc8: {  	[tilespmem:s28], [sflag:$0x2] =	stream.indirect.gather [hbm4b:s5+s26], $0x80, s11, s26, $0xb8;
	[tilespmem:$0x1D200] =	vst v63  }
0xc9: {  	s14 =	sand.u32 $0x300, s9;
	s11 =	sadd.s32 s4, s13  }
0xca: {  	_ =	swait.ge [sflag:s0], $0x100;
	s9 =	sor.u32 s14, s11  }
0xcb: {  	[sflag:s0] =	ssyncset.done $0x0;
	s9 =	sshrl.u32 s9, $0x3  }
0xcc: {  	[sflag:s0] =	ssyncadd.s32 $0xFFFFFF00;
	s9 =	sadd.s32 s6, s9  }
0xcd: {  	[tilespmem:s25], [sflag:$0x3] =	stream.linear.gather [hbm4b:s9+s3], $0x100, $0x38;
	[tilespmem:$0x1D200] =	vst v63  }
0xce: {  	s15 =	simm.s32 $0x3C80  }
0xcf: {  	[tilespmem:s28], [sflag:$0x2] =	stream.indirect.gather [hbm4b:s5+s26], $0x80, s15, s26, $0xb8;
	[tilespmem:$0x1D200] =	vst v63  }
0xd0: {  	_ =	swait.ge [sflag:s29], $0x2800  }
0xd1: {  	[sflag:s29] =	ssyncset.done $0x0  }
0xd2: {  	[sflag:s29] =	ssyncadd.s32 $0xFFFFD800  }
0xd3: {  	[spmem:s2] =	stream.indirect.scatter.add.f32 [tilespmem:s22], [sflag:$0x4], $0x80, s24, s26, $0xb8;
	[tilespmem:$0x1D200] =	vst v63  }
0xd4: {  	_ =	swait.ge [sflag:s23], $0x2800  }
0xd5: {  	[sflag:s23] =	ssyncset.done $0x0  }
0xd6: {  	s16 =	simm.s32 $0x3D00;
	[sflag:s23] =	ssyncadd.s32 $0xFFFFD800  }
0xd7: {  	[tilespmem:s22], [sflag:$0x1] =	stream.indirect.gather [hbm4b:s5+s26], $0x80, s16, s26, $0xb8;
	[tilespmem:$0x1D200] =	vst v63  }
0xd8: {  	_ =	swait.ge [sflag:s30], $0x2800  }
0xd9: {  	[sflag:s30] =	ssyncset.done $0x0  }
0xda: {  	[sflag:s30] =	ssyncadd.s32 $0xFFFFD800  }
0xdb: {  	[spmem:s2] =	stream.indirect.scatter.add.f32 [tilespmem:s28], [sflag:$0x4], $0x80, s31, s26, $0xb8;
	[tilespmem:$0x1D200] =	vst v63  }
0xdc: {  	_ =	swait.ge [sflag:s23], $0x2800  }
0xdd: {  	[sflag:s23] =	ssyncset.done $0x0  }
0xde: {  	s11 =	simm.s32 $0x3D80;
	[sflag:s23] =	ssyncadd.s32 $0xFFFFD800  }
0xdf: {  	[tilespmem:s28], [sflag:$0x2] =	stream.indirect.gather [hbm4b:s5+s26], $0x80, s11, s26, $0xb8;
	[tilespmem:$0x1D200] =	vst v63  }
0xe0: {  	_ =	swait.ge [sflag:s0], $0x100  }
0xe1: {  	[sflag:s0] =	ssyncset.done $0x0  }
0xe2: {  	[sflag:s0] =	ssyncadd.s32 $0xFFFFFF00  }
0xe3: {  	[tilespmem:s24], [sflag:$0x3] =	stream.linear.gather [hbm4b:s20+s3], $0x100, $0x38;
	[tilespmem:$0x1D200] =	vst v63  }
0xe4: {  	_ =	swait.ge [sflag:s29], $0x2800  }
0xe5: {  	[sflag:s29] =	ssyncset.done $0x0  }
0xe6: {  	[sflag:s29] =	ssyncadd.s32 $0xFFFFD800  }
0xe7: {  	[spmem:s2] =	stream.indirect.scatter.add.f32 [tilespmem:s22], [sflag:$0x4], $0x80, s25, s26, $0xb8;
	[tilespmem:$0x1D200] =	vst v63  }
0xe8: {  	_ =	swait.ge [sflag:s23], $0x2800  }
0xe9: {  	[sflag:s23] =	ssyncset.done $0x0  }
0xea: {  	s12 =	simm.s32 $0x3E00;
	[sflag:s23] =	ssyncadd.s32 $0xFFFFD800  }
0xeb: {  	[tilespmem:s22], [sflag:$0x1] =	stream.indirect.gather [hbm4b:s5+s26], $0x80, s12, s26, $0xb8;
	[tilespmem:$0x1D200] =	vst v63  }
0xec: {  	_ =	swait.ge [sflag:s30], $0x2800  }
0xed: {  	[sflag:s30] =	ssyncset.done $0x0  }
0xee: {  	[sflag:s30] =	ssyncadd.s32 $0xFFFFD800  }
0xef: {  	[spmem:s2] =	stream.indirect.scatter.add.f32 [tilespmem:s28], [sflag:$0x4], $0x80, s1, s26, $0xb8;
	[tilespmem:$0x1D200] =	vst v63  }
0xf0: {  	_ =	swait.ge [sflag:s23], $0x2800  }
0xf1: {  	[sflag:s23] =	ssyncset.done $0x0  }
0xf2: {  	[sflag:s23] =	ssyncadd.s32 $0xFFFFD800  }
0xf3: {  	_ =	swait.ge [sflag:s0], $0x100  }
0xf4: {  	[sflag:s0] =	ssyncset.done $0x0  }
0xf5: {  	[sflag:s0] =	ssyncadd.s32 $0xFFFFFF00  }
0xf6: {  	[tilespmem:s25], [sflag:$0x3] =	stream.linear.gather [hbm4b:s21+s3], $0x100, $0x38;
	[tilespmem:$0x1D200] =	vst v63  }
0xf7: {  	_ =	swait.ge [sflag:s29], $0x2800  }
0xf8: {  	[sflag:s29] =	ssyncset.done $0x0  }
0xf9: {  	[sflag:s29] =	ssyncadd.s32 $0xFFFFD800  }
0xfa: {  	[spmem:s2] =	stream.indirect.scatter.add.f32 [tilespmem:s22], [sflag:$0x4], $0x80, s24, s26, $0xb8;
	[tilespmem:$0x1D200] =	vst v63  }
0xfb: {  	_ =	swait.ge [sflag:s23], $0x2800  }
0xfc: {  	[sflag:s23] =	ssyncset.done $0x0  }
0xfd: {  	[sflag:s23] =	ssyncadd.s32 $0xFFFFD800  }
0xfe: {  	_ =	swait.ge [sflag:s0], $0x100  }
0xff: {  	[sflag:s0] =	ssyncset.done $0x0  }
0x100: {  	s13 =	stileid.u32;
	[sflag:s0] =	ssyncadd.s32 $0xFFFFFF00  }
0x101: {  	s9 =	sshll.u32 s13, $0x6;
	[bflag:$0x0] =	sbarrier.arrive $0xFFFF  }
0x102: {  	s14 =	sshrl.u32 s10, $0x3;
	s9 =	sor.u32 $0x1C04, s9;
	s15 =	rddreg [dreg:$0x5]  }
0x103: {  	[hbm:s15], [sflag:s9] =	dma.local [spmem:s14], $0x2800  }
0x104: {  	_ =	swait.ge [sflag:s23], $0x2800  }
0x105: {  	s8 =	sadd.s32 $0x1, s8;
	s16 =	rddreg [dreg:$0x6]  }
0x106: {  	p0 =	sne.s32 s8, s16  }
.Ltmp2:
0x107: {  	_ = 	snop;
	(pc) =	sbr.rel @p0 .LBB2_1-.Ltmp2, $3  }
0x108: {  	_ =	sdelay $0x1  }
0x109: {  	[sflag:s23] =	ssyncset.done $0x0  }
0x10a: {  	[sflag:s23] =	ssyncadd.s32 $0xFFFFD800  }
0x10b: {  	_ =	sfence.sel $0x180000  }
0x10c: {  	[bflag:$0x0] =	sbarrier.arrive $0xFFFF  }
0x10d: {  	_ =	strace $0x9000004D  }
0x10e: {  	s0 =	stileid.u32;
	[bflag:$0x2] =	sbarrier.arrive $0xFFFF  }
0x10f: {  	p0 =	sne.s32 s0, $0x0;
	s0 =	rddreg [dreg:$0x2]  }
0x110: {  	s0 =	sadd.s32 @!p0 $0x100000, s0  }
0x111: {  	[sflag:s0] =	ssyncadd.tile.s32 @!p0 $0x1;
	_ =	shalt  }
.Lfunc_end2:
_tile_overlayer_lowered:
.L_overlay_start_2:
0x112: {  	(tag) =	ssettag $0x2  }
0x113: {  	s0 =	rddreg [dreg:$0x0];
	s2 =	stileid.u32  }
0x114: {  	s1 =	rddreg [dreg:$0x1];
	p0 =	sne.s32 s2, $0x0  }
0x115: {  	s3 =	rddreg [dreg:$0x2];
	[bflag:$0x3] =	sbarrier.arrive $0xFFFF;
	s2 =	simm.s32 @!p0 $0x1C04  }
0x116: {  	[timem:s3], [sflag:s2] =	dma.local @!p0 [hbm:s0], s1  }
0x117: {  	s0 =	simm.s32 @!p0 $0x4  }
0x118: {  	_ =	swait.ge @!p0 [sflag:s0], s1  }
0x119: {  	s1 =	ssub.s32 @!p0 $0x0, s1;
	[sflag:s0] =	ssyncset.done @!p0 $0x0  }
0x11a: {  	[sflag:s0] =	ssyncadd.s32 @!p0 s1  }
0x11b: {  	[bflag:$0x3] =	sbarrier.arrive $0xFFFF  }
0x11c: {  	_ =	shalt  }

// kernel: kernel.8.cloned.1.call-start
scs
__scs_entry_jumppad:
0x0: {  	(pc) =	sbr.rel $0x88, $3  }
0x1: {  	(tag) =	ssettag $0x0;
	lr =	simm.s32 $0x1  }
0x2: {  	[smem:$0x3F95] =	sst lr;
	_ =	strace $0xD0000000  }
0x3: {  	_ = 	snop  }
0x4: {  	_ = 	snop  }
0x5: {  	_ = 	snop  }
0x6: {  	_ = 	snop  }
0x7: {  	_ = 	snop  }
__scs_overlays_trampoline_lowered:
0x8: {  	[smem:$0x3FA4] =	sst s0  }
0x9: {  	[smem:$0x3FA5] =	sst s1  }
0xa: {  	[smem:$0x3FA6] =	sst s2  }
0xb: {  	[smem:$0x3FA7] =	sst s3  }
0xc: {  	[smem:$0x3FA8] =	sst s4  }
0xd: {  	[smem:$0x3FA9] =	sst s5  }
0xe: {  	[smem:$0x3FAA] =	sst s6  }
0xf: {  	[smem:$0x3FAB] =	sst s7  }
0x10: {  	[smem:$0x3FAC] =	sst s8  }
0x11: {  	[smem:$0x3FAD] =	sst s9;
	s0 =	simm.s32 @!p0 $0x0  }
0x12: {  	s1 =	sld [smem:$0x3F93];
	s0 =	simm.s32 @p0 $0x1  }
0x13: {  	[smem:$0x3FAE] =	sst s0;
	s0 =	simm.s32 @!p1 $0x0  }
0x14: {  	s2 =	sld [smem:$0x3F92];
	s0 =	simm.s32 @p1 $0x1  }
0x15: {  	[smem:$0x3FAF] =	sst s0;
	s0 =	simm.s32 @!p2 $0x0  }
0x16: {  	s3 =	sld [smem:$0x3FDB];
	s0 =	simm.s32 @p2 $0x1  }
0x17: {  	s4 =	simm.s32 $0x1BF5;
	[smem:$0x3FB1] =	sst s0  }
0x18: {  	s0 =	sld [smem:$0x3F94];
	_ =	swait.ge [sflag:s4], $0x0  }
0x19: {  	s7 =	sld [smem:$0x3F95]  }
0x1a: {  	s8 =	sadd.s32 $0xFFFFE003, lr  }
0x1b: {  	s9 =	sadd.s32 $0xFFFFFEF7, lr;
	s5 =	simm.s32 $0xFFFFFFFF;
	p2 =	slt.u32 s8, $0xFFFFF086  }
0x1c: {  	p1 =	slt.u32 s9, $0xF7A;
	s5 =	simm.s32 @!p2 $0x0  }
0x1d: {  	s5 =	simm.s32 @p1 $0x1;
	p0 =	seq.s32 s7, s2  }
0x1e: {  	s7 =	smul.u32 @!p0 $0xF7A, s2;
	p2 =	seq.s32 @!p0 s5, $0x0  }
0x1f: {  	s9 =	smul.u32 $0xF7A, s1;
	s8 =	simm.s32 @!p0 $0x1BF5;
	p2 =	por !p2, p0  }
0x20: {  	[sflag:s8] =	ssyncset.s32 @!p0 $0xFFFFF086;
	s6 =	sadd.s32 @!p0 s3, s7;
	s7 =	simm.s32 @!p0 $0x108  }
0x21: {  	s3 =	sadd.s32 s3, s9;
	s6 =	sadd.s32 @!p0 $0x88, s6;
	s7 =	simm.s32 @p2 $0x1082  }
0x22: {  	[simem:s7], [sflag:s8] =	dma.local @!p0 [hbm:s6], $0xF7A  }
0x23: {  	s9 =	sor.u32 $0xD0000000, s2;
	s6 =	simm.s32 $0x108;
	_ =	swait.ge @!p0 [sflag:s8], $0x0  }
0x24: {  	s3 =	sadd.s32 $0x88, s3;
	s6 =	simm.s32 @!p1 $0x1082;
	[sflag:s4] =	ssyncset.s32 $0xFFFFF086  }
0x25: {  	[simem:s6], [sflag:s4] =	dma.local [hbm:s3], $0xF7A  }
0x26: {  	[smem:$0x3F95] =	sst s1;
	(tag) =	ssettag s2;
	_ =	strace s9  }
0x27: {  	s1 =	sld [smem:$0x3FA5]  }
0x28: {  	s2 =	sld [smem:$0x3FA6]  }
0x29: {  	s4 =	sld [smem:$0x3FA8]  }
0x2a: {  	p0 =	seq.s32 s5, $0x0;
	s5 =	sld [smem:$0x3FA9]  }
0x2b: {  	s6 =	sld [smem:$0x3FAA]  }
0x2c: {  	s7 =	sld [smem:$0x3FAB]  }
0x2d: {  	s3 =	simm.s32 $0x108;
	s8 =	sld [smem:$0x3FAC]  }
0x2e: {  	s3 =	simm.s32 @!p0 $0x1082;
	s9 =	sld [smem:$0x3FAD]  }
0x2f: {  	lr =	sadd.s32 s0, s3;
	s0 =	sld [smem:$0x3FA4]  }
0x30: {  	s3 =	sld [smem:$0x3FA7]  }
0x31: {  	[smem:$0x3FB0] =	sst s10  }
0x32: {  	s10 =	sld [smem:$0x3FAE];
	_ =	sdelay $0x3  }
0x33: {  	p0 =	seq.s32 s10, $0x1;
	s10 =	sld [smem:$0x3FB0];
	_ =	sdelay $0x3  }
0x34: {  	[smem:$0x3FB0] =	sst s10  }
0x35: {  	s10 =	sld [smem:$0x3FAF];
	_ =	sdelay $0x3  }
0x36: {  	p1 =	seq.s32 s10, $0x1;
	s10 =	sld [smem:$0x3FB0];
	_ =	sdelay $0x3  }
0x37: {  	[smem:$0x3FB0] =	sst s10  }
0x38: {  	s10 =	sld [smem:$0x3FB1]  }
0x39: {  	_ = 	snop;
	(pc) =	sbr.ind lr, $3  }
0x3a: {  	_ = 	snop  }
0x3b: {  	_ = 	snop  }
0x3c: {  	p2 =	seq.s32 s10, $0x1;
	s10 =	sld [smem:$0x3FB0]  }
0x3d: {  	_ =	shalt  }
0x3e: {  	_ =	shalt  }
0x3f: {  	_ =	shalt  }
0x40: {  	_ =	shalt  }
0x41: {  	_ =	shalt  }
0x42: {  	_ =	shalt  }
0x43: {  	_ =	shalt  }
0x44: {  	_ =	shalt  }
0x45: {  	_ =	shalt  }
0x46: {  	_ =	shalt  }
0x47: {  	_ =	shalt  }
0x48: {  	_ =	shalt  }
0x49: {  	_ =	shalt  }
0x4a: {  	_ =	shalt  }
0x4b: {  	_ =	shalt  }
0x4c: {  	_ =	shalt  }
0x4d: {  	_ =	shalt  }
0x4e: {  	_ =	shalt  }
0x4f: {  	_ =	shalt  }
0x50: {  	_ =	shalt  }
0x51: {  	_ =	shalt  }
0x52: {  	_ =	shalt  }
0x53: {  	_ =	shalt  }
0x54: {  	_ =	shalt  }
0x55: {  	_ =	shalt  }
0x56: {  	_ =	shalt  }
0x57: {  	_ =	shalt  }
0x58: {  	_ =	shalt  }
0x59: {  	_ =	shalt  }
0x5a: {  	_ =	shalt  }
0x5b: {  	_ =	shalt  }
0x5c: {  	_ =	shalt  }
0x5d: {  	_ =	shalt  }
0x5e: {  	_ =	shalt  }
0x5f: {  	_ =	shalt  }
0x60: {  	_ =	shalt  }
0x61: {  	_ =	shalt  }
0x62: {  	_ =	shalt  }
0x63: {  	_ =	shalt  }
0x64: {  	_ =	shalt  }
0x65: {  	_ =	shalt  }
0x66: {  	_ =	shalt  }
0x67: {  	_ =	shalt  }
0x68: {  	_ =	shalt  }
0x69: {  	_ =	shalt  }
0x6a: {  	_ =	shalt  }
0x6b: {  	_ =	shalt  }
0x6c: {  	_ =	shalt  }
0x6d: {  	_ =	shalt  }
0x6e: {  	_ =	shalt  }
0x6f: {  	_ =	shalt  }
0x70: {  	_ =	shalt  }
0x71: {  	_ =	shalt  }
0x72: {  	_ =	shalt  }
0x73: {  	_ =	shalt  }
0x74: {  	_ =	shalt  }
0x75: {  	_ =	shalt  }
0x76: {  	_ =	shalt  }
0x77: {  	_ =	shalt  }
0x78: {  	_ =	shalt  }
0x79: {  	_ =	shalt  }
0x7a: {  	_ =	shalt  }
0x7b: {  	_ =	shalt  }
0x7c: {  	_ =	shalt  }
0x7d: {  	_ =	shalt  }
0x7e: {  	_ =	shalt  }
0x7f: {  	_ =	shalt  }
0x80: {  	_ =	shalt  }
0x81: {  	_ =	shalt  }
0x82: {  	_ =	shalt  }
0x83: {  	_ =	shalt  }
0x84: {  	_ =	shalt  }
0x85: {  	_ =	shalt  }
0x86: {  	_ =	shalt  }
0x87: {  	_ =	shalt  }
.Lfunc_end0:
.L_simem_size_0:
called_computation_lowered:
.L_overlay_start_0:
0x88: {  	s2 =	sld [smem:$0x3FD9]  }
0x89: {  	s3 =	sld [smem:$0x3FFE];
	_ =	sdelay $0x1  }
0x8a: {  	s1 =	srdreg.scid  }
0x8b: {  	s0 =	sand.u32 $0x1, s1  }
0x8c: {  	s16 =	sshll.u32 s0, $0xA;
	s2 =	sadd.s32 s3, s2  }
0x8d: {  	s2 =	sadd.s32 s2, s16  }
0x8e: {  	[smem:$0x3FBC] =	sst s2  }
0x8f: {  	_ = 	snop  }
0x90: {  	(tm) =	ssettm $0x1  }
0x91: {  	s17 =	sld [smem:$0x3FFB];
	_ =	sdelay $0x3  }
0x92: {  	_ =	strace s17  }
0x93: {  	s2 =	sld [smem:$0x3FFC];
	_ =	sdelay $0x3  }
0x94: {  	_ =	strace s2  }
0x95: {  	s2 =	sld [smem:$0x3FFD];
	_ =	sdelay $0x3  }
0x96: {  	_ =	strace s2  }
0x97: {  	_ =	strace $0x8FFFFFFF  }
0x98: {  	s18 =	sld [smem:$0x3FDB];
	_ =	sdelay $0x1  }
0x99: {  	s19 =	simm.s32 $_scs_section_size  }
0x9a: {  	s4 =	simm.s32 $_size__tile_overlayer_lowered;
	s5 =	simm.s32 $_tile_overlayer_lowered  }
0x9b: {  	s22 =	simm.s32 $0x1BFF;
	s21 =	sshll.u32 s5, $0x1;
	s2 =	sadd.s32 s19, s18  }
0x9c: {  	s6 =	simm.s32 $0x0;
	s20 =	sshll.u32 s4, $0x1;
	s4 =	sadd.s32 s21, s2  }
0x9d: {  	[timem:s6], [sflag:s22] =	dma.local [hbm:s4], s20  }
0x9e: {  	_ =	swait.ge [sflag:s22], s20  }
0x9f: {  	s3 =	ssub.s32 $0x0, s20;
	[sflag:s22] =	ssyncset.done $0x0  }
0xa0: {  	[sflag:s22] =	ssyncadd.s32 s3;
	_ =	sdelay $0x1  }
0xa1: {  	s23 =	simm.s32 $0x1B8B  }
0xa2: {  	_ =	swait.ge [sflag:s23], $0x1  }
0xa3: {  	[sflag:s23] =	ssyncset.done $0x0  }
0xa4: {  	s25 =	simm.s32 $0x1B8E;
	s24 =	sld [smem:$0x3FFE];
	[sflag:s23] =	ssyncadd.s32 $0xFFFFFFFF  }
0xa5: {  	s26 =	simm.s32 $execute0_lowered;
	[smem:$0x3FD2] =	sst s25  }
0xa6: {  	s4 =	sshll.u32 s26, $0x1;
	_ =	strace $0x80000046;
	[dreg:$0x1] =	wrdreg $0xFFFFFFFF  }
0xa7: {  	s28 =	simm.s32 $_size_execute0_lowered;
	s2 =	sadd.s32 s2, s4;
	[dreg:$0x0] =	wrdreg $0x0  }
0xa8: {  	s4 =	sshll.u32 s28, $0x1;
	[dreg:$0x2] =	wrdreg s2  }
0xa9: {  	[dreg:$0x3] =	wrdreg s4  }
0xaa: {  	[dreg:$0x4] =	wrdreg $0xC0  }
0xab: {  	_ =	task [dreg:s6], $0x5FFFF  }
0xac: {  	[dreg:$0x1] =	wrdreg $0xFFFFFFFF  }
0xad: {  	[dreg:$0x0] =	wrdreg $0x60  }
0xae: {  	[dreg:$0x2] =	wrdreg s24  }
0xaf: {  	[dreg:$0x3] =	wrdreg $0x68000  }
0xb0: {  	[dreg:$0x4] =	wrdreg $0x9  }
0xb1: {  	_ =	task.clear_ibuf [dreg:s6], $0x5FFFF;
	_ =	strace $0x90000046  }
0xb2: {  	s29 =	simm.s32 $0x9;
	_ =	strace $0x80000048  }
0xb3: {  	_ =	swait.ge [sflag:s29], $0x1  }
0xb4: {  	[sflag:s29] =	ssyncadd.s32 $0xFFFFFFFF  }
0xb5: {  	_ =	strace $0x90000048  }
0xb6: {  	_ =	sfence  }
0xb7: {  	s30 =	sld [smem:$0x0];
	_ =	sdelay $0x2  }
0xb8: {  	s31 =	sshll.u32 s1, $0xD;
	s1 =	sshrl.u32 s1, $0x2  }
0xb9: {  	s3 =	sand.u32 $0x4000, s31;
	s1 =	sadd.s32 s1, s30  }
0xba: {  	s0 =	sor.u32 s3, s0;
	s1 =	sshll.u32 s1, $0x11  }
0xbb: {  	s0 =	sor.u32 s1, s0  }
0xbc: {  	s0 =	sadd.s32 $0x8F2B, s0  }
0xbd: {  	[sflag:s0] =	ssyncadd.remote.s32 $0x1  }
0xbe: {  	_ =	sfence.sel $0xFFFF  }
0xbf: {  	[dreg:$0x0] =	wrdreg $0xFFFFFFFF;
	(pc) =	sbr.abs _section_cstart, $3  }
0xc0: {  	[dreg:$0x1] =	wrdreg $0xFFFFFFFF  }
0xc1: {  	_ =	task.clear_ibuf [dreg:s6], $0x2FFFF;
	_ =	strace $0x9FFFFFFF  }
0xc2: {  	(tm) =	ssettm $0x7FFFFFFF  }
0xc3: {  	_ =	shalt  }
tec
execute0_lowered:
.L_overlay_start_1:
0x0: {  	(tag) =	ssettag $0x1  }
0x1: {  	s4 =	rddreg [dreg:$0x0];
	s0 =	srdreg.scid  }
0x2: {  	s2 =	rddreg [dreg:$0x1];
	s1 =	stileid.u32;
	s3 =	simm.s32 $0x0  }
0x3: {  	s15 =	simm.s32 $0x4000;
	s16 =	simm.s32 $0x1;
	s17 =	simm.s32 $0x50  }
0x4: {  	s5 =	sand.u32 $0x1, s0;
	s0 =	rddreg [dreg:$0x2];
	s7 =	smul.u32 $0x14000, s1  }
0x5: {  	s20 =	simm.s32 $0x0;
	[smem:$0x7FF] =	sst s3;
	s9 =	smul.u32 $0x50000, s1  }
0x6: {  	s8 =	sshll.u32 s1, $0xB;
	s18 =	sshll.u32 s1, $0x6;
	s6 =	smul.u32 $0x140000, s5  }
0x7: {  	_ =	strace $0x80000047;
	s8 =	sadd.s32 s8, s4;
	s28 =	ssub.s32 $0x2, s5  }
0x8: {  	s5 =	sshll.u32 s5, $0xF;
	s18 =	sor.u32 $0x1C01, s18;
	s6 =	sadd.s32 s7, s6  }
0x9: {  	s29 =	sshrl.u32 s28, $0x1;
	s30 =	sadd.s32 s5, s8;
	s6 =	sshrl.u32 s6, $0x3  }
0xa: {  	s31 =	sshrl.u32 s9, $0x2;
	s7 =	ssub.s32 s28, s29;
	s6 =	sadd.s32 s6, s4  }
0xb: {  	s7 =	smax.u32 s7, $0x1;
	s5 =	sadd.s32 $0x13200, s6;
	s6 =	sadd.s32 s31, s2  }
0xc: {  	s4 =	sadd.s32 $0x3200, s30;
	s8 =	sadd.s32 $0x2800, s6;
	s9 =	sadd.s32 $0x5000, s6  }
0xd: {  	s10 =	sadd.s32 $0x7800, s6;
	s11 =	sadd.s32 $0xA000, s6;
	s12 =	sadd.s32 $0xC800, s6  }
0xe: {  	v0 =	vimm.f32 $0.0e+00;
	v1 =	vimm.f32 $1.000000000e+00;
	s13 =	sadd.s32 $0xF000, s6;
	s14 =	sadd.s32 $0x11800, s6;
	s19 =	sshrl.u32 s6, $0x3  }
.LBB2_1:
0xf: {  	s21 =	sand.u32 $0xFE00, s3  }
0x10: {  	s22 =	sand.u32 $0x70, s3;
	s23 =	sshrl.u32 s21, $0x2  }
0x11: {  	s21 =	simm.s32 $0x40;
	s23 =	sor.u32 s22, s23;
	s22 =	simm.s32 $0x0  }
.LBB2_2:
0x12: {  	p0 =	sne.s32 s21, $0x9FC0  }
0x13: {  	[tilespmem:s23+$0x4000] =	vst v0;
	s22 =	sadd.s32 $0x10, s22;
	s23 =	smov.u32 s21;
	s21 =	sadd.s32 $0x40, s21  }
.Ltmp0:
0x14: {  	(pc) =	sbr.rel @p0 .LBB2_2-.Ltmp0, $4  }
0x15: {  	_ = 	snop  }
0x16: {  	s23 =	sand.u32 $0xFE00, s23  }
0x17: {  	s24 =	sand.u32 $0x70, s22;
	s23 =	sshrl.u32 s23, $0x2  }
0x18: {  	s23 =	sor.u32 s24, s23  }
0x19: {  	[tilespmem:s23+$0x4000] =	vst v0  }
0x1a: {  	[spmem:s6] =	stream.linear.scatter [tilespmem:s15], [sflag:$0x1], $0x2800, $0x38;
	[tilespmem:$0x1A800] =	vst v63  }
0x1b: {  	_ =	swait.ge [sflag:s16], $0x2800  }
0x1c: {  	[sflag:s16] =	ssyncset.done $0x0  }
0x1d: {  	[sflag:s16] =	ssyncadd.s32 $0xFFFFD800  }
0x1e: {  	[spmem:s8] =	stream.linear.scatter [tilespmem:s15], [sflag:$0x1], $0x2800, $0x38;
	[tilespmem:$0x1A800] =	vst v63  }
0x1f: {  	_ =	swait.ge [sflag:s16], $0x2800  }
0x20: {  	[sflag:s16] =	ssyncset.done $0x0  }
0x21: {  	[sflag:s16] =	ssyncadd.s32 $0xFFFFD800  }
0x22: {  	[spmem:s9] =	stream.linear.scatter [tilespmem:s15], [sflag:$0x1], $0x2800, $0x38;
	[tilespmem:$0x1A800] =	vst v63  }
0x23: {  	_ =	swait.ge [sflag:s16], $0x2800  }
0x24: {  	[sflag:s16] =	ssyncset.done $0x0  }
0x25: {  	[sflag:s16] =	ssyncadd.s32 $0xFFFFD800  }
0x26: {  	[spmem:s10] =	stream.linear.scatter [tilespmem:s15], [sflag:$0x1], $0x2800, $0x38;
	[tilespmem:$0x1A800] =	vst v63  }
0x27: {  	_ =	swait.ge [sflag:s16], $0x2800  }
0x28: {  	[sflag:s16] =	ssyncset.done $0x0  }
0x29: {  	[sflag:s16] =	ssyncadd.s32 $0xFFFFD800  }
0x2a: {  	[spmem:s11] =	stream.linear.scatter [tilespmem:s15], [sflag:$0x1], $0x2800, $0x38;
	[tilespmem:$0x1A800] =	vst v63  }
0x2b: {  	_ =	swait.ge [sflag:s16], $0x2800  }
0x2c: {  	[sflag:s16] =	ssyncset.done $0x0  }
0x2d: {  	[sflag:s16] =	ssyncadd.s32 $0xFFFFD800  }
0x2e: {  	[spmem:s12] =	stream.linear.scatter [tilespmem:s15], [sflag:$0x1], $0x2800, $0x38;
	[tilespmem:$0x1A800] =	vst v63  }
0x2f: {  	_ =	swait.ge [sflag:s16], $0x2800  }
0x30: {  	[sflag:s16] =	ssyncset.done $0x0  }
0x31: {  	[sflag:s16] =	ssyncadd.s32 $0xFFFFD800  }
0x32: {  	[spmem:s13] =	stream.linear.scatter [tilespmem:s15], [sflag:$0x1], $0x2800, $0x38;
	[tilespmem:$0x1A800] =	vst v63  }
0x33: {  	_ =	swait.ge [sflag:s16], $0x2800  }
0x34: {  	[sflag:s16] =	ssyncset.done $0x0  }
0x35: {  	[sflag:s16] =	ssyncadd.s32 $0xFFFFD800  }
0x36: {  	[spmem:s14] =	stream.linear.scatter [tilespmem:s15], [sflag:$0x1], $0x2800, $0x38;
	[tilespmem:$0x1A800] =	vst v63  }
0x37: {  	s21 =	simm.s32 $0x0;
	_ =	swait.ge [sflag:s16], $0x2800  }
0x38: {  	s22 =	sand.u32 $0xFE00, s21;
	[sflag:s16] =	ssyncset.done $0x0  }
0x39: {  	s31 =	sand.u32 $0x70, s21;
	s24 =	sshrl.u32 s22, $0x2;
	[sflag:s16] =	ssyncadd.s32 $0xFFFFD800  }
0x3a: {  	s22 =	simm.s32 $0x40;
	s23 =	sor.u32 s31, s24;
	[bflag:$0x0] =	sbarrier.arrive $0xFFFF  }
.LBB2_4:
0x3b: {  	p0 =	sne.s32 s22, $0x9FC0  }
0x3c: {  	[tilespmem:s23+$0x4000] =	vst v1;
	s21 =	sadd.s32 $0x10, s21;
	s23 =	smov.u32 s22;
	s22 =	sadd.s32 $0x40, s22  }
.Ltmp1:
0x3d: {  	(pc) =	sbr.rel @p0 .LBB2_4-.Ltmp1, $4  }
0x3e: {  	_ = 	snop  }
0x3f: {  	s23 =	sand.u32 $0xFE00, s23  }
0x40: {  	s24 =	sand.u32 $0x70, s21;
	s23 =	sshrl.u32 s23, $0x2  }
0x41: {  	s23 =	sor.u32 s24, s23  }
0x42: {  	[tilespmem:s23+$0x4000] =	vst v1;
	s21 =	simm.s32 $0x0  }
0x43: {  	[tilespmem:s21], [sflag:$0x1] =	stream.linear.gather [hbm4b:s4+s21], $0x3E80, $0x38;
	[tilespmem:$0x1A800] =	vst v63  }
0x44: {  	_ =	swait.ge [sflag:s16], $0x3E80  }
0x45: {  	[sflag:s16] =	ssyncset.done $0x0  }
0x46: {  	s31 =	simm.s32 $0x0;
	[sflag:s16] =	ssyncadd.s32 $0xFFFFC180  }
0x47: {  	[spmem:s2] =	stream.indirect.scatter.add.f32 [tilespmem:s15], [sflag:$0x1], $0x80, s31, s17, $0xb8;
	[tilespmem:$0x1A800] =	vst v63  }
0x48: {  	_ =	swait.ge [sflag:s16], $0x2800  }
0x49: {  	s21 =	simm.s32 $0x200;
	[sflag:s16] =	ssyncset.done $0x0  }
.LBB2_6:
0x4a: {  	s22 =	sshra.s32 s21, $0x2;
	[sflag:s16] =	ssyncadd.s32 $0xFFFFD800;
	p0 =	sne.s32 s21, $0xF800  }
0x4b: {  	[spmem:s2] =	stream.indirect.scatter.add.f32 [tilespmem:s15], [sflag:$0x1], $0x80, s22, s17, $0xb8;
	[tilespmem:$0x1A800] =	vst v63  }
.Ltmp2:
0x4c: {  	_ = 	snop;
	(pc) =	sbr.rel @p0 .LBB2_6-.Ltmp2, $4  }
0x4d: {  	_ = 	snop  }
0x4e: {  	s21 =	sadd.s32 $0x200, s21  }
0x4f: {  	_ =	swait.ge [sflag:s16], $0x2800  }
0x50: {  	[sflag:s16] =	ssyncset.done $0x0  }
0x51: {  	s20 =	sadd.s32 $0x1, s20  }
0x52: {  	[sflag:s16] =	ssyncadd.s32 $0xFFFFD800;
	p0 =	sne.s32 s20, s7  }
.Ltmp3:
0x53: {  	[bflag:$0x0] =	sbarrier.arrive $0xFFFF;
	(pc) =	sbr.rel @p0 .LBB2_1-.Ltmp3, $4  }
0x54: {  	[hbm:s5], [sflag:s18] =	dma.local [spmem:s19], $0x2800  }
0x55: {  	_ =	swait.ge [sflag:s16], $0x2800  }
0x56: {  	[sflag:s16] =	ssyncset.done $0x0  }
0x57: {  	[sflag:s16] =	ssyncadd.s32 $0xFFFFD800  }
0x58: {  	_ =	sfence.sel $0x180000  }
0x59: {  	[bflag:$0x0] =	sbarrier.arrive $0xFFFF  }
0x5a: {  	p0 =	sne.s32 s1, $0x0;
	_ =	strace $0x90000047  }
0x5b: {  	s0 =	sadd.s32 @!p0 $0x100000, s0;
	[bflag:$0x2] =	sbarrier.arrive $0xFFFF  }
0x5c: {  	[sflag:s0] =	ssyncadd.tile.s32 @!p0 $0x1;
	_ =	shalt  }
.Lfunc_end2:
_tile_overlayer_lowered:
.L_overlay_start_2:
0x5d: {  	(tag) =	ssettag $0x2  }
0x5e: {  	s0 =	rddreg [dreg:$0x0];
	s2 =	stileid.u32  }
0x5f: {  	s1 =	rddreg [dreg:$0x1];
	p0 =	sne.s32 s2, $0x0  }
0x60: {  	s3 =	rddreg [dreg:$0x2];
	[bflag:$0x3] =	sbarrier.arrive $0xFFFF;
	s2 =	simm.s32 @!p0 $0x1C01  }
0x61: {  	[timem:s3], [sflag:s2] =	dma.local @!p0 [hbm:s0], s1  }
0x62: {  	s0 =	simm.s32 @!p0 $0x1  }
0x63: {  	_ =	swait.ge @!p0 [sflag:s0], s1  }
0x64: {  	s1 =	ssub.s32 @!p0 $0x0, s1;
	[sflag:s0] =	ssyncset.done @!p0 $0x0  }
0x65: {  	[sflag:s0] =	ssyncadd.s32 @!p0 s1  }
0x66: {  	[bflag:$0x3] =	sbarrier.arrive $0xFFFF  }
0x67: {  	_ =	shalt  }

</sc_bundles>
